<compile_context>
chip_gen: v7x
topology: tpu7x:2x2x1
jax: 0.10.2.dev20260603
libtpu: 0.0.44.dev20260713+nightly
codegen_flags: <defaults>
</compile_context>

<pallas_src>
import jax
import jax.numpy as jnp
from jax import lax
from jax.experimental import pallas as pl
from jax.experimental.pallas import tpu as pltpu
from jax.experimental.pallas import tpu_sc as plsc

N_NODES = 50000
E = 400000
D = 16
NC, NS = 2, 16
NW = NC * NS
SL = 128
SLC = 7
CHUNK = SL * SLC
NCH = 7
PER_W = CHUNK * NCH
E_HALF = NW * PER_W
E_PAD = 2 * E_HALF
TPA = 3136
ACC_N = NS * TPA
ROWS_PER_W = PER_W // SL
HALF_ROWS = E_HALF // SL


def _gather_body(half, x_hbm, src_hbm, xsrc_hbm, idx_v, rows_v, sem):
    c = lax.axis_index("c")
    s = lax.axis_index("s")
    wid = s * NC + c

    def body(k, carry):
        rel = wid * ROWS_PER_W + k * SLC
        pltpu.sync_copy(src_hbm.at[pl.ds(half * HALF_ROWS + rel, SLC)], idx_v)
        descs = []
        for j in range(SLC):
            descs.append(pltpu.async_copy(
                x_hbm.at[idx_v.at[j]], rows_v.at[pl.ds(j * SL, SL)], sem))
        for dsc in descs:
            dsc.wait()
        pltpu.sync_copy(rows_v, xsrc_hbm.at[pl.ds(rel * SL, CHUNK)])
        return carry

    lax.fori_loop(0, NCH, body, 0)


def _scatter_body(half, dst_hbm, msg_hbm, part_hbm, idx_v, rows_v, zbuf, acc):
    c = lax.axis_index("c")
    s = lax.axis_index("s")

    def zrow(i, carry):
        zbuf[i, :] = jnp.zeros((D,), jnp.float32)
        return carry

    lax.fori_loop(0, TPA // 16, zrow, 0)

    def zcopy(m, carry):
        pltpu.sync_copy(zbuf, acc.at[pl.ds(s * TPA + m * (TPA // 16), TPA // 16)])
        return carry

    lax.fori_loop(0, 16, zcopy, 0)
    plsc.subcore_barrier()

    wid = c * NS + s

    def body(k, carry):
        rel = wid * ROWS_PER_W + k * SLC
        pltpu.sync_copy(dst_hbm.at[pl.ds(half * HALF_ROWS + rel, SLC)], idx_v)
        pltpu.sync_copy(msg_hbm.at[pl.ds(rel * SL, CHUNK)], rows_v)
        for j in range(SLC):
            pltpu.sync_copy(rows_v.at[pl.ds(j * SL, SL)],
                            acc.at[idx_v.at[j]], add=True)
        return carry

    lax.fori_loop(0, NCH, body, 0)

    plsc.subcore_barrier()
    pltpu.sync_copy(acc.at[pl.ds(s * TPA, TPA)],
                    part_hbm.at[c].at[pl.ds(s * TPA, TPA)])


TEW = 512


def _msg_body(xw_ref, eat_ref, r_ref, s_ref, w2_ref, b_ref, out_ref):
    xw = xw_ref[...].astype(jnp.bfloat16)
    eat = eat_ref[...].astype(jnp.bfloat16)
    ea_n = jax.lax.dot_general(eat, s_ref[...], (((0,), (0,)), ((), ())),
                               preferred_element_type=jnp.float32)
    ar = ea_n.reshape(TEW, 2048)
    xr = jnp.dot(xw, r_ref[...], preferred_element_type=jnp.float32)
    t = (xr * ar).astype(jnp.bfloat16)
    out_ref[...] = (jnp.dot(t, w2_ref[...], preferred_element_type=jnp.float32)
                    + jnp.dot(xw, b_ref[...], preferred_element_type=jnp.float32))


TNW = 392


def _comb_body(pa_ref, pb_ref, x_ref, rwt_ref, rb_ref, out_ref):
    root = jnp.dot(x_ref[...].astype(jnp.bfloat16), rwt_ref[...],
                   preferred_element_type=jnp.float32)
    out_ref[...] = (pa_ref[0] + pa_ref[1] + pb_ref[0] + pb_ref[1]
                    + root + rb_ref[0:1, :])


def kernel(x, edge_index, edge_attr, root_w, root_b, edge_w, edge_b):
    x = x.astype(jnp.float32)
    src = edge_index[0].astype(jnp.int32)
    dst = edge_index[1].astype(jnp.int32)
    pad = E_PAD - E
    pad_ids = jnp.arange(pad, dtype=jnp.int32)
    src_p = jnp.concatenate([src, pad_ids % N_NODES])
    dst_p = jnp.concatenate([dst, N_NODES + pad_ids % (ACC_N - N_NODES)])
    src2d = src_p.reshape(E_PAD // SL, SL)
    dst2d = dst_p.reshape(E_PAD // SL, SL)

    mesh = plsc.VectorSubcoreMesh(core_axis_name="c", subcore_axis_name="s",
                                  num_cores=NC, num_subcores=NS)
    sc_params = pltpu.CompilerParams(use_tc_tiling_on_sc=False)

    def make_gather(half):
        return pl.kernel(
            lambda *a: _gather_body(half, *a),
            out_type=jax.ShapeDtypeStruct((E_HALF, D), jnp.float32),
            mesh=mesh,
            compiler_params=sc_params,
            scratch_types=[
                pltpu.VMEM((SLC, SL), jnp.int32),
                pltpu.VMEM((CHUNK, D), jnp.float32),
                pltpu.SemaphoreType.DMA,
            ],
        )

    def make_scatter(half):
        return pl.kernel(
            lambda *a: _scatter_body(half, *a),
            out_type=jax.ShapeDtypeStruct((NC, ACC_N, D), jnp.float32),
            mesh=mesh,
            compiler_params=sc_params,
            scratch_types=[
                pltpu.VMEM((SLC, SL), jnp.int32),
                pltpu.VMEM((CHUNK, D), jnp.float32),
                pltpu.VMEM((TPA // 16, D), jnp.float32),
                pltpu.VMEM_SHARED((ACC_N, D), jnp.float32),
            ],
        )

    eat = edge_attr.T

    eye = jnp.eye(D, dtype=jnp.float32)
    eye8 = jnp.eye(8, dtype=jnp.float32)
    r_mat = jnp.kron(eye, jnp.ones((1, D), jnp.float32))
    s_mat = jnp.tile(eye, (1, D))
    w2 = edge_w.reshape(D, D, D).transpose(1, 2, 0).reshape(D * D, D)
    b_mat = edge_b.reshape(D, D).T
    bd_r = jnp.kron(eye8, r_mat).astype(jnp.bfloat16)
    bd_w2 = jnp.kron(eye8, w2).astype(jnp.bfloat16)
    bd_b = jnp.kron(eye8, b_mat).astype(jnp.bfloat16)
    s_bf = s_mat.astype(jnp.bfloat16)

    def msg_half(xw_h, half):
        base = half * (E_HALF // 8 // TEW)
        return pl.pallas_call(
            _msg_body,
            grid=(E_HALF // 8 // TEW,),
            in_specs=[
                pl.BlockSpec((TEW, 128), lambda i: (i, 0)),
                pl.BlockSpec((D, TEW * 8), lambda i, b=base: (0, i + b)),
                pl.BlockSpec((128, 2048), lambda i: (0, 0)),
                pl.BlockSpec((D, D * D), lambda i: (0, 0)),
                pl.BlockSpec((2048, 128), lambda i: (0, 0)),
                pl.BlockSpec((128, 128), lambda i: (0, 0)),
            ],
            out_specs=pl.BlockSpec((TEW, 128), lambda i: (i, 0)),
            out_shape=jax.ShapeDtypeStruct((E_HALF // 8, 128), jnp.float32),
        )(xw_h, eat, bd_r, s_bf, bd_w2, bd_b)

    x_src0 = make_gather(0)(x, src2d)
    x_src1 = make_gather(1)(x, src2d)
    msg0 = msg_half(x_src0.reshape(E_HALF // 8, 128), 0)
    msg1 = msg_half(x_src1.reshape(E_HALF // 8, 128), 1)
    parts0 = make_scatter(0)(dst2d, msg0.reshape(E_HALF, D))
    parts1 = make_scatter(1)(dst2d, msg1.reshape(E_HALF, D))

    parts0_w = parts0.reshape(NC, ACC_N * D // 128, 128)
    parts1_w = parts1.reshape(NC, ACC_N * D // 128, 128)
    xw8 = x.reshape(N_NODES * D // 128, 128)
    bd_rwt = jnp.kron(eye8, root_w.T).astype(jnp.bfloat16)
    rbw = jnp.broadcast_to(jnp.tile(root_b, 8), (8, 128))
    acc_w = ACC_N * D // 128
    out_w = pl.pallas_call(
        _comb_body,
        grid=(acc_w // TNW,),
        in_specs=[
            pl.BlockSpec((NC, TNW, 128), lambda i: (0, i, 0)),
            pl.BlockSpec((NC, TNW, 128), lambda i: (0, i, 0)),
            pl.BlockSpec((TNW, 128), lambda i: (i, 0)),
            pl.BlockSpec((128, 128), lambda i: (0, 0)),
            pl.BlockSpec((8, 128), lambda i: (0, 0)),
        ],
        out_specs=pl.BlockSpec((TNW, 128), lambda i: (i, 0)),
        out_shape=jax.ShapeDtypeStruct((acc_w, 128), jnp.float32),
    )(parts0_w, parts1_w, xw8, bd_rwt, rbw)
    return out_w.reshape(ACC_N, D)[:N_NODES]

# --- scband reference (transcript-rebuilt; emitter-appended) ---
"""Pipeline reference for scband-edge-conditioned-conv-77584289235401 (READ-ONLY COPY).

The authoritative reference and input builder live on the scoring server;
editing this copy changes nothing except your own understanding.
"""

import jax, jax.numpy as jnp
import numpy as np

IN_DIM = 16
OUT_DIM = 16
EDGE_DIM = 16
N_NODES = 50000
N_EDGES = 400000


def setup_inputs(seed: int = 0) -> dict:
    key = jax.random.key(seed)
    k_x, k_ei, k_ea, k_rw, k_rb, k_ew, k_eb = jax.random.split(key, 7)
    x = jax.random.normal(k_x, (N_NODES, IN_DIM), dtype=jnp.float32)
    edge_index = jax.random.randint(k_ei, (2, N_EDGES), 0, N_NODES, dtype=jnp.int64)
    edge_attr = jax.random.normal(k_ea, (N_EDGES, EDGE_DIM), dtype=jnp.float32)
    # Learned parameters (nn.Linear default init scale approximated)
    root_w = jax.random.normal(k_rw, (OUT_DIM, IN_DIM), dtype=jnp.float32) * (1.0 / np.sqrt(IN_DIM))
    root_b = jax.random.normal(k_rb, (OUT_DIM,), dtype=jnp.float32) * 0.02
    edge_w = jax.random.normal(k_ew, (OUT_DIM * IN_DIM, EDGE_DIM), dtype=jnp.float32) * (1.0 / np.sqrt(EDGE_DIM))
    edge_b = jax.random.normal(k_eb, (OUT_DIM * IN_DIM,), dtype=jnp.float32) * 0.02
    return {"x": x, "edge_index": edge_index, "edge_attr": edge_attr,
            "root_w": root_w, "root_b": root_b, "edge_w": edge_w, "edge_b": edge_b}


def reference(x, edge_index, edge_attr, root_w, root_b, edge_w, edge_b):
    src = edge_index[0]
    dst = edge_index[1]
    # edge_mlp: Linear(edge_dim -> out_dim*in_dim), then view as [E, out, in]
    weights = (edge_attr @ edge_w.T + edge_b).reshape(-1, OUT_DIM, IN_DIM)
    # gather source node features and apply per-edge weight matrix (bmm)
    x_src = x[src]  # [E, in]
    msg = jnp.einsum('eoi,ei->eo', weights, x_src)  # [E, out]
    # root transform
    out = x @ root_w.T + root_b  # [N, out]
    # scatter-add messages into destination nodes
    out = out.at[dst].add(msg)
    return out

if __name__ == "__main__":
    import jax
    _d = setup_inputs()
    print(jax.jit(kernel)(*tuple(_d.values())))

</pallas_src>

<mosaic_0001>
#map = affine_map<(d0, d1) -> (0, 0)>
#map1 = affine_map<(d0, d1) -> (0, 0, 0)>
module attributes {stable_mosaic.version = 14 : i64} {
  func.func @_lambda_(%arg0: i32, %arg1: i32, %arg2: memref<3136x128xi32, #tpu.memory_space<hbm>>, %arg3: memref<200704x16xf32, #tpu.memory_space<hbm>>, %arg4: memref<2x50176x16xf32, #tpu.memory_space<hbm>>, %arg5: memref<7x128xi32, #tpu.memory_space<vmem>>, %arg6: memref<896x16xf32, #tpu.memory_space<vmem>>, %arg7: memref<196x16xf32, #tpu.memory_space<vmem>>, %arg8: memref<50176x16xf32, #tpu.memory_space<vmem_shared>>) attributes {dimension_semantics = [#tpu.dimension_semantics<core_parallel>, #tpu.dimension_semantics<subcore_parallel>], iteration_bounds = array<i64: 2, 16>, scalar_prefetch = 0 : i64, scratch_operands = 4 : i64, tpu.core_type = #tpu.core_type<sc_vector_subcore>, window_params = [{transform_indices = #map}, {transform_indices = #map}, {transform_indices = #map1}]} {
    %scan3A = arith.constant 0 : i32
    %scan3A_0 = arith.constant 0 : i32
    %scan3A_1 = arith.constant 196 : i32
    %scan3A_2 = arith.addi %scan3A_0, %scan3A_1 : i32
    %scan3A_3 = arith.constant 1 : i32
    scf.for %scan3A_23 = %scan3A_0 to %scan3A_2 step %scan3A_3  : i32 {
      %broadcast_in_dim3A = arith.constant 0.000000e+00 : f32
      %broadcast_in_dim3A_24 = vector.broadcast %broadcast_in_dim3A : f32 to vector<16xf32>
      %swap3A = arith.index_cast %scan3A_23 : i32 to index
      %swap3A_25 = arith.constant 0 : index
      %swap3A_26 = tpu.vector_load %arg7[%swap3A, %swap3A_25] {strides = array<i32>} : memref<196x16xf32, #tpu.memory_space<vmem>>, vector<1x16xf32>,
      %swap3A_27 = vector.shape_cast %swap3A_26 : vector<1x16xf32> to vector<16xf32>
      %swap3A_28 = vector.shape_cast %broadcast_in_dim3A_24 : vector<16xf32> to vector<1x16xf32>
      tpu.vector_store %arg7[%swap3A, %swap3A_25], %swap3A_28 {strides = array<i32>} : memref<196x16xf32, #tpu.memory_space<vmem>>, vector<1x16xf32>,
    }
    %scan3A_4 = arith.constant 196 : i32
    %scan3A_5 = arith.constant 0 : i32
    %scan3A_6 = arith.constant 0 : i32
    %scan3A_7 = arith.constant 16 : i32
    %scan3A_8 = arith.addi %scan3A_6, %scan3A_7 : i32
    %scan3A_9 = arith.constant 1 : i32
    scf.for %scan3A_23 = %scan3A_6 to %scan3A_8 step %scan3A_9  : i32 {
      %mul3A_24 = arith.constant 3136 : i32
      %mul3A_25 = arith.muli %arg1, %mul3A_24 : i32
      %mul3A_26 = arith.constant 196 : i32
      %mul3A_27 = arith.muli %scan3A_23, %mul3A_26 : i32
      %add3A_28 = arith.addi %mul3A_25, %mul3A_27 : i32
      "tpu.region"() ({
        %run_scoped3A = tpu.sem_alloc : memref<!tpu.dma_semaphore, #tpu.memory_space<semaphore_mem>>
        %dma_start3A = arith.constant 0 : i32
        %dma_start3A_29 = tpu.memref_slice %arg8[%add3A_28, %dma_start3A] : memref<50176x16xf32, #tpu.memory_space<vmem_shared>> -> memref<196x16xf32, #tpu.memory_space<vmem_shared>>
        %dma_start3A_30 = arith.constant 0 : i32
        %dma_start3A_31 = tpu.memref_slice %arg8[%add3A_28, %dma_start3A_30] : memref<50176x16xf32, #tpu.memory_space<vmem_shared>> -> memref<196x16xf32, #tpu.memory_space<vmem_shared>>
        tpu.enqueue_dma source(%arg7 : memref<196x16xf32, #tpu.memory_space<vmem>>) target(%dma_start3A_31 : memref<196x16xf32, #tpu.memory_space<vmem_shared>>) target_semaphore(%run_scoped3A : memref<!tpu.dma_semaphore, #tpu.memory_space<semaphore_mem>>)
        %dma_wait3A = arith.constant 0 : i32
        %dma_wait3A_32 = tpu.memref_slice %arg8[%add3A_28, %dma_wait3A] : memref<50176x16xf32, #tpu.memory_space<vmem_shared>> -> memref<196x16xf32, #tpu.memory_space<vmem_shared>>
        %dma_wait3A_33 = arith.constant 0 : i32
        %dma_wait3A_34 = tpu.memref_slice %arg8[%add3A_28, %dma_wait3A_33] : memref<50176x16xf32, #tpu.memory_space<vmem_shared>> -> memref<196x16xf32, #tpu.memory_space<vmem_shared>>
        tpu.wait_dma2 semaphore(%run_scoped3A : memref<!tpu.dma_semaphore, #tpu.memory_space<semaphore_mem>>) src(%arg7 : memref<196x16xf32, #tpu.memory_space<vmem>>) dst(%dma_wait3A_34 : memref<196x16xf32, #tpu.memory_space<vmem_shared>>)
        tpu.yield
      }) : () -> ()
    }
    %scan3A_10 = arith.constant 16 : i32
    %barrier3A = arith.constant 0 : index
    tpu.barrier barrier_id(%barrier3A)
    %mul3A = arith.constant 16 : i32
    %mul3A_11 = arith.muli %arg0, %mul3A : i32
    %add3A = arith.addi %mul3A_11, %arg1 : i32
    %scan3A_12 = arith.constant 0 : i32
    %scan3A_13 = arith.constant 0 : i32
    %scan3A_14 = arith.constant 7 : i32
    %scan3A_15 = arith.addi %scan3A_13, %scan3A_14 : i32
    %scan3A_16 = arith.constant 1 : i32
    scf.for %scan3A_23 = %scan3A_13 to %scan3A_15 step %scan3A_16  : i32 {
      %mul3A_24 = arith.constant 49 : i32
      %mul3A_25 = arith.muli %add3A, %mul3A_24 : i32
      %mul3A_26 = arith.constant 7 : i32
      %mul3A_27 = arith.muli %scan3A_23, %mul3A_26 : i32
      %add3A_28 = arith.addi %mul3A_25, %mul3A_27 : i32
      %add3A_29 = arith.constant 1568 : i32
      %add3A_30 = arith.addi %add3A_29, %add3A_28 : i32
      "tpu.region"() ({
        %run_scoped3A_39 = tpu.sem_alloc : memref<!tpu.dma_semaphore, #tpu.memory_space<semaphore_mem>>
        %dma_start3A = arith.constant 0 : i32
        %dma_start3A_40 = tpu.memref_slice %arg2[%add3A_30, %dma_start3A] : memref<3136x128xi32, #tpu.memory_space<hbm>> -> memref<7x128xi32, #tpu.memory_space<hbm>>
        %dma_start3A_41 = arith.constant 0 : i32
        %dma_start3A_42 = tpu.memref_slice %arg2[%add3A_30, %dma_start3A_41] : memref<3136x128xi32, #tpu.memory_space<hbm>> -> memref<7x128xi32, #tpu.memory_space<hbm>>
        tpu.enqueue_dma source(%dma_start3A_42 : memref<7x128xi32, #tpu.memory_space<hbm>>) target(%arg5 : memref<7x128xi32, #tpu.memory_space<vmem>>) target_semaphore(%run_scoped3A_39 : memref<!tpu.dma_semaphore, #tpu.memory_space<semaphore_mem>>)
        %dma_wait3A = arith.constant 0 : i32
        %dma_wait3A_43 = tpu.memref_slice %arg2[%add3A_30, %dma_wait3A] : memref<3136x128xi32, #tpu.memory_space<hbm>> -> memref<7x128xi32, #tpu.memory_space<hbm>>
        %dma_wait3A_44 = arith.constant 0 : i32
        %dma_wait3A_45 = tpu.memref_slice %arg2[%add3A_30, %dma_wait3A_44] : memref<3136x128xi32, #tpu.memory_space<hbm>> -> memref<7x128xi32, #tpu.memory_space<hbm>>
        tpu.wait_dma2 semaphore(%run_scoped3A_39 : memref<!tpu.dma_semaphore, #tpu.memory_space<semaphore_mem>>) src(%dma_wait3A_45 : memref<7x128xi32, #tpu.memory_space<hbm>>) dst(%arg5 : memref<7x128xi32, #tpu.memory_space<vmem>>)
        tpu.yield
      }) : () -> ()
      %mul3A_31 = arith.constant 128 : i32
      %mul3A_32 = arith.muli %add3A_28, %mul3A_31 : i32
      "tpu.region"() ({
        %run_scoped3A_39 = tpu.sem_alloc : memref<!tpu.dma_semaphore, #tpu.memory_space<semaphore_mem>>
        %dma_start3A = arith.constant 0 : i32
        %dma_start3A_40 = tpu.memref_slice %arg3[%mul3A_32, %dma_start3A] : memref<200704x16xf32, #tpu.memory_space<hbm>> -> memref<896x16xf32, #tpu.memory_space<hbm>>
        %dma_start3A_41 = arith.constant 0 : i32
        %dma_start3A_42 = tpu.memref_slice %arg3[%mul3A_32, %dma_start3A_41] : memref<200704x16xf32, #tpu.memory_space<hbm>> -> memref<896x16xf32, #tpu.memory_space<hbm>>
        tpu.enqueue_dma source(%dma_start3A_42 : memref<896x16xf32, #tpu.memory_space<hbm>>) target(%arg6 : memref<896x16xf32, #tpu.memory_space<vmem>>) target_semaphore(%run_scoped3A_39 : memref<!tpu.dma_semaphore, #tpu.memory_space<semaphore_mem>>)
        %dma_wait3A = arith.constant 0 : i32
        %dma_wait3A_43 = tpu.memref_slice %arg3[%mul3A_32, %dma_wait3A] : memref<200704x16xf32, #tpu.memory_space<hbm>> -> memref<896x16xf32, #tpu.memory_space<hbm>>
        %dma_wait3A_44 = arith.constant 0 : i32
        %dma_wait3A_45 = tpu.memref_slice %arg3[%mul3A_32, %dma_wait3A_44] : memref<200704x16xf32, #tpu.memory_space<hbm>> -> memref<896x16xf32, #tpu.memory_space<hbm>>
        tpu.wait_dma2 semaphore(%run_scoped3A_39 : memref<!tpu.dma_semaphore, #tpu.memory_space<semaphore_mem>>) src(%dma_wait3A_45 : memref<896x16xf32, #tpu.memory_space<hbm>>) dst(%arg6 : memref<896x16xf32, #tpu.memory_space<vmem>>)
        tpu.yield
      }) : () -> ()
      %run_scoped3A = arith.constant 0 : i32
      "tpu.region"() ({
        %run_scoped3A_39 = tpu.sem_alloc : memref<!tpu.dma_semaphore, #tpu.memory_space<semaphore_mem>>
        %dma_start3A = arith.constant 0 : i32
        %dma_start3A_40 = arith.constant 0 : i32
        %dma_start3A_41 = tpu.memref_slice %arg6[%dma_start3A, %dma_start3A_40] : memref<896x16xf32, #tpu.memory_space<vmem>> -> memref<128x16xf32, #tpu.memory_space<vmem>>
        %dma_start3A_42 = arith.constant 0 : i32
        %dma_start3A_43 = tpu.memref_slice %arg5[%run_scoped3A, %dma_start3A_42] : memref<7x128xi32, #tpu.memory_space<vmem>> -> memref<1x128xi32, #tpu.memory_space<vmem>>
        %dma_start3A_44 = tpu.memref_squeeze %dma_start3A_43 : memref<1x128xi32, #tpu.memory_space<vmem>> -> memref<128xi32, #tpu.memory_space<vmem>>
        %dma_start3A_45 = arith.constant 0 : i32
        %dma_start3A_46 = arith.constant 0 : i32
        %dma_start3A_47 = tpu.memref_slice %arg8[%dma_start3A_45, %dma_start3A_46] : memref<50176x16xf32, #tpu.memory_space<vmem_shared>> -> memref<50176x16xf32, #tpu.memory_space<vmem_shared>>
        tpu.enqueue_indirect_dma source(%dma_start3A_41 : memref<128x16xf32, #tpu.memory_space<vmem>>) target(%dma_start3A_47 : memref<50176x16xf32, #tpu.memory_space<vmem_shared>>) offsets(%dma_start3A_44 : memref<128xi32, #tpu.memory_space<vmem>>) semaphore(%run_scoped3A_39 : memref<!tpu.dma_semaphore, #tpu.memory_space<semaphore_mem>>) {add = true}
        %dma_wait3A = arith.constant 0 : i32
        %dma_wait3A_48 = arith.constant 0 : i32
        %dma_wait3A_49 = tpu.memref_slice %arg6[%dma_wait3A, %dma_wait3A_48] : memref<896x16xf32, #tpu.memory_space<vmem>> -> memref<128x16xf32, #tpu.memory_space<vmem>>
        %dma_wait3A_50 = arith.constant 0 : i32
        %dma_wait3A_51 = tpu.memref_slice %arg5[%run_scoped3A, %dma_wait3A_50] : memref<7x128xi32, #tpu.memory_space<vmem>> -> memref<1x128xi32, #tpu.memory_space<vmem>>
        %dma_wait3A_52 = tpu.memref_squeeze %dma_wait3A_51 : memref<1x128xi32, #tpu.memory_space<vmem>> -> memref<128xi32, #tpu.memory_space<vmem>>
        %dma_wait3A_53 = arith.constant 0 : i32
        %dma_wait3A_54 = arith.constant 0 : i32
        %dma_wait3A_55 = tpu.memref_slice %arg8[%dma_wait3A_53, %dma_wait3A_54] : memref<50176x16xf32, #tpu.memory_space<vmem_shared>> -> memref<50176x16xf32, #tpu.memory_space<vmem_shared>>
        tpu.wait_indirect_dma semaphore(%run_scoped3A_39 : memref<!tpu.dma_semaphore, #tpu.memory_space<semaphore_mem>>) src(%dma_wait3A_49 : memref<128x16xf32, #tpu.memory_space<vmem>>) dst(%dma_wait3A_55 : memref<50176x16xf32, #tpu.memory_space<vmem_shared>>)
        tpu.yield
      }) : () -> ()
      %run_scoped3A_33 = arith.constant 1 : i32
      "tpu.region"() ({
        %run_scoped3A_39 = tpu.sem_alloc : memref<!tpu.dma_semaphore, #tpu.memory_space<semaphore_mem>>
        %dma_start3A = arith.constant 128 : i32
        %dma_start3A_40 = arith.constant 0 : i32
        %dma_start3A_41 = tpu.memref_slice %arg6[%dma_start3A, %dma_start3A_40] : memref<896x16xf32, #tpu.memory_space<vmem>> -> memref<128x16xf32, #tpu.memory_space<vmem>>
        %dma_start3A_42 = arith.constant 0 : i32
        %dma_start3A_43 = tpu.memref_slice %arg5[%run_scoped3A_33, %dma_start3A_42] : memref<7x128xi32, #tpu.memory_space<vmem>> -> memref<1x128xi32, #tpu.memory_space<vmem>>
        %dma_start3A_44 = tpu.memref_squeeze %dma_start3A_43 : memref<1x128xi32, #tpu.memory_space<vmem>> -> memref<128xi32, #tpu.memory_space<vmem>>
        %dma_start3A_45 = arith.constant 0 : i32
        %dma_start3A_46 = arith.constant 0 : i32
        %dma_start3A_47 = tpu.memref_slice %arg8[%dma_start3A_45, %dma_start3A_46] : memref<50176x16xf32, #tpu.memory_space<vmem_shared>> -> memref<50176x16xf32, #tpu.memory_space<vmem_shared>>
        tpu.enqueue_indirect_dma source(%dma_start3A_41 : memref<128x16xf32, #tpu.memory_space<vmem>>) target(%dma_start3A_47 : memref<50176x16xf32, #tpu.memory_space<vmem_shared>>) offsets(%dma_start3A_44 : memref<128xi32, #tpu.memory_space<vmem>>) semaphore(%run_scoped3A_39 : memref<!tpu.dma_semaphore, #tpu.memory_space<semaphore_mem>>) {add = true}
        %dma_wait3A = arith.constant 128 : i32
        %dma_wait3A_48 = arith.constant 0 : i32
        %dma_wait3A_49 = tpu.memref_slice %arg6[%dma_wait3A, %dma_wait3A_48] : memref<896x16xf32, #tpu.memory_space<vmem>> -> memref<128x16xf32, #tpu.memory_space<vmem>>
        %dma_wait3A_50 = arith.constant 0 : i32
        %dma_wait3A_51 = tpu.memref_slice %arg5[%run_scoped3A_33, %dma_wait3A_50] : memref<7x128xi32, #tpu.memory_space<vmem>> -> memref<1x128xi32, #tpu.memory_space<vmem>>
        %dma_wait3A_52 = tpu.memref_squeeze %dma_wait3A_51 : memref<1x128xi32, #tpu.memory_space<vmem>> -> memref<128xi32, #tpu.memory_space<vmem>>
        %dma_wait3A_53 = arith.constant 0 : i32
        %dma_wait3A_54 = arith.constant 0 : i32
        %dma_wait3A_55 = tpu.memref_slice %arg8[%dma_wait3A_53, %dma_wait3A_54] : memref<50176x16xf32, #tpu.memory_space<vmem_shared>> -> memref<50176x16xf32, #tpu.memory_space<vmem_shared>>
        tpu.wait_indirect_dma semaphore(%run_scoped3A_39 : memref<!tpu.dma_semaphore, #tpu.memory_space<semaphore_mem>>) src(%dma_wait3A_49 : memref<128x16xf32, #tpu.memory_space<vmem>>) dst(%dma_wait3A_55 : memref<50176x16xf32, #tpu.memory_space<vmem_shared>>)
        tpu.yield
      }) : () -> ()
      %run_scoped3A_34 = arith.constant 2 : i32
      "tpu.region"() ({
        %run_scoped3A_39 = tpu.sem_alloc : memref<!tpu.dma_semaphore, #tpu.memory_space<semaphore_mem>>
        %dma_start3A = arith.constant 256 : i32
        %dma_start3A_40 = arith.constant 0 : i32
        %dma_start3A_41 = tpu.memref_slice %arg6[%dma_start3A, %dma_start3A_40] : memref<896x16xf32, #tpu.memory_space<vmem>> -> memref<128x16xf32, #tpu.memory_space<vmem>>
        %dma_start3A_42 = arith.constant 0 : i32
        %dma_start3A_43 = tpu.memref_slice %arg5[%run_scoped3A_34, %dma_start3A_42] : memref<7x128xi32, #tpu.memory_space<vmem>> -> memref<1x128xi32, #tpu.memory_space<vmem>>
        %dma_start3A_44 = tpu.memref_squeeze %dma_start3A_43 : memref<1x128xi32, #tpu.memory_space<vmem>> -> memref<128xi32, #tpu.memory_space<vmem>>
        %dma_start3A_45 = arith.constant 0 : i32
        %dma_start3A_46 = arith.constant 0 : i32
        %dma_start3A_47 = tpu.memref_slice %arg8[%dma_start3A_45, %dma_start3A_46] : memref<50176x16xf32, #tpu.memory_space<vmem_shared>> -> memref<50176x16xf32, #tpu.memory_space<vmem_shared>>
        tpu.enqueue_indirect_dma source(%dma_start3A_41 : memref<128x16xf32, #tpu.memory_space<vmem>>) target(%dma_start3A_47 : memref<50176x16xf32, #tpu.memory_space<vmem_shared>>) offsets(%dma_start3A_44 : memref<128xi32, #tpu.memory_space<vmem>>) semaphore(%run_scoped3A_39 : memref<!tpu.dma_semaphore, #tpu.memory_space<semaphore_mem>>) {add = true}
        %dma_wait3A = arith.constant 256 : i32
        %dma_wait3A_48 = arith.constant 0 : i32
        %dma_wait3A_49 = tpu.memref_slice %arg6[%dma_wait3A, %dma_wait3A_48] : memref<896x16xf32, #tpu.memory_space<vmem>> -> memref<128x16xf32, #tpu.memory_space<vmem>>
        %dma_wait3A_50 = arith.constant 0 : i32
        %dma_wait3A_51 = tpu.memref_slice %arg5[%run_scoped3A_34, %dma_wait3A_50] : memref<7x128xi32, #tpu.memory_space<vmem>> -> memref<1x128xi32, #tpu.memory_space<vmem>>
        %dma_wait3A_52 = tpu.memref_squeeze %dma_wait3A_51 : memref<1x128xi32, #tpu.memory_space<vmem>> -> memref<128xi32, #tpu.memory_space<vmem>>
        %dma_wait3A_53 = arith.constant 0 : i32
        %dma_wait3A_54 = arith.constant 0 : i32
        %dma_wait3A_55 = tpu.memref_slice %arg8[%dma_wait3A_53, %dma_wait3A_54] : memref<50176x16xf32, #tpu.memory_space<vmem_shared>> -> memref<50176x16xf32, #tpu.memory_space<vmem_shared>>
        tpu.wait_indirect_dma semaphore(%run_scoped3A_39 : memref<!tpu.dma_semaphore, #tpu.memory_space<semaphore_mem>>) src(%dma_wait3A_49 : memref<128x16xf32, #tpu.memory_space<vmem>>) dst(%dma_wait3A_55 : memref<50176x16xf32, #tpu.memory_space<vmem_shared>>)
        tpu.yield
      }) : () -> ()
      %run_scoped3A_35 = arith.constant 3 : i32
      "tpu.region"() ({
        %run_scoped3A_39 = tpu.sem_alloc : memref<!tpu.dma_semaphore, #tpu.memory_space<semaphore_mem>>
        %dma_start3A = arith.constant 384 : i32
        %dma_start3A_40 = arith.constant 0 : i32
        %dma_start3A_41 = tpu.memref_slice %arg6[%dma_start3A, %dma_start3A_40] : memref<896x16xf32, #tpu.memory_space<vmem>> -> memref<128x16xf32, #tpu.memory_space<vmem>>
        %dma_start3A_42 = arith.constant 0 : i32
        %dma_start3A_43 = tpu.memref_slice %arg5[%run_scoped3A_35, %dma_start3A_42] : memref<7x128xi32, #tpu.memory_space<vmem>> -> memref<1x128xi32, #tpu.memory_space<vmem>>
        %dma_start3A_44 = tpu.memref_squeeze %dma_start3A_43 : memref<1x128xi32, #tpu.memory_space<vmem>> -> memref<128xi32, #tpu.memory_space<vmem>>
        %dma_start3A_45 = arith.constant 0 : i32
        %dma_start3A_46 = arith.constant 0 : i32
        %dma_start3A_47 = tpu.memref_slice %arg8[%dma_start3A_45, %dma_start3A_46] : memref<50176x16xf32, #tpu.memory_space<vmem_shared>> -> memref<50176x16xf32, #tpu.memory_space<vmem_shared>>
        tpu.enqueue_indirect_dma source(%dma_start3A_41 : memref<128x16xf32, #tpu.memory_space<vmem>>) target(%dma_start3A_47 : memref<50176x16xf32, #tpu.memory_space<vmem_shared>>) offsets(%dma_start3A_44 : memref<128xi32, #tpu.memory_space<vmem>>) semaphore(%run_scoped3A_39 : memref<!tpu.dma_semaphore, #tpu.memory_space<semaphore_mem>>) {add = true}
        %dma_wait3A = arith.constant 384 : i32
        %dma_wait3A_48 = arith.constant 0 : i32
        %dma_wait3A_49 = tpu.memref_slice %arg6[%dma_wait3A, %dma_wait3A_48] : memref<896x16xf32, #tpu.memory_space<vmem>> -> memref<128x16xf32, #tpu.memory_space<vmem>>
        %dma_wait3A_50 = arith.constant 0 : i32
        %dma_wait3A_51 = tpu.memref_slice %arg5[%run_scoped3A_35, %dma_wait3A_50] : memref<7x128xi32, #tpu.memory_space<vmem>> -> memref<1x128xi32, #tpu.memory_space<vmem>>
        %dma_wait3A_52 = tpu.memref_squeeze %dma_wait3A_51 : memref<1x128xi32, #tpu.memory_space<vmem>> -> memref<128xi32, #tpu.memory_space<vmem>>
        %dma_wait3A_53 = arith.constant 0 : i32
        %dma_wait3A_54 = arith.constant 0 : i32
        %dma_wait3A_55 = tpu.memref_slice %arg8[%dma_wait3A_53, %dma_wait3A_54] : memref<50176x16xf32, #tpu.memory_space<vmem_shared>> -> memref<50176x16xf32, #tpu.memory_space<vmem_shared>>
        tpu.wait_indirect_dma semaphore(%run_scoped3A_39 : memref<!tpu.dma_semaphore, #tpu.memory_space<semaphore_mem>>) src(%dma_wait3A_49 : memref<128x16xf32, #tpu.memory_space<vmem>>) dst(%dma_wait3A_55 : memref<50176x16xf32, #tpu.memory_space<vmem_shared>>)
        tpu.yield
      }) : () -> ()
      %run_scoped3A_36 = arith.constant 4 : i32
      "tpu.region"() ({
        %run_scoped3A_39 = tpu.sem_alloc : memref<!tpu.dma_semaphore, #tpu.memory_space<semaphore_mem>>
        %dma_start3A = arith.constant 512 : i32
        %dma_start3A_40 = arith.constant 0 : i32
        %dma_start3A_41 = tpu.memref_slice %arg6[%dma_start3A, %dma_start3A_40] : memref<896x16xf32, #tpu.memory_space<vmem>> -> memref<128x16xf32, #tpu.memory_space<vmem>>
        %dma_start3A_42 = arith.constant 0 : i32
        %dma_start3A_43 = tpu.memref_slice %arg5[%run_scoped3A_36, %dma_start3A_42] : memref<7x128xi32, #tpu.memory_space<vmem>> -> memref<1x128xi32, #tpu.memory_space<vmem>>
        %dma_start3A_44 = tpu.memref_squeeze %dma_start3A_43 : memref<1x128xi32, #tpu.memory_space<vmem>> -> memref<128xi32, #tpu.memory_space<vmem>>
        %dma_start3A_45 = arith.constant 0 : i32
        %dma_start3A_46 = arith.constant 0 : i32
        %dma_start3A_47 = tpu.memref_slice %arg8[%dma_start3A_45, %dma_start3A_46] : memref<50176x16xf32, #tpu.memory_space<vmem_shared>> -> memref<50176x16xf32, #tpu.memory_space<vmem_shared>>
        tpu.enqueue_indirect_dma source(%dma_start3A_41 : memref<128x16xf32, #tpu.memory_space<vmem>>) target(%dma_start3A_47 : memref<50176x16xf32, #tpu.memory_space<vmem_shared>>) offsets(%dma_start3A_44 : memref<128xi32, #tpu.memory_space<vmem>>) semaphore(%run_scoped3A_39 : memref<!tpu.dma_semaphore, #tpu.memory_space<semaphore_mem>>) {add = true}
        %dma_wait3A = arith.constant 512 : i32
        %dma_wait3A_48 = arith.constant 0 : i32
        %dma_wait3A_49 = tpu.memref_slice %arg6[%dma_wait3A, %dma_wait3A_48] : memref<896x16xf32, #tpu.memory_space<vmem>> -> memref<128x16xf32, #tpu.memory_space<vmem>>
        %dma_wait3A_50 = arith.constant 0 : i32
        %dma_wait3A_51 = tpu.memref_slice %arg5[%run_scoped3A_36, %dma_wait3A_50] : memref<7x128xi32, #tpu.memory_space<vmem>> -> memref<1x128xi32, #tpu.memory_space<vmem>>
        %dma_wait3A_52 = tpu.memref_squeeze %dma_wait3A_51 : memref<1x128xi32, #tpu.memory_space<vmem>> -> memref<128xi32, #tpu.memory_space<vmem>>
        %dma_wait3A_53 = arith.constant 0 : i32
        %dma_wait3A_54 = arith.constant 0 : i32
        %dma_wait3A_55 = tpu.memref_slice %arg8[%dma_wait3A_53, %dma_wait3A_54] : memref<50176x16xf32, #tpu.memory_space<vmem_shared>> -> memref<50176x16xf32, #tpu.memory_space<vmem_shared>>
        tpu.wait_indirect_dma semaphore(%run_scoped3A_39 : memref<!tpu.dma_semaphore, #tpu.memory_space<semaphore_mem>>) src(%dma_wait3A_49 : memref<128x16xf32, #tpu.memory_space<vmem>>) dst(%dma_wait3A_55 : memref<50176x16xf32, #tpu.memory_space<vmem_shared>>)
        tpu.yield
      }) : () -> ()
      %run_scoped3A_37 = arith.constant 5 : i32
      "tpu.region"() ({
        %run_scoped3A_39 = tpu.sem_alloc : memref<!tpu.dma_semaphore, #tpu.memory_space<semaphore_mem>>
        %dma_start3A = arith.constant 640 : i32
        %dma_start3A_40 = arith.constant 0 : i32
        %dma_start3A_41 = tpu.memref_slice %arg6[%dma_start3A, %dma_start3A_40] : memref<896x16xf32, #tpu.memory_space<vmem>> -> memref<128x16xf32, #tpu.memory_space<vmem>>
        %dma_start3A_42 = arith.constant 0 : i32
        %dma_start3A_43 = tpu.memref_slice %arg5[%run_scoped3A_37, %dma_start3A_42] : memref<7x128xi32, #tpu.memory_space<vmem>> -> memref<1x128xi32, #tpu.memory_space<vmem>>
        %dma_start3A_44 = tpu.memref_squeeze %dma_start3A_43 : memref<1x128xi32, #tpu.memory_space<vmem>> -> memref<128xi32, #tpu.memory_space<vmem>>
        %dma_start3A_45 = arith.constant 0 : i32
        %dma_start3A_46 = arith.constant 0 : i32
        %dma_start3A_47 = tpu.memref_slice %arg8[%dma_start3A_45, %dma_start3A_46] : memref<50176x16xf32, #tpu.memory_space<vmem_shared>> -> memref<50176x16xf32, #tpu.memory_space<vmem_shared>>
        tpu.enqueue_indirect_dma source(%dma_start3A_41 : memref<128x16xf32, #tpu.memory_space<vmem>>) target(%dma_start3A_47 : memref<50176x16xf32, #tpu.memory_space<vmem_shared>>) offsets(%dma_start3A_44 : memref<128xi32, #tpu.memory_space<vmem>>) semaphore(%run_scoped3A_39 : memref<!tpu.dma_semaphore, #tpu.memory_space<semaphore_mem>>) {add = true}
        %dma_wait3A = arith.constant 640 : i32
        %dma_wait3A_48 = arith.constant 0 : i32
        %dma_wait3A_49 = tpu.memref_slice %arg6[%dma_wait3A, %dma_wait3A_48] : memref<896x16xf32, #tpu.memory_space<vmem>> -> memref<128x16xf32, #tpu.memory_space<vmem>>
        %dma_wait3A_50 = arith.constant 0 : i32
        %dma_wait3A_51 = tpu.memref_slice %arg5[%run_scoped3A_37, %dma_wait3A_50] : memref<7x128xi32, #tpu.memory_space<vmem>> -> memref<1x128xi32, #tpu.memory_space<vmem>>
        %dma_wait3A_52 = tpu.memref_squeeze %dma_wait3A_51 : memref<1x128xi32, #tpu.memory_space<vmem>> -> memref<128xi32, #tpu.memory_space<vmem>>
        %dma_wait3A_53 = arith.constant 0 : i32
        %dma_wait3A_54 = arith.constant 0 : i32
        %dma_wait3A_55 = tpu.memref_slice %arg8[%dma_wait3A_53, %dma_wait3A_54] : memref<50176x16xf32, #tpu.memory_space<vmem_shared>> -> memref<50176x16xf32, #tpu.memory_space<vmem_shared>>
        tpu.wait_indirect_dma semaphore(%run_scoped3A_39 : memref<!tpu.dma_semaphore, #tpu.memory_space<semaphore_mem>>) src(%dma_wait3A_49 : memref<128x16xf32, #tpu.memory_space<vmem>>) dst(%dma_wait3A_55 : memref<50176x16xf32, #tpu.memory_space<vmem_shared>>)
        tpu.yield
      }) : () -> ()
      %run_scoped3A_38 = arith.constant 6 : i32
      "tpu.region"() ({
        %run_scoped3A_39 = tpu.sem_alloc : memref<!tpu.dma_semaphore, #tpu.memory_space<semaphore_mem>>
        %dma_start3A = arith.constant 768 : i32
        %dma_start3A_40 = arith.constant 0 : i32
        %dma_start3A_41 = tpu.memref_slice %arg6[%dma_start3A, %dma_start3A_40] : memref<896x16xf32, #tpu.memory_space<vmem>> -> memref<128x16xf32, #tpu.memory_space<vmem>>
        %dma_start3A_42 = arith.constant 0 : i32
        %dma_start3A_43 = tpu.memref_slice %arg5[%run_scoped3A_38, %dma_start3A_42] : memref<7x128xi32, #tpu.memory_space<vmem>> -> memref<1x128xi32, #tpu.memory_space<vmem>>
        %dma_start3A_44 = tpu.memref_squeeze %dma_start3A_43 : memref<1x128xi32, #tpu.memory_space<vmem>> -> memref<128xi32, #tpu.memory_space<vmem>>
        %dma_start3A_45 = arith.constant 0 : i32
        %dma_start3A_46 = arith.constant 0 : i32
        %dma_start3A_47 = tpu.memref_slice %arg8[%dma_start3A_45, %dma_start3A_46] : memref<50176x16xf32, #tpu.memory_space<vmem_shared>> -> memref<50176x16xf32, #tpu.memory_space<vmem_shared>>
        tpu.enqueue_indirect_dma source(%dma_start3A_41 : memref<128x16xf32, #tpu.memory_space<vmem>>) target(%dma_start3A_47 : memref<50176x16xf32, #tpu.memory_space<vmem_shared>>) offsets(%dma_start3A_44 : memref<128xi32, #tpu.memory_space<vmem>>) semaphore(%run_scoped3A_39 : memref<!tpu.dma_semaphore, #tpu.memory_space<semaphore_mem>>) {add = true}
        %dma_wait3A = arith.constant 768 : i32
        %dma_wait3A_48 = arith.constant 0 : i32
        %dma_wait3A_49 = tpu.memref_slice %arg6[%dma_wait3A, %dma_wait3A_48] : memref<896x16xf32, #tpu.memory_space<vmem>> -> memref<128x16xf32, #tpu.memory_space<vmem>>
        %dma_wait3A_50 = arith.constant 0 : i32
        %dma_wait3A_51 = tpu.memref_slice %arg5[%run_scoped3A_38, %dma_wait3A_50] : memref<7x128xi32, #tpu.memory_space<vmem>> -> memref<1x128xi32, #tpu.memory_space<vmem>>
        %dma_wait3A_52 = tpu.memref_squeeze %dma_wait3A_51 : memref<1x128xi32, #tpu.memory_space<vmem>> -> memref<128xi32, #tpu.memory_space<vmem>>
        %dma_wait3A_53 = arith.constant 0 : i32
        %dma_wait3A_54 = arith.constant 0 : i32
        %dma_wait3A_55 = tpu.memref_slice %arg8[%dma_wait3A_53, %dma_wait3A_54] : memref<50176x16xf32, #tpu.memory_space<vmem_shared>> -> memref<50176x16xf32, #tpu.memory_space<vmem_shared>>
        tpu.wait_indirect_dma semaphore(%run_scoped3A_39 : memref<!tpu.dma_semaphore, #tpu.memory_space<semaphore_mem>>) src(%dma_wait3A_49 : memref<128x16xf32, #tpu.memory_space<vmem>>) dst(%dma_wait3A_55 : memref<50176x16xf32, #tpu.memory_space<vmem_shared>>)
        tpu.yield
      }) : () -> ()
    }
    %scan3A_17 = arith.constant 7 : i32
    %barrier3A_18 = arith.constant 0 : index
    tpu.barrier barrier_id(%barrier3A_18)
    %mul3A_19 = arith.constant 3136 : i32
    %mul3A_20 = arith.muli %arg1, %mul3A_19 : i32
    %mul3A_21 = arith.constant 3136 : i32
    %mul3A_22 = arith.muli %arg1, %mul3A_21 : i32
    "tpu.region"() ({
      %run_scoped3A = tpu.sem_alloc : memref<!tpu.dma_semaphore, #tpu.memory_space<semaphore_mem>>
      %dma_start3A = arith.constant 0 : i32
      %dma_start3A_23 = arith.constant 0 : i32
      %dma_start3A_24 = tpu.memref_slice %arg4[%arg0, %dma_start3A, %dma_start3A_23] : memref<2x50176x16xf32, #tpu.memory_space<hbm>> -> memref<1x50176x16xf32, #tpu.memory_space<hbm>>
      %dma_start3A_25 = tpu.memref_squeeze %dma_start3A_24 : memref<1x50176x16xf32, #tpu.memory_space<hbm>> -> memref<50176x16xf32, #tpu.memory_space<hbm>>
      %dma_start3A_26 = arith.constant 0 : i32
      %dma_start3A_27 = tpu.memref_slice %dma_start3A_25[%mul3A_22, %dma_start3A_26] : memref<50176x16xf32, #tpu.memory_space<hbm>> -> memref<3136x16xf32, #tpu.memory_space<hbm>>
      %dma_start3A_28 = arith.constant 0 : i32
      %dma_start3A_29 = tpu.memref_slice %arg8[%mul3A_20, %dma_start3A_28] : memref<50176x16xf32, #tpu.memory_space<vmem_shared>> -> memref<3136x16xf32, #tpu.memory_space<vmem_shared>>
      tpu.enqueue_dma source(%dma_start3A_29 : memref<3136x16xf32, #tpu.memory_space<vmem_shared>>) target(%dma_start3A_27 : memref<3136x16xf32, #tpu.memory_space<hbm>>) target_semaphore(%run_scoped3A : memref<!tpu.dma_semaphore, #tpu.memory_space<semaphore_mem>>)
      %dma_wait3A = arith.constant 0 : i32
      %dma_wait3A_30 = arith.constant 0 : i32
      %dma_wait3A_31 = tpu.memref_slice %arg4[%arg0, %dma_wait3A, %dma_wait3A_30] : memref<2x50176x16xf32, #tpu.memory_space<hbm>> -> memref<1x50176x16xf32, #tpu.memory_space<hbm>>
      %dma_wait3A_32 = tpu.memref_squeeze %dma_wait3A_31 : memref<1x50176x16xf32, #tpu.memory_space<hbm>> -> memref<50176x16xf32, #tpu.memory_space<hbm>>
      %dma_wait3A_33 = arith.constant 0 : i32
      %dma_wait3A_34 = tpu.memref_slice %dma_wait3A_32[%mul3A_22, %dma_wait3A_33] : memref<50176x16xf32, #tpu.memory_space<hbm>> -> memref<3136x16xf32, #tpu.memory_space<hbm>>
      %dma_wait3A_35 = arith.constant 0 : i32
      %dma_wait3A_36 = tpu.memref_slice %arg8[%mul3A_20, %dma_wait3A_35] : memref<50176x16xf32, #tpu.memory_space<vmem_shared>> -> memref<3136x16xf32, #tpu.memory_space<vmem_shared>>
      tpu.wait_dma2 semaphore(%run_scoped3A : memref<!tpu.dma_semaphore, #tpu.memory_space<semaphore_mem>>) src(%dma_wait3A_36 : memref<3136x16xf32, #tpu.memory_space<vmem_shared>>) dst(%dma_wait3A_34 : memref<3136x16xf32, #tpu.memory_space<hbm>>)
      tpu.yield
    }) : () -> ()
    return
  }
}

#map = affine_map<(d0, d1) -> (0, 0)>
module attributes {stable_mosaic.version = 14 : i64} {
  func.func @_lambda_(%arg0: i32, %arg1: i32, %arg2: memref<50000x16xf32, #tpu.memory_space<hbm>>, %arg3: memref<3136x128xi32, #tpu.memory_space<hbm>>, %arg4: memref<200704x16xf32, #tpu.memory_space<hbm>>, %arg5: memref<7x128xi32, #tpu.memory_space<vmem>>, %arg6: memref<896x16xf32, #tpu.memory_space<vmem>>, %arg7: memref<!tpu.dma_semaphore, #tpu.memory_space<semaphore_mem>>) attributes {dimension_semantics = [#tpu.dimension_semantics<core_parallel>, #tpu.dimension_semantics<subcore_parallel>], iteration_bounds = array<i64: 2, 16>, scalar_prefetch = 0 : i64, scratch_operands = 3 : i64, tpu.core_type = #tpu.core_type<sc_vector_subcore>, window_params = [{transform_indices = #map}, {transform_indices = #map}, {transform_indices = #map}]} {
    %mul3A = arith.constant 2 : i32
    %mul3A_0 = arith.muli %arg1, %mul3A : i32
    %add3A = arith.addi %mul3A_0, %arg0 : i32
    %scan3A = arith.constant 0 : i32
    %scan3A_1 = arith.constant 0 : i32
    %scan3A_2 = arith.constant 7 : i32
    %scan3A_3 = arith.addi %scan3A_1, %scan3A_2 : i32
    %scan3A_4 = arith.constant 1 : i32
    scf.for %scan3A_6 = %scan3A_1 to %scan3A_3 step %scan3A_4  : i32 {
      %mul3A_7 = arith.constant 49 : i32
      %mul3A_8 = arith.muli %add3A, %mul3A_7 : i32
      %mul3A_9 = arith.constant 7 : i32
      %mul3A_10 = arith.muli %scan3A_6, %mul3A_9 : i32
      %add3A_11 = arith.addi %mul3A_8, %mul3A_10 : i32
      %add3A_12 = arith.constant 0 : i32
      %add3A_13 = arith.addi %add3A_12, %add3A_11 : i32
      "tpu.region"() ({
        %run_scoped3A = tpu.sem_alloc : memref<!tpu.dma_semaphore, #tpu.memory_space<semaphore_mem>>
        %dma_start3A_154 = arith.constant 0 : i32
        %dma_start3A_155 = tpu.memref_slice %arg3[%add3A_13, %dma_start3A_154] : memref<3136x128xi32, #tpu.memory_space<hbm>> -> memref<7x128xi32, #tpu.memory_space<hbm>>
        %dma_start3A_156 = arith.constant 0 : i32
        %dma_start3A_157 = tpu.memref_slice %arg3[%add3A_13, %dma_start3A_156] : memref<3136x128xi32, #tpu.memory_space<hbm>> -> memref<7x128xi32, #tpu.memory_space<hbm>>
        tpu.enqueue_dma source(%dma_start3A_157 : memref<7x128xi32, #tpu.memory_space<hbm>>) target(%arg5 : memref<7x128xi32, #tpu.memory_space<vmem>>) target_semaphore(%run_scoped3A : memref<!tpu.dma_semaphore, #tpu.memory_space<semaphore_mem>>)
        %dma_wait3A_158 = arith.constant 0 : i32
        %dma_wait3A_159 = tpu.memref_slice %arg3[%add3A_13, %dma_wait3A_158] : memref<3136x128xi32, #tpu.memory_space<hbm>> -> memref<7x128xi32, #tpu.memory_space<hbm>>
        %dma_wait3A_160 = arith.constant 0 : i32
        %dma_wait3A_161 = tpu.memref_slice %arg3[%add3A_13, %dma_wait3A_160] : memref<3136x128xi32, #tpu.memory_space<hbm>> -> memref<7x128xi32, #tpu.memory_space<hbm>>
        tpu.wait_dma2 semaphore(%run_scoped3A : memref<!tpu.dma_semaphore, #tpu.memory_space<semaphore_mem>>) src(%dma_wait3A_161 : memref<7x128xi32, #tpu.memory_space<hbm>>) dst(%arg5 : memref<7x128xi32, #tpu.memory_space<vmem>>)
        tpu.yield
      }) : () -> ()
      %dma_start3A = arith.constant 0 : i32
      %dma_start3A_14 = arith.constant 0 : i32
      %dma_start3A_15 = arith.constant 0 : i32
      %dma_start3A_16 = tpu.memref_slice %arg6[%dma_start3A_14, %dma_start3A_15] : memref<896x16xf32, #tpu.memory_space<vmem>> -> memref<128x16xf32, #tpu.memory_space<vmem>>
      %dma_start3A_17 = arith.constant 0 : i32
      %dma_start3A_18 = tpu.memref_slice %arg5[%dma_start3A, %dma_start3A_17] : memref<7x128xi32, #tpu.memory_space<vmem>> -> memref<1x128xi32, #tpu.memory_space<vmem>>
      %dma_start3A_19 = tpu.memref_squeeze %dma_start3A_18 : memref<1x128xi32, #tpu.memory_space<vmem>> -> memref<128xi32, #tpu.memory_space<vmem>>
      %dma_start3A_20 = arith.constant 0 : i32
      %dma_start3A_21 = arith.constant 0 : i32
      %dma_start3A_22 = tpu.memref_slice %arg2[%dma_start3A_20, %dma_start3A_21] : memref<50000x16xf32, #tpu.memory_space<hbm>> -> memref<50000x16xf32, #tpu.memory_space<hbm>>
      tpu.enqueue_indirect_dma source(%dma_start3A_22 : memref<50000x16xf32, #tpu.memory_space<hbm>>) target(%dma_start3A_16 : memref<128x16xf32, #tpu.memory_space<vmem>>) offsets(%dma_start3A_19 : memref<128xi32, #tpu.memory_space<vmem>>) semaphore(%arg7 : memref<!tpu.dma_semaphore, #tpu.memory_space<semaphore_mem>>)
      %dma_start3A_23 = arith.constant 1 : i32
      %dma_start3A_24 = arith.constant 128 : i32
      %dma_start3A_25 = arith.constant 0 : i32
      %dma_start3A_26 = tpu.memref_slice %arg6[%dma_start3A_24, %dma_start3A_25] : memref<896x16xf32, #tpu.memory_space<vmem>> -> memref<128x16xf32, #tpu.memory_space<vmem>>
      %dma_start3A_27 = arith.constant 0 : i32
      %dma_start3A_28 = tpu.memref_slice %arg5[%dma_start3A_23, %dma_start3A_27] : memref<7x128xi32, #tpu.memory_space<vmem>> -> memref<1x128xi32, #tpu.memory_space<vmem>>
      %dma_start3A_29 = tpu.memref_squeeze %dma_start3A_28 : memref<1x128xi32, #tpu.memory_space<vmem>> -> memref<128xi32, #tpu.memory_space<vmem>>
      %dma_start3A_30 = arith.constant 0 : i32
      %dma_start3A_31 = arith.constant 0 : i32
      %dma_start3A_32 = tpu.memref_slice %arg2[%dma_start3A_30, %dma_start3A_31] : memref<50000x16xf32, #tpu.memory_space<hbm>> -> memref<50000x16xf32, #tpu.memory_space<hbm>>
      tpu.enqueue_indirect_dma source(%dma_start3A_32 : memref<50000x16xf32, #tpu.memory_space<hbm>>) target(%dma_start3A_26 : memref<128x16xf32, #tpu.memory_space<vmem>>) offsets(%dma_start3A_29 : memref<128xi32, #tpu.memory_space<vmem>>) semaphore(%arg7 : memref<!tpu.dma_semaphore, #tpu.memory_space<semaphore_mem>>)
      %dma_start3A_33 = arith.constant 2 : i32
      %dma_start3A_34 = arith.constant 256 : i32
      %dma_start3A_35 = arith.constant 0 : i32
      %dma_start3A_36 = tpu.memref_slice %arg6[%dma_start3A_34, %dma_start3A_35] : memref<896x16xf32, #tpu.memory_space<vmem>> -> memref<128x16xf32, #tpu.memory_space<vmem>>
      %dma_start3A_37 = arith.constant 0 : i32
      %dma_start3A_38 = tpu.memref_slice %arg5[%dma_start3A_33, %dma_start3A_37] : memref<7x128xi32, #tpu.memory_space<vmem>> -> memref<1x128xi32, #tpu.memory_space<vmem>>
      %dma_start3A_39 = tpu.memref_squeeze %dma_start3A_38 : memref<1x128xi32, #tpu.memory_space<vmem>> -> memref<128xi32, #tpu.memory_space<vmem>>
      %dma_start3A_40 = arith.constant 0 : i32
      %dma_start3A_41 = arith.constant 0 : i32
      %dma_start3A_42 = tpu.memref_slice %arg2[%dma_start3A_40, %dma_start3A_41] : memref<50000x16xf32, #tpu.memory_space<hbm>> -> memref<50000x16xf32, #tpu.memory_space<hbm>>
      tpu.enqueue_indirect_dma source(%dma_start3A_42 : memref<50000x16xf32, #tpu.memory_space<hbm>>) target(%dma_start3A_36 : memref<128x16xf32, #tpu.memory_space<vmem>>) offsets(%dma_start3A_39 : memref<128xi32, #tpu.memory_space<vmem>>) semaphore(%arg7 : memref<!tpu.dma_semaphore, #tpu.memory_space<semaphore_mem>>)
      %dma_start3A_43 = arith.constant 3 : i32
      %dma_start3A_44 = arith.constant 384 : i32
      %dma_start3A_45 = arith.constant 0 : i32
      %dma_start3A_46 = tpu.memref_slice %arg6[%dma_start3A_44, %dma_start3A_45] : memref<896x16xf32, #tpu.memory_space<vmem>> -> memref<128x16xf32, #tpu.memory_space<vmem>>
      %dma_start3A_47 = arith.constant 0 : i32
      %dma_start3A_48 = tpu.memref_slice %arg5[%dma_start3A_43, %dma_start3A_47] : memref<7x128xi32, #tpu.memory_space<vmem>> -> memref<1x128xi32, #tpu.memory_space<vmem>>
      %dma_start3A_49 = tpu.memref_squeeze %dma_start3A_48 : memref<1x128xi32, #tpu.memory_space<vmem>> -> memref<128xi32, #tpu.memory_space<vmem>>
      %dma_start3A_50 = arith.constant 0 : i32
      %dma_start3A_51 = arith.constant 0 : i32
      %dma_start3A_52 = tpu.memref_slice %arg2[%dma_start3A_50, %dma_start3A_51] : memref<50000x16xf32, #tpu.memory_space<hbm>> -> memref<50000x16xf32, #tpu.memory_space<hbm>>
      tpu.enqueue_indirect_dma source(%dma_start3A_52 : memref<50000x16xf32, #tpu.memory_space<hbm>>) target(%dma_start3A_46 : memref<128x16xf32, #tpu.memory_space<vmem>>) offsets(%dma_start3A_49 : memref<128xi32, #tpu.memory_space<vmem>>) semaphore(%arg7 : memref<!tpu.dma_semaphore, #tpu.memory_space<semaphore_mem>>)
      %dma_start3A_53 = arith.constant 4 : i32
      %dma_start3A_54 = arith.constant 512 : i32
      %dma_start3A_55 = arith.constant 0 : i32
      %dma_start3A_56 = tpu.memref_slice %arg6[%dma_start3A_54, %dma_start3A_55] : memref<896x16xf32, #tpu.memory_space<vmem>> -> memref<128x16xf32, #tpu.memory_space<vmem>>
      %dma_start3A_57 = arith.constant 0 : i32
      %dma_start3A_58 = tpu.memref_slice %arg5[%dma_start3A_53, %dma_start3A_57] : memref<7x128xi32, #tpu.memory_space<vmem>> -> memref<1x128xi32, #tpu.memory_space<vmem>>
      %dma_start3A_59 = tpu.memref_squeeze %dma_start3A_58 : memref<1x128xi32, #tpu.memory_space<vmem>> -> memref<128xi32, #tpu.memory_space<vmem>>
      %dma_start3A_60 = arith.constant 0 : i32
      %dma_start3A_61 = arith.constant 0 : i32
      %dma_start3A_62 = tpu.memref_slice %arg2[%dma_start3A_60, %dma_start3A_61] : memref<50000x16xf32, #tpu.memory_space<hbm>> -> memref<50000x16xf32, #tpu.memory_space<hbm>>
      tpu.enqueue_indirect_dma source(%dma_start3A_62 : memref<50000x16xf32, #tpu.memory_space<hbm>>) target(%dma_start3A_56 : memref<128x16xf32, #tpu.memory_space<vmem>>) offsets(%dma_start3A_59 : memref<128xi32, #tpu.memory_space<vmem>>) semaphore(%arg7 : memref<!tpu.dma_semaphore, #tpu.memory_space<semaphore_mem>>)
      %dma_start3A_63 = arith.constant 5 : i32
      %dma_start3A_64 = arith.constant 640 : i32
      %dma_start3A_65 = arith.constant 0 : i32
      %dma_start3A_66 = tpu.memref_slice %arg6[%dma_start3A_64, %dma_start3A_65] : memref<896x16xf32, #tpu.memory_space<vmem>> -> memref<128x16xf32, #tpu.memory_space<vmem>>
      %dma_start3A_67 = arith.constant 0 : i32
      %dma_start3A_68 = tpu.memref_slice %arg5[%dma_start3A_63, %dma_start3A_67] : memref<7x128xi32, #tpu.memory_space<vmem>> -> memref<1x128xi32, #tpu.memory_space<vmem>>
      %dma_start3A_69 = tpu.memref_squeeze %dma_start3A_68 : memref<1x128xi32, #tpu.memory_space<vmem>> -> memref<128xi32, #tpu.memory_space<vmem>>
      %dma_start3A_70 = arith.constant 0 : i32
      %dma_start3A_71 = arith.constant 0 : i32
      %dma_start3A_72 = tpu.memref_slice %arg2[%dma_start3A_70, %dma_start3A_71] : memref<50000x16xf32, #tpu.memory_space<hbm>> -> memref<50000x16xf32, #tpu.memory_space<hbm>>
      tpu.enqueue_indirect_dma source(%dma_start3A_72 : memref<50000x16xf32, #tpu.memory_space<hbm>>) target(%dma_start3A_66 : memref<128x16xf32, #tpu.memory_space<vmem>>) offsets(%dma_start3A_69 : memref<128xi32, #tpu.memory_space<vmem>>) semaphore(%arg7 : memref<!tpu.dma_semaphore, #tpu.memory_space<semaphore_mem>>)
      %dma_start3A_73 = arith.constant 6 : i32
      %dma_start3A_74 = arith.constant 768 : i32
      %dma_start3A_75 = arith.constant 0 : i32
      %dma_start3A_76 = tpu.memref_slice %arg6[%dma_start3A_74, %dma_start3A_75] : memref<896x16xf32, #tpu.memory_space<vmem>> -> memref<128x16xf32, #tpu.memory_space<vmem>>
      %dma_start3A_77 = arith.constant 0 : i32
      %dma_start3A_78 = tpu.memref_slice %arg5[%dma_start3A_73, %dma_start3A_77] : memref<7x128xi32, #tpu.memory_space<vmem>> -> memref<1x128xi32, #tpu.memory_space<vmem>>
      %dma_start3A_79 = tpu.memref_squeeze %dma_start3A_78 : memref<1x128xi32, #tpu.memory_space<vmem>> -> memref<128xi32, #tpu.memory_space<vmem>>
      %dma_start3A_80 = arith.constant 0 : i32
      %dma_start3A_81 = arith.constant 0 : i32
      %dma_start3A_82 = tpu.memref_slice %arg2[%dma_start3A_80, %dma_start3A_81] : memref<50000x16xf32, #tpu.memory_space<hbm>> -> memref<50000x16xf32, #tpu.memory_space<hbm>>
      tpu.enqueue_indirect_dma source(%dma_start3A_82 : memref<50000x16xf32, #tpu.memory_space<hbm>>) target(%dma_start3A_76 : memref<128x16xf32, #tpu.memory_space<vmem>>) offsets(%dma_start3A_79 : memref<128xi32, #tpu.memory_space<vmem>>) semaphore(%arg7 : memref<!tpu.dma_semaphore, #tpu.memory_space<semaphore_mem>>)
      %dma_wait3A = arith.constant 0 : i32
      %dma_wait3A_83 = arith.constant 0 : i32
      %dma_wait3A_84 = arith.constant 0 : i32
      %dma_wait3A_85 = tpu.memref_slice %arg6[%dma_wait3A_83, %dma_wait3A_84] : memref<896x16xf32, #tpu.memory_space<vmem>> -> memref<128x16xf32, #tpu.memory_space<vmem>>
      %dma_wait3A_86 = arith.constant 0 : i32
      %dma_wait3A_87 = tpu.memref_slice %arg5[%dma_wait3A, %dma_wait3A_86] : memref<7x128xi32, #tpu.memory_space<vmem>> -> memref<1x128xi32, #tpu.memory_space<vmem>>
      %dma_wait3A_88 = tpu.memref_squeeze %dma_wait3A_87 : memref<1x128xi32, #tpu.memory_space<vmem>> -> memref<128xi32, #tpu.memory_space<vmem>>
      %dma_wait3A_89 = arith.constant 0 : i32
      %dma_wait3A_90 = arith.constant 0 : i32
      %dma_wait3A_91 = tpu.memref_slice %arg2[%dma_wait3A_89, %dma_wait3A_90] : memref<50000x16xf32, #tpu.memory_space<hbm>> -> memref<50000x16xf32, #tpu.memory_space<hbm>>
      tpu.wait_indirect_dma semaphore(%arg7 : memref<!tpu.dma_semaphore, #tpu.memory_space<semaphore_mem>>) src(%dma_wait3A_91 : memref<50000x16xf32, #tpu.memory_space<hbm>>) dst(%dma_wait3A_85 : memref<128x16xf32, #tpu.memory_space<vmem>>)
      %dma_wait3A_92 = arith.constant 1 : i32
      %dma_wait3A_93 = arith.constant 128 : i32
      %dma_wait3A_94 = arith.constant 0 : i32
      %dma_wait3A_95 = tpu.memref_slice %arg6[%dma_wait3A_93, %dma_wait3A_94] : memref<896x16xf32, #tpu.memory_space<vmem>> -> memref<128x16xf32, #tpu.memory_space<vmem>>
      %dma_wait3A_96 = arith.constant 0 : i32
      %dma_wait3A_97 = tpu.memref_slice %arg5[%dma_wait3A_92, %dma_wait3A_96] : memref<7x128xi32, #tpu.memory_space<vmem>> -> memref<1x128xi32, #tpu.memory_space<vmem>>
      %dma_wait3A_98 = tpu.memref_squeeze %dma_wait3A_97 : memref<1x128xi32, #tpu.memory_space<vmem>> -> memref<128xi32, #tpu.memory_space<vmem>>
      %dma_wait3A_99 = arith.constant 0 : i32
      %dma_wait3A_100 = arith.constant 0 : i32
      %dma_wait3A_101 = tpu.memref_slice %arg2[%dma_wait3A_99, %dma_wait3A_100] : memref<50000x16xf32, #tpu.memory_space<hbm>> -> memref<50000x16xf32, #tpu.memory_space<hbm>>
      tpu.wait_indirect_dma semaphore(%arg7 : memref<!tpu.dma_semaphore, #tpu.memory_space<semaphore_mem>>) src(%dma_wait3A_101 : memref<50000x16xf32, #tpu.memory_space<hbm>>) dst(%dma_wait3A_95 : memref<128x16xf32, #tpu.memory_space<vmem>>)
      %dma_wait3A_102 = arith.constant 2 : i32
      %dma_wait3A_103 = arith.constant 256 : i32
      %dma_wait3A_104 = arith.constant 0 : i32
      %dma_wait3A_105 = tpu.memref_slice %arg6[%dma_wait3A_103, %dma_wait3A_104] : memref<896x16xf32, #tpu.memory_space<vmem>> -> memref<128x16xf32, #tpu.memory_space<vmem>>
      %dma_wait3A_106 = arith.constant 0 : i32
      %dma_wait3A_107 = tpu.memref_slice %arg5[%dma_wait3A_102, %dma_wait3A_106] : memref<7x128xi32, #tpu.memory_space<vmem>> -> memref<1x128xi32, #tpu.memory_space<vmem>>
      %dma_wait3A_108 = tpu.memref_squeeze %dma_wait3A_107 : memref<1x128xi32, #tpu.memory_space<vmem>> -> memref<128xi32, #tpu.memory_space<vmem>>
      %dma_wait3A_109 = arith.constant 0 : i32
      %dma_wait3A_110 = arith.constant 0 : i32
      %dma_wait3A_111 = tpu.memref_slice %arg2[%dma_wait3A_109, %dma_wait3A_110] : memref<50000x16xf32, #tpu.memory_space<hbm>> -> memref<50000x16xf32, #tpu.memory_space<hbm>>
      tpu.wait_indirect_dma semaphore(%arg7 : memref<!tpu.dma_semaphore, #tpu.memory_space<semaphore_mem>>) src(%dma_wait3A_111 : memref<50000x16xf32, #tpu.memory_space<hbm>>) dst(%dma_wait3A_105 : memref<128x16xf32, #tpu.memory_space<vmem>>)
      %dma_wait3A_112 = arith.constant 3 : i32
      %dma_wait3A_113 = arith.constant 384 : i32
      %dma_wait3A_114 = arith.constant 0 : i32
      %dma_wait3A_115 = tpu.memref_slice %arg6[%dma_wait3A_113, %dma_wait3A_114] : memref<896x16xf32, #tpu.memory_space<vmem>> -> memref<128x16xf32, #tpu.memory_space<vmem>>
      %dma_wait3A_116 = arith.constant 0 : i32
      %dma_wait3A_117 = tpu.memref_slice %arg5[%dma_wait3A_112, %dma_wait3A_116] : memref<7x128xi32, #tpu.memory_space<vmem>> -> memref<1x128xi32, #tpu.memory_space<vmem>>
      %dma_wait3A_118 = tpu.memref_squeeze %dma_wait3A_117 : memref<1x128xi32, #tpu.memory_space<vmem>> -> memref<128xi32, #tpu.memory_space<vmem>>
      %dma_wait3A_119 = arith.constant 0 : i32
      %dma_wait3A_120 = arith.constant 0 : i32
      %dma_wait3A_121 = tpu.memref_slice %arg2[%dma_wait3A_119, %dma_wait3A_120] : memref<50000x16xf32, #tpu.memory_space<hbm>> -> memref<50000x16xf32, #tpu.memory_space<hbm>>
      tpu.wait_indirect_dma semaphore(%arg7 : memref<!tpu.dma_semaphore, #tpu.memory_space<semaphore_mem>>) src(%dma_wait3A_121 : memref<50000x16xf32, #tpu.memory_space<hbm>>) dst(%dma_wait3A_115 : memref<128x16xf32, #tpu.memory_space<vmem>>)
      %dma_wait3A_122 = arith.constant 4 : i32
      %dma_wait3A_123 = arith.constant 512 : i32
      %dma_wait3A_124 = arith.constant 0 : i32
      %dma_wait3A_125 = tpu.memref_slice %arg6[%dma_wait3A_123, %dma_wait3A_124] : memref<896x16xf32, #tpu.memory_space<vmem>> -> memref<128x16xf32, #tpu.memory_space<vmem>>
      %dma_wait3A_126 = arith.constant 0 : i32
      %dma_wait3A_127 = tpu.memref_slice %arg5[%dma_wait3A_122, %dma_wait3A_126] : memref<7x128xi32, #tpu.memory_space<vmem>> -> memref<1x128xi32, #tpu.memory_space<vmem>>
      %dma_wait3A_128 = tpu.memref_squeeze %dma_wait3A_127 : memref<1x128xi32, #tpu.memory_space<vmem>> -> memref<128xi32, #tpu.memory_space<vmem>>
      %dma_wait3A_129 = arith.constant 0 : i32
      %dma_wait3A_130 = arith.constant 0 : i32
      %dma_wait3A_131 = tpu.memref_slice %arg2[%dma_wait3A_129, %dma_wait3A_130] : memref<50000x16xf32, #tpu.memory_space<hbm>> -> memref<50000x16xf32, #tpu.memory_space<hbm>>
      tpu.wait_indirect_dma semaphore(%arg7 : memref<!tpu.dma_semaphore, #tpu.memory_space<semaphore_mem>>) src(%dma_wait3A_131 : memref<50000x16xf32, #tpu.memory_space<hbm>>) dst(%dma_wait3A_125 : memref<128x16xf32, #tpu.memory_space<vmem>>)
      %dma_wait3A_132 = arith.constant 5 : i32
      %dma_wait3A_133 = arith.constant 640 : i32
      %dma_wait3A_134 = arith.constant 0 : i32
      %dma_wait3A_135 = tpu.memref_slice %arg6[%dma_wait3A_133, %dma_wait3A_134] : memref<896x16xf32, #tpu.memory_space<vmem>> -> memref<128x16xf32, #tpu.memory_space<vmem>>
      %dma_wait3A_136 = arith.constant 0 : i32
      %dma_wait3A_137 = tpu.memref_slice %arg5[%dma_wait3A_132, %dma_wait3A_136] : memref<7x128xi32, #tpu.memory_space<vmem>> -> memref<1x128xi32, #tpu.memory_space<vmem>>
      %dma_wait3A_138 = tpu.memref_squeeze %dma_wait3A_137 : memref<1x128xi32, #tpu.memory_space<vmem>> -> memref<128xi32, #tpu.memory_space<vmem>>
      %dma_wait3A_139 = arith.constant 0 : i32
      %dma_wait3A_140 = arith.constant 0 : i32
      %dma_wait3A_141 = tpu.memref_slice %arg2[%dma_wait3A_139, %dma_wait3A_140] : memref<50000x16xf32, #tpu.memory_space<hbm>> -> memref<50000x16xf32, #tpu.memory_space<hbm>>
      tpu.wait_indirect_dma semaphore(%arg7 : memref<!tpu.dma_semaphore, #tpu.memory_space<semaphore_mem>>) src(%dma_wait3A_141 : memref<50000x16xf32, #tpu.memory_space<hbm>>) dst(%dma_wait3A_135 : memref<128x16xf32, #tpu.memory_space<vmem>>)
      %dma_wait3A_142 = arith.constant 6 : i32
      %dma_wait3A_143 = arith.constant 768 : i32
      %dma_wait3A_144 = arith.constant 0 : i32
      %dma_wait3A_145 = tpu.memref_slice %arg6[%dma_wait3A_143, %dma_wait3A_144] : memref<896x16xf32, #tpu.memory_space<vmem>> -> memref<128x16xf32, #tpu.memory_space<vmem>>
      %dma_wait3A_146 = arith.constant 0 : i32
      %dma_wait3A_147 = tpu.memref_slice %arg5[%dma_wait3A_142, %dma_wait3A_146] : memref<7x128xi32, #tpu.memory_space<vmem>> -> memref<1x128xi32, #tpu.memory_space<vmem>>
      %dma_wait3A_148 = tpu.memref_squeeze %dma_wait3A_147 : memref<1x128xi32, #tpu.memory_space<vmem>> -> memref<128xi32, #tpu.memory_space<vmem>>
      %dma_wait3A_149 = arith.constant 0 : i32
      %dma_wait3A_150 = arith.constant 0 : i32
      %dma_wait3A_151 = tpu.memref_slice %arg2[%dma_wait3A_149, %dma_wait3A_150] : memref<50000x16xf32, #tpu.memory_space<hbm>> -> memref<50000x16xf32, #tpu.memory_space<hbm>>
      tpu.wait_indirect_dma semaphore(%arg7 : memref<!tpu.dma_semaphore, #tpu.memory_space<semaphore_mem>>) src(%dma_wait3A_151 : memref<50000x16xf32, #tpu.memory_space<hbm>>) dst(%dma_wait3A_145 : memref<128x16xf32, #tpu.memory_space<vmem>>)
      %mul3A_152 = arith.constant 128 : i32
      %mul3A_153 = arith.muli %add3A_11, %mul3A_152 : i32
      "tpu.region"() ({
        %run_scoped3A = tpu.sem_alloc : memref<!tpu.dma_semaphore, #tpu.memory_space<semaphore_mem>>
        %dma_start3A_154 = arith.constant 0 : i32
        %dma_start3A_155 = tpu.memref_slice %arg4[%mul3A_153, %dma_start3A_154] : memref<200704x16xf32, #tpu.memory_space<hbm>> -> memref<896x16xf32, #tpu.memory_space<hbm>>
        %dma_start3A_156 = arith.constant 0 : i32
        %dma_start3A_157 = tpu.memref_slice %arg4[%mul3A_153, %dma_start3A_156] : memref<200704x16xf32, #tpu.memory_space<hbm>> -> memref<896x16xf32, #tpu.memory_space<hbm>>
        tpu.enqueue_dma source(%arg6 : memref<896x16xf32, #tpu.memory_space<vmem>>) target(%dma_start3A_157 : memref<896x16xf32, #tpu.memory_space<hbm>>) target_semaphore(%run_scoped3A : memref<!tpu.dma_semaphore, #tpu.memory_space<semaphore_mem>>)
        %dma_wait3A_158 = arith.constant 0 : i32
        %dma_wait3A_159 = tpu.memref_slice %arg4[%mul3A_153, %dma_wait3A_158] : memref<200704x16xf32, #tpu.memory_space<hbm>> -> memref<896x16xf32, #tpu.memory_space<hbm>>
        %dma_wait3A_160 = arith.constant 0 : i32
        %dma_wait3A_161 = tpu.memref_slice %arg4[%mul3A_153, %dma_wait3A_160] : memref<200704x16xf32, #tpu.memory_space<hbm>> -> memref<896x16xf32, #tpu.memory_space<hbm>>
        tpu.wait_dma2 semaphore(%run_scoped3A : memref<!tpu.dma_semaphore, #tpu.memory_space<semaphore_mem>>) src(%arg6 : memref<896x16xf32, #tpu.memory_space<vmem>>) dst(%dma_wait3A_161 : memref<896x16xf32, #tpu.memory_space<hbm>>)
        tpu.yield
      }) : () -> ()
    }
    %scan3A_5 = arith.constant 7 : i32
    return
  }
}

#map = affine_map<(d0, d1) -> (0, 0)>
module attributes {stable_mosaic.version = 14 : i64} {
  func.func @_lambda_(%arg0: i32, %arg1: i32, %arg2: memref<50000x16xf32, #tpu.memory_space<hbm>>, %arg3: memref<3136x128xi32, #tpu.memory_space<hbm>>, %arg4: memref<200704x16xf32, #tpu.memory_space<hbm>>, %arg5: memref<7x128xi32, #tpu.memory_space<vmem>>, %arg6: memref<896x16xf32, #tpu.memory_space<vmem>>, %arg7: memref<!tpu.dma_semaphore, #tpu.memory_space<semaphore_mem>>) attributes {dimension_semantics = [#tpu.dimension_semantics<core_parallel>, #tpu.dimension_semantics<subcore_parallel>], iteration_bounds = array<i64: 2, 16>, scalar_prefetch = 0 : i64, scratch_operands = 3 : i64, tpu.core_type = #tpu.core_type<sc_vector_subcore>, window_params = [{transform_indices = #map}, {transform_indices = #map}, {transform_indices = #map}]} {
    %mul3A = arith.constant 2 : i32
    %mul3A_0 = arith.muli %arg1, %mul3A : i32
    %add3A = arith.addi %mul3A_0, %arg0 : i32
    %scan3A = arith.constant 0 : i32
    %scan3A_1 = arith.constant 0 : i32
    %scan3A_2 = arith.constant 7 : i32
    %scan3A_3 = arith.addi %scan3A_1, %scan3A_2 : i32
    %scan3A_4 = arith.constant 1 : i32
    scf.for %scan3A_6 = %scan3A_1 to %scan3A_3 step %scan3A_4  : i32 {
      %mul3A_7 = arith.constant 49 : i32
      %mul3A_8 = arith.muli %add3A, %mul3A_7 : i32
      %mul3A_9 = arith.constant 7 : i32
      %mul3A_10 = arith.muli %scan3A_6, %mul3A_9 : i32
      %add3A_11 = arith.addi %mul3A_8, %mul3A_10 : i32
      %add3A_12 = arith.constant 1568 : i32
      %add3A_13 = arith.addi %add3A_12, %add3A_11 : i32
      "tpu.region"() ({
        %run_scoped3A = tpu.sem_alloc : memref<!tpu.dma_semaphore, #tpu.memory_space<semaphore_mem>>
        %dma_start3A_154 = arith.constant 0 : i32
        %dma_start3A_155 = tpu.memref_slice %arg3[%add3A_13, %dma_start3A_154] : memref<3136x128xi32, #tpu.memory_space<hbm>> -> memref<7x128xi32, #tpu.memory_space<hbm>>
        %dma_start3A_156 = arith.constant 0 : i32
        %dma_start3A_157 = tpu.memref_slice %arg3[%add3A_13, %dma_start3A_156] : memref<3136x128xi32, #tpu.memory_space<hbm>> -> memref<7x128xi32, #tpu.memory_space<hbm>>
        tpu.enqueue_dma source(%dma_start3A_157 : memref<7x128xi32, #tpu.memory_space<hbm>>) target(%arg5 : memref<7x128xi32, #tpu.memory_space<vmem>>) target_semaphore(%run_scoped3A : memref<!tpu.dma_semaphore, #tpu.memory_space<semaphore_mem>>)
        %dma_wait3A_158 = arith.constant 0 : i32
        %dma_wait3A_159 = tpu.memref_slice %arg3[%add3A_13, %dma_wait3A_158] : memref<3136x128xi32, #tpu.memory_space<hbm>> -> memref<7x128xi32, #tpu.memory_space<hbm>>
        %dma_wait3A_160 = arith.constant 0 : i32
        %dma_wait3A_161 = tpu.memref_slice %arg3[%add3A_13, %dma_wait3A_160] : memref<3136x128xi32, #tpu.memory_space<hbm>> -> memref<7x128xi32, #tpu.memory_space<hbm>>
        tpu.wait_dma2 semaphore(%run_scoped3A : memref<!tpu.dma_semaphore, #tpu.memory_space<semaphore_mem>>) src(%dma_wait3A_161 : memref<7x128xi32, #tpu.memory_space<hbm>>) dst(%arg5 : memref<7x128xi32, #tpu.memory_space<vmem>>)
        tpu.yield
      }) : () -> ()
      %dma_start3A = arith.constant 0 : i32
      %dma_start3A_14 = arith.constant 0 : i32
      %dma_start3A_15 = arith.constant 0 : i32
      %dma_start3A_16 = tpu.memref_slice %arg6[%dma_start3A_14, %dma_start3A_15] : memref<896x16xf32, #tpu.memory_space<vmem>> -> memref<128x16xf32, #tpu.memory_space<vmem>>
      %dma_start3A_17 = arith.constant 0 : i32
      %dma_start3A_18 = tpu.memref_slice %arg5[%dma_start3A, %dma_start3A_17] : memref<7x128xi32, #tpu.memory_space<vmem>> -> memref<1x128xi32, #tpu.memory_space<vmem>>
      %dma_start3A_19 = tpu.memref_squeeze %dma_start3A_18 : memref<1x128xi32, #tpu.memory_space<vmem>> -> memref<128xi32, #tpu.memory_space<vmem>>
      %dma_start3A_20 = arith.constant 0 : i32
      %dma_start3A_21 = arith.constant 0 : i32
      %dma_start3A_22 = tpu.memref_slice %arg2[%dma_start3A_20, %dma_start3A_21] : memref<50000x16xf32, #tpu.memory_space<hbm>> -> memref<50000x16xf32, #tpu.memory_space<hbm>>
      tpu.enqueue_indirect_dma source(%dma_start3A_22 : memref<50000x16xf32, #tpu.memory_space<hbm>>) target(%dma_start3A_16 : memref<128x16xf32, #tpu.memory_space<vmem>>) offsets(%dma_start3A_19 : memref<128xi32, #tpu.memory_space<vmem>>) semaphore(%arg7 : memref<!tpu.dma_semaphore, #tpu.memory_space<semaphore_mem>>)
      %dma_start3A_23 = arith.constant 1 : i32
      %dma_start3A_24 = arith.constant 128 : i32
      %dma_start3A_25 = arith.constant 0 : i32
      %dma_start3A_26 = tpu.memref_slice %arg6[%dma_start3A_24, %dma_start3A_25] : memref<896x16xf32, #tpu.memory_space<vmem>> -> memref<128x16xf32, #tpu.memory_space<vmem>>
      %dma_start3A_27 = arith.constant 0 : i32
      %dma_start3A_28 = tpu.memref_slice %arg5[%dma_start3A_23, %dma_start3A_27] : memref<7x128xi32, #tpu.memory_space<vmem>> -> memref<1x128xi32, #tpu.memory_space<vmem>>
      %dma_start3A_29 = tpu.memref_squeeze %dma_start3A_28 : memref<1x128xi32, #tpu.memory_space<vmem>> -> memref<128xi32, #tpu.memory_space<vmem>>
      %dma_start3A_30 = arith.constant 0 : i32
      %dma_start3A_31 = arith.constant 0 : i32
      %dma_start3A_32 = tpu.memref_slice %arg2[%dma_start3A_30, %dma_start3A_31] : memref<50000x16xf32, #tpu.memory_space<hbm>> -> memref<50000x16xf32, #tpu.memory_space<hbm>>
      tpu.enqueue_indirect_dma source(%dma_start3A_32 : memref<50000x16xf32, #tpu.memory_space<hbm>>) target(%dma_start3A_26 : memref<128x16xf32, #tpu.memory_space<vmem>>) offsets(%dma_start3A_29 : memref<128xi32, #tpu.memory_space<vmem>>) semaphore(%arg7 : memref<!tpu.dma_semaphore, #tpu.memory_space<semaphore_mem>>)
      %dma_start3A_33 = arith.constant 2 : i32
      %dma_start3A_34 = arith.constant 256 : i32
      %dma_start3A_35 = arith.constant 0 : i32
      %dma_start3A_36 = tpu.memref_slice %arg6[%dma_start3A_34, %dma_start3A_35] : memref<896x16xf32, #tpu.memory_space<vmem>> -> memref<128x16xf32, #tpu.memory_space<vmem>>
      %dma_start3A_37 = arith.constant 0 : i32
      %dma_start3A_38 = tpu.memref_slice %arg5[%dma_start3A_33, %dma_start3A_37] : memref<7x128xi32, #tpu.memory_space<vmem>> -> memref<1x128xi32, #tpu.memory_space<vmem>>
      %dma_start3A_39 = tpu.memref_squeeze %dma_start3A_38 : memref<1x128xi32, #tpu.memory_space<vmem>> -> memref<128xi32, #tpu.memory_space<vmem>>
      %dma_start3A_40 = arith.constant 0 : i32
      %dma_start3A_41 = arith.constant 0 : i32
      %dma_start3A_42 = tpu.memref_slice %arg2[%dma_start3A_40, %dma_start3A_41] : memref<50000x16xf32, #tpu.memory_space<hbm>> -> memref<50000x16xf32, #tpu.memory_space<hbm>>
      tpu.enqueue_indirect_dma source(%dma_start3A_42 : memref<50000x16xf32, #tpu.memory_space<hbm>>) target(%dma_start3A_36 : memref<128x16xf32, #tpu.memory_space<vmem>>) offsets(%dma_start3A_39 : memref<128xi32, #tpu.memory_space<vmem>>) semaphore(%arg7 : memref<!tpu.dma_semaphore, #tpu.memory_space<semaphore_mem>>)
      %dma_start3A_43 = arith.constant 3 : i32
      %dma_start3A_44 = arith.constant 384 : i32
      %dma_start3A_45 = arith.constant 0 : i32
      %dma_start3A_46 = tpu.memref_slice %arg6[%dma_start3A_44, %dma_start3A_45] : memref<896x16xf32, #tpu.memory_space<vmem>> -> memref<128x16xf32, #tpu.memory_space<vmem>>
      %dma_start3A_47 = arith.constant 0 : i32
      %dma_start3A_48 = tpu.memref_slice %arg5[%dma_start3A_43, %dma_start3A_47] : memref<7x128xi32, #tpu.memory_space<vmem>> -> memref<1x128xi32, #tpu.memory_space<vmem>>
      %dma_start3A_49 = tpu.memref_squeeze %dma_start3A_48 : memref<1x128xi32, #tpu.memory_space<vmem>> -> memref<128xi32, #tpu.memory_space<vmem>>
      %dma_start3A_50 = arith.constant 0 : i32
      %dma_start3A_51 = arith.constant 0 : i32
      %dma_start3A_52 = tpu.memref_slice %arg2[%dma_start3A_50, %dma_start3A_51] : memref<50000x16xf32, #tpu.memory_space<hbm>> -> memref<50000x16xf32, #tpu.memory_space<hbm>>
      tpu.enqueue_indirect_dma source(%dma_start3A_52 : memref<50000x16xf32, #tpu.memory_space<hbm>>) target(%dma_start3A_46 : memref<128x16xf32, #tpu.memory_space<vmem>>) offsets(%dma_start3A_49 : memref<128xi32, #tpu.memory_space<vmem>>) semaphore(%arg7 : memref<!tpu.dma_semaphore, #tpu.memory_space<semaphore_mem>>)
      %dma_start3A_53 = arith.constant 4 : i32
      %dma_start3A_54 = arith.constant 512 : i32
      %dma_start3A_55 = arith.constant 0 : i32
      %dma_start3A_56 = tpu.memref_slice %arg6[%dma_start3A_54, %dma_start3A_55] : memref<896x16xf32, #tpu.memory_space<vmem>> -> memref<128x16xf32, #tpu.memory_space<vmem>>
      %dma_start3A_57 = arith.constant 0 : i32
      %dma_start3A_58 = tpu.memref_slice %arg5[%dma_start3A_53, %dma_start3A_57] : memref<7x128xi32, #tpu.memory_space<vmem>> -> memref<1x128xi32, #tpu.memory_space<vmem>>
      %dma_start3A_59 = tpu.memref_squeeze %dma_start3A_58 : memref<1x128xi32, #tpu.memory_space<vmem>> -> memref<128xi32, #tpu.memory_space<vmem>>
      %dma_start3A_60 = arith.constant 0 : i32
      %dma_start3A_61 = arith.constant 0 : i32
      %dma_start3A_62 = tpu.memref_slice %arg2[%dma_start3A_60, %dma_start3A_61] : memref<50000x16xf32, #tpu.memory_space<hbm>> -> memref<50000x16xf32, #tpu.memory_space<hbm>>
      tpu.enqueue_indirect_dma source(%dma_start3A_62 : memref<50000x16xf32, #tpu.memory_space<hbm>>) target(%dma_start3A_56 : memref<128x16xf32, #tpu.memory_space<vmem>>) offsets(%dma_start3A_59 : memref<128xi32, #tpu.memory_space<vmem>>) semaphore(%arg7 : memref<!tpu.dma_semaphore, #tpu.memory_space<semaphore_mem>>)
      %dma_start3A_63 = arith.constant 5 : i32
      %dma_start3A_64 = arith.constant 640 : i32
      %dma_start3A_65 = arith.constant 0 : i32
      %dma_start3A_66 = tpu.memref_slice %arg6[%dma_start3A_64, %dma_start3A_65] : memref<896x16xf32, #tpu.memory_space<vmem>> -> memref<128x16xf32, #tpu.memory_space<vmem>>
      %dma_start3A_67 = arith.constant 0 : i32
      %dma_start3A_68 = tpu.memref_slice %arg5[%dma_start3A_63, %dma_start3A_67] : memref<7x128xi32, #tpu.memory_space<vmem>> -> memref<1x128xi32, #tpu.memory_space<vmem>>
      %dma_start3A_69 = tpu.memref_squeeze %dma_start3A_68 : memref<1x128xi32, #tpu.memory_space<vmem>> -> memref<128xi32, #tpu.memory_space<vmem>>
      %dma_start3A_70 = arith.constant 0 : i32
      %dma_start3A_71 = arith.constant 0 : i32
      %dma_start3A_72 = tpu.memref_slice %arg2[%dma_start3A_70, %dma_start3A_71] : memref<50000x16xf32, #tpu.memory_space<hbm>> -> memref<50000x16xf32, #tpu.memory_space<hbm>>
      tpu.enqueue_indirect_dma source(%dma_start3A_72 : memref<50000x16xf32, #tpu.memory_space<hbm>>) target(%dma_start3A_66 : memref<128x16xf32, #tpu.memory_space<vmem>>) offsets(%dma_start3A_69 : memref<128xi32, #tpu.memory_space<vmem>>) semaphore(%arg7 : memref<!tpu.dma_semaphore, #tpu.memory_space<semaphore_mem>>)
      %dma_start3A_73 = arith.constant 6 : i32
      %dma_start3A_74 = arith.constant 768 : i32
      %dma_start3A_75 = arith.constant 0 : i32
      %dma_start3A_76 = tpu.memref_slice %arg6[%dma_start3A_74, %dma_start3A_75] : memref<896x16xf32, #tpu.memory_space<vmem>> -> memref<128x16xf32, #tpu.memory_space<vmem>>
      %dma_start3A_77 = arith.constant 0 : i32
      %dma_start3A_78 = tpu.memref_slice %arg5[%dma_start3A_73, %dma_start3A_77] : memref<7x128xi32, #tpu.memory_space<vmem>> -> memref<1x128xi32, #tpu.memory_space<vmem>>
      %dma_start3A_79 = tpu.memref_squeeze %dma_start3A_78 : memref<1x128xi32, #tpu.memory_space<vmem>> -> memref<128xi32, #tpu.memory_space<vmem>>
      %dma_start3A_80 = arith.constant 0 : i32
      %dma_start3A_81 = arith.constant 0 : i32
      %dma_start3A_82 = tpu.memref_slice %arg2[%dma_start3A_80, %dma_start3A_81] : memref<50000x16xf32, #tpu.memory_space<hbm>> -> memref<50000x16xf32, #tpu.memory_space<hbm>>
      tpu.enqueue_indirect_dma source(%dma_start3A_82 : memref<50000x16xf32, #tpu.memory_space<hbm>>) target(%dma_start3A_76 : memref<128x16xf32, #tpu.memory_space<vmem>>) offsets(%dma_start3A_79 : memref<128xi32, #tpu.memory_space<vmem>>) semaphore(%arg7 : memref<!tpu.dma_semaphore, #tpu.memory_space<semaphore_mem>>)
      %dma_wait3A = arith.constant 0 : i32
      %dma_wait3A_83 = arith.constant 0 : i32
      %dma_wait3A_84 = arith.constant 0 : i32
      %dma_wait3A_85 = tpu.memref_slice %arg6[%dma_wait3A_83, %dma_wait3A_84] : memref<896x16xf32, #tpu.memory_space<vmem>> -> memref<128x16xf32, #tpu.memory_space<vmem>>
      %dma_wait3A_86 = arith.constant 0 : i32
      %dma_wait3A_87 = tpu.memref_slice %arg5[%dma_wait3A, %dma_wait3A_86] : memref<7x128xi32, #tpu.memory_space<vmem>> -> memref<1x128xi32, #tpu.memory_space<vmem>>
      %dma_wait3A_88 = tpu.memref_squeeze %dma_wait3A_87 : memref<1x128xi32, #tpu.memory_space<vmem>> -> memref<128xi32, #tpu.memory_space<vmem>>
      %dma_wait3A_89 = arith.constant 0 : i32
      %dma_wait3A_90 = arith.constant 0 : i32
      %dma_wait3A_91 = tpu.memref_slice %arg2[%dma_wait3A_89, %dma_wait3A_90] : memref<50000x16xf32, #tpu.memory_space<hbm>> -> memref<50000x16xf32, #tpu.memory_space<hbm>>
      tpu.wait_indirect_dma semaphore(%arg7 : memref<!tpu.dma_semaphore, #tpu.memory_space<semaphore_mem>>) src(%dma_wait3A_91 : memref<50000x16xf32, #tpu.memory_space<hbm>>) dst(%dma_wait3A_85 : memref<128x16xf32, #tpu.memory_space<vmem>>)
      %dma_wait3A_92 = arith.constant 1 : i32
      %dma_wait3A_93 = arith.constant 128 : i32
      %dma_wait3A_94 = arith.constant 0 : i32
      %dma_wait3A_95 = tpu.memref_slice %arg6[%dma_wait3A_93, %dma_wait3A_94] : memref<896x16xf32, #tpu.memory_space<vmem>> -> memref<128x16xf32, #tpu.memory_space<vmem>>
      %dma_wait3A_96 = arith.constant 0 : i32
      %dma_wait3A_97 = tpu.memref_slice %arg5[%dma_wait3A_92, %dma_wait3A_96] : memref<7x128xi32, #tpu.memory_space<vmem>> -> memref<1x128xi32, #tpu.memory_space<vmem>>
      %dma_wait3A_98 = tpu.memref_squeeze %dma_wait3A_97 : memref<1x128xi32, #tpu.memory_space<vmem>> -> memref<128xi32, #tpu.memory_space<vmem>>
      %dma_wait3A_99 = arith.constant 0 : i32
      %dma_wait3A_100 = arith.constant 0 : i32
      %dma_wait3A_101 = tpu.memref_slice %arg2[%dma_wait3A_99, %dma_wait3A_100] : memref<50000x16xf32, #tpu.memory_space<hbm>> -> memref<50000x16xf32, #tpu.memory_space<hbm>>
      tpu.wait_indirect_dma semaphore(%arg7 : memref<!tpu.dma_semaphore, #tpu.memory_space<semaphore_mem>>) src(%dma_wait3A_101 : memref<50000x16xf32, #tpu.memory_space<hbm>>) dst(%dma_wait3A_95 : memref<128x16xf32, #tpu.memory_space<vmem>>)
      %dma_wait3A_102 = arith.constant 2 : i32
      %dma_wait3A_103 = arith.constant 256 : i32
      %dma_wait3A_104 = arith.constant 0 : i32
      %dma_wait3A_105 = tpu.memref_slice %arg6[%dma_wait3A_103, %dma_wait3A_104] : memref<896x16xf32, #tpu.memory_space<vmem>> -> memref<128x16xf32, #tpu.memory_space<vmem>>
      %dma_wait3A_106 = arith.constant 0 : i32
      %dma_wait3A_107 = tpu.memref_slice %arg5[%dma_wait3A_102, %dma_wait3A_106] : memref<7x128xi32, #tpu.memory_space<vmem>> -> memref<1x128xi32, #tpu.memory_space<vmem>>
      %dma_wait3A_108 = tpu.memref_squeeze %dma_wait3A_107 : memref<1x128xi32, #tpu.memory_space<vmem>> -> memref<128xi32, #tpu.memory_space<vmem>>
      %dma_wait3A_109 = arith.constant 0 : i32
      %dma_wait3A_110 = arith.constant 0 : i32
      %dma_wait3A_111 = tpu.memref_slice %arg2[%dma_wait3A_109, %dma_wait3A_110] : memref<50000x16xf32, #tpu.memory_space<hbm>> -> memref<50000x16xf32, #tpu.memory_space<hbm>>
      tpu.wait_indirect_dma semaphore(%arg7 : memref<!tpu.dma_semaphore, #tpu.memory_space<semaphore_mem>>) src(%dma_wait3A_111 : memref<50000x16xf32, #tpu.memory_space<hbm>>) dst(%dma_wait3A_105 : memref<128x16xf32, #tpu.memory_space<vmem>>)
      %dma_wait3A_112 = arith.constant 3 : i32
      %dma_wait3A_113 = arith.constant 384 : i32
      %dma_wait3A_114 = arith.constant 0 : i32
      %dma_wait3A_115 = tpu.memref_slice %arg6[%dma_wait3A_113, %dma_wait3A_114] : memref<896x16xf32, #tpu.memory_space<vmem>> -> memref<128x16xf32, #tpu.memory_space<vmem>>
      %dma_wait3A_116 = arith.constant 0 : i32
      %dma_wait3A_117 = tpu.memref_slice %arg5[%dma_wait3A_112, %dma_wait3A_116] : memref<7x128xi32, #tpu.memory_space<vmem>> -> memref<1x128xi32, #tpu.memory_space<vmem>>
      %dma_wait3A_118 = tpu.memref_squeeze %dma_wait3A_117 : memref<1x128xi32, #tpu.memory_space<vmem>> -> memref<128xi32, #tpu.memory_space<vmem>>
      %dma_wait3A_119 = arith.constant 0 : i32
      %dma_wait3A_120 = arith.constant 0 : i32
      %dma_wait3A_121 = tpu.memref_slice %arg2[%dma_wait3A_119, %dma_wait3A_120] : memref<50000x16xf32, #tpu.memory_space<hbm>> -> memref<50000x16xf32, #tpu.memory_space<hbm>>
      tpu.wait_indirect_dma semaphore(%arg7 : memref<!tpu.dma_semaphore, #tpu.memory_space<semaphore_mem>>) src(%dma_wait3A_121 : memref<50000x16xf32, #tpu.memory_space<hbm>>) dst(%dma_wait3A_115 : memref<128x16xf32, #tpu.memory_space<vmem>>)
      %dma_wait3A_122 = arith.constant 4 : i32
      %dma_wait3A_123 = arith.constant 512 : i32
      %dma_wait3A_124 = arith.constant 0 : i32
      %dma_wait3A_125 = tpu.memref_slice %arg6[%dma_wait3A_123, %dma_wait3A_124] : memref<896x16xf32, #tpu.memory_space<vmem>> -> memref<128x16xf32, #tpu.memory_space<vmem>>
      %dma_wait3A_126 = arith.constant 0 : i32
      %dma_wait3A_127 = tpu.memref_slice %arg5[%dma_wait3A_122, %dma_wait3A_126] : memref<7x128xi32, #tpu.memory_space<vmem>> -> memref<1x128xi32, #tpu.memory_space<vmem>>
      %dma_wait3A_128 = tpu.memref_squeeze %dma_wait3A_127 : memref<1x128xi32, #tpu.memory_space<vmem>> -> memref<128xi32, #tpu.memory_space<vmem>>
      %dma_wait3A_129 = arith.constant 0 : i32
      %dma_wait3A_130 = arith.constant 0 : i32
      %dma_wait3A_131 = tpu.memref_slice %arg2[%dma_wait3A_129, %dma_wait3A_130] : memref<50000x16xf32, #tpu.memory_space<hbm>> -> memref<50000x16xf32, #tpu.memory_space<hbm>>
      tpu.wait_indirect_dma semaphore(%arg7 : memref<!tpu.dma_semaphore, #tpu.memory_space<semaphore_mem>>) src(%dma_wait3A_131 : memref<50000x16xf32, #tpu.memory_space<hbm>>) dst(%dma_wait3A_125 : memref<128x16xf32, #tpu.memory_space<vmem>>)
      %dma_wait3A_132 = arith.constant 5 : i32
      %dma_wait3A_133 = arith.constant 640 : i32
      %dma_wait3A_134 = arith.constant 0 : i32
      %dma_wait3A_135 = tpu.memref_slice %arg6[%dma_wait3A_133, %dma_wait3A_134] : memref<896x16xf32, #tpu.memory_space<vmem>> -> memref<128x16xf32, #tpu.memory_space<vmem>>
      %dma_wait3A_136 = arith.constant 0 : i32
      %dma_wait3A_137 = tpu.memref_slice %arg5[%dma_wait3A_132, %dma_wait3A_136] : memref<7x128xi32, #tpu.memory_space<vmem>> -> memref<1x128xi32, #tpu.memory_space<vmem>>
      %dma_wait3A_138 = tpu.memref_squeeze %dma_wait3A_137 : memref<1x128xi32, #tpu.memory_space<vmem>> -> memref<128xi32, #tpu.memory_space<vmem>>
      %dma_wait3A_139 = arith.constant 0 : i32
      %dma_wait3A_140 = arith.constant 0 : i32
      %dma_wait3A_141 = tpu.memref_slice %arg2[%dma_wait3A_139, %dma_wait3A_140] : memref<50000x16xf32, #tpu.memory_space<hbm>> -> memref<50000x16xf32, #tpu.memory_space<hbm>>
      tpu.wait_indirect_dma semaphore(%arg7 : memref<!tpu.dma_semaphore, #tpu.memory_space<semaphore_mem>>) src(%dma_wait3A_141 : memref<50000x16xf32, #tpu.memory_space<hbm>>) dst(%dma_wait3A_135 : memref<128x16xf32, #tpu.memory_space<vmem>>)
      %dma_wait3A_142 = arith.constant 6 : i32
      %dma_wait3A_143 = arith.constant 768 : i32
      %dma_wait3A_144 = arith.constant 0 : i32
      %dma_wait3A_145 = tpu.memref_slice %arg6[%dma_wait3A_143, %dma_wait3A_144] : memref<896x16xf32, #tpu.memory_space<vmem>> -> memref<128x16xf32, #tpu.memory_space<vmem>>
      %dma_wait3A_146 = arith.constant 0 : i32
      %dma_wait3A_147 = tpu.memref_slice %arg5[%dma_wait3A_142, %dma_wait3A_146] : memref<7x128xi32, #tpu.memory_space<vmem>> -> memref<1x128xi32, #tpu.memory_space<vmem>>
      %dma_wait3A_148 = tpu.memref_squeeze %dma_wait3A_147 : memref<1x128xi32, #tpu.memory_space<vmem>> -> memref<128xi32, #tpu.memory_space<vmem>>
      %dma_wait3A_149 = arith.constant 0 : i32
      %dma_wait3A_150 = arith.constant 0 : i32
      %dma_wait3A_151 = tpu.memref_slice %arg2[%dma_wait3A_149, %dma_wait3A_150] : memref<50000x16xf32, #tpu.memory_space<hbm>> -> memref<50000x16xf32, #tpu.memory_space<hbm>>
      tpu.wait_indirect_dma semaphore(%arg7 : memref<!tpu.dma_semaphore, #tpu.memory_space<semaphore_mem>>) src(%dma_wait3A_151 : memref<50000x16xf32, #tpu.memory_space<hbm>>) dst(%dma_wait3A_145 : memref<128x16xf32, #tpu.memory_space<vmem>>)
      %mul3A_152 = arith.constant 128 : i32
      %mul3A_153 = arith.muli %add3A_11, %mul3A_152 : i32
      "tpu.region"() ({
        %run_scoped3A = tpu.sem_alloc : memref<!tpu.dma_semaphore, #tpu.memory_space<semaphore_mem>>
        %dma_start3A_154 = arith.constant 0 : i32
        %dma_start3A_155 = tpu.memref_slice %arg4[%mul3A_153, %dma_start3A_154] : memref<200704x16xf32, #tpu.memory_space<hbm>> -> memref<896x16xf32, #tpu.memory_space<hbm>>
        %dma_start3A_156 = arith.constant 0 : i32
        %dma_start3A_157 = tpu.memref_slice %arg4[%mul3A_153, %dma_start3A_156] : memref<200704x16xf32, #tpu.memory_space<hbm>> -> memref<896x16xf32, #tpu.memory_space<hbm>>
        tpu.enqueue_dma source(%arg6 : memref<896x16xf32, #tpu.memory_space<vmem>>) target(%dma_start3A_157 : memref<896x16xf32, #tpu.memory_space<hbm>>) target_semaphore(%run_scoped3A : memref<!tpu.dma_semaphore, #tpu.memory_space<semaphore_mem>>)
        %dma_wait3A_158 = arith.constant 0 : i32
        %dma_wait3A_159 = tpu.memref_slice %arg4[%mul3A_153, %dma_wait3A_158] : memref<200704x16xf32, #tpu.memory_space<hbm>> -> memref<896x16xf32, #tpu.memory_space<hbm>>
        %dma_wait3A_160 = arith.constant 0 : i32
        %dma_wait3A_161 = tpu.memref_slice %arg4[%mul3A_153, %dma_wait3A_160] : memref<200704x16xf32, #tpu.memory_space<hbm>> -> memref<896x16xf32, #tpu.memory_space<hbm>>
        tpu.wait_dma2 semaphore(%run_scoped3A : memref<!tpu.dma_semaphore, #tpu.memory_space<semaphore_mem>>) src(%arg6 : memref<896x16xf32, #tpu.memory_space<vmem>>) dst(%dma_wait3A_161 : memref<896x16xf32, #tpu.memory_space<hbm>>)
        tpu.yield
      }) : () -> ()
    }
    %scan3A_5 = arith.constant 7 : i32
    return
  }
}

#map = affine_map<(d0, d1) -> (0, 0)>
#map1 = affine_map<(d0, d1) -> (0, 0, 0)>
module attributes {stable_mosaic.version = 14 : i64} {
  func.func @_lambda_(%arg0: i32, %arg1: i32, %arg2: memref<3136x128xi32, #tpu.memory_space<hbm>>, %arg3: memref<200704x16xf32, #tpu.memory_space<hbm>>, %arg4: memref<2x50176x16xf32, #tpu.memory_space<hbm>>, %arg5: memref<7x128xi32, #tpu.memory_space<vmem>>, %arg6: memref<896x16xf32, #tpu.memory_space<vmem>>, %arg7: memref<196x16xf32, #tpu.memory_space<vmem>>, %arg8: memref<50176x16xf32, #tpu.memory_space<vmem_shared>>) attributes {dimension_semantics = [#tpu.dimension_semantics<core_parallel>, #tpu.dimension_semantics<subcore_parallel>], iteration_bounds = array<i64: 2, 16>, scalar_prefetch = 0 : i64, scratch_operands = 4 : i64, tpu.core_type = #tpu.core_type<sc_vector_subcore>, window_params = [{transform_indices = #map}, {transform_indices = #map}, {transform_indices = #map1}]} {
    %scan3A = arith.constant 0 : i32
    %scan3A_0 = arith.constant 0 : i32
    %scan3A_1 = arith.constant 196 : i32
    %scan3A_2 = arith.addi %scan3A_0, %scan3A_1 : i32
    %scan3A_3 = arith.constant 1 : i32
    scf.for %scan3A_23 = %scan3A_0 to %scan3A_2 step %scan3A_3  : i32 {
      %broadcast_in_dim3A = arith.constant 0.000000e+00 : f32
      %broadcast_in_dim3A_24 = vector.broadcast %broadcast_in_dim3A : f32 to vector<16xf32>
      %swap3A = arith.index_cast %scan3A_23 : i32 to index
      %swap3A_25 = arith.constant 0 : index
      %swap3A_26 = tpu.vector_load %arg7[%swap3A, %swap3A_25] {strides = array<i32>} : memref<196x16xf32, #tpu.memory_space<vmem>>, vector<1x16xf32>,
      %swap3A_27 = vector.shape_cast %swap3A_26 : vector<1x16xf32> to vector<16xf32>
      %swap3A_28 = vector.shape_cast %broadcast_in_dim3A_24 : vector<16xf32> to vector<1x16xf32>
      tpu.vector_store %arg7[%swap3A, %swap3A_25], %swap3A_28 {strides = array<i32>} : memref<196x16xf32, #tpu.memory_space<vmem>>, vector<1x16xf32>,
    }
    %scan3A_4 = arith.constant 196 : i32
    %scan3A_5 = arith.constant 0 : i32
    %scan3A_6 = arith.constant 0 : i32
    %scan3A_7 = arith.constant 16 : i32
    %scan3A_8 = arith.addi %scan3A_6, %scan3A_7 : i32
    %scan3A_9 = arith.constant 1 : i32
    scf.for %scan3A_23 = %scan3A_6 to %scan3A_8 step %scan3A_9  : i32 {
      %mul3A_24 = arith.constant 3136 : i32
      %mul3A_25 = arith.muli %arg1, %mul3A_24 : i32
      %mul3A_26 = arith.constant 196 : i32
      %mul3A_27 = arith.muli %scan3A_23, %mul3A_26 : i32
      %add3A_28 = arith.addi %mul3A_25, %mul3A_27 : i32
      "tpu.region"() ({
        %run_scoped3A = tpu.sem_alloc : memref<!tpu.dma_semaphore, #tpu.memory_space<semaphore_mem>>
        %dma_start3A = arith.constant 0 : i32
        %dma_start3A_29 = tpu.memref_slice %arg8[%add3A_28, %dma_start3A] : memref<50176x16xf32, #tpu.memory_space<vmem_shared>> -> memref<196x16xf32, #tpu.memory_space<vmem_shared>>
        %dma_start3A_30 = arith.constant 0 : i32
        %dma_start3A_31 = tpu.memref_slice %arg8[%add3A_28, %dma_start3A_30] : memref<50176x16xf32, #tpu.memory_space<vmem_shared>> -> memref<196x16xf32, #tpu.memory_space<vmem_shared>>
        tpu.enqueue_dma source(%arg7 : memref<196x16xf32, #tpu.memory_space<vmem>>) target(%dma_start3A_31 : memref<196x16xf32, #tpu.memory_space<vmem_shared>>) target_semaphore(%run_scoped3A : memref<!tpu.dma_semaphore, #tpu.memory_space<semaphore_mem>>)
        %dma_wait3A = arith.constant 0 : i32
        %dma_wait3A_32 = tpu.memref_slice %arg8[%add3A_28, %dma_wait3A] : memref<50176x16xf32, #tpu.memory_space<vmem_shared>> -> memref<196x16xf32, #tpu.memory_space<vmem_shared>>
        %dma_wait3A_33 = arith.constant 0 : i32
        %dma_wait3A_34 = tpu.memref_slice %arg8[%add3A_28, %dma_wait3A_33] : memref<50176x16xf32, #tpu.memory_space<vmem_shared>> -> memref<196x16xf32, #tpu.memory_space<vmem_shared>>
        tpu.wait_dma2 semaphore(%run_scoped3A : memref<!tpu.dma_semaphore, #tpu.memory_space<semaphore_mem>>) src(%arg7 : memref<196x16xf32, #tpu.memory_space<vmem>>) dst(%dma_wait3A_34 : memref<196x16xf32, #tpu.memory_space<vmem_shared>>)
        tpu.yield
      }) : () -> ()
    }
    %scan3A_10 = arith.constant 16 : i32
    %barrier3A = arith.constant 0 : index
    tpu.barrier barrier_id(%barrier3A)
    %mul3A = arith.constant 16 : i32
    %mul3A_11 = arith.muli %arg0, %mul3A : i32
    %add3A = arith.addi %mul3A_11, %arg1 : i32
    %scan3A_12 = arith.constant 0 : i32
    %scan3A_13 = arith.constant 0 : i32
    %scan3A_14 = arith.constant 7 : i32
    %scan3A_15 = arith.addi %scan3A_13, %scan3A_14 : i32
    %scan3A_16 = arith.constant 1 : i32
    scf.for %scan3A_23 = %scan3A_13 to %scan3A_15 step %scan3A_16  : i32 {
      %mul3A_24 = arith.constant 49 : i32
      %mul3A_25 = arith.muli %add3A, %mul3A_24 : i32
      %mul3A_26 = arith.constant 7 : i32
      %mul3A_27 = arith.muli %scan3A_23, %mul3A_26 : i32
      %add3A_28 = arith.addi %mul3A_25, %mul3A_27 : i32
      %add3A_29 = arith.constant 0 : i32
      %add3A_30 = arith.addi %add3A_29, %add3A_28 : i32
      "tpu.region"() ({
        %run_scoped3A_39 = tpu.sem_alloc : memref<!tpu.dma_semaphore, #tpu.memory_space<semaphore_mem>>
        %dma_start3A = arith.constant 0 : i32
        %dma_start3A_40 = tpu.memref_slice %arg2[%add3A_30, %dma_start3A] : memref<3136x128xi32, #tpu.memory_space<hbm>> -> memref<7x128xi32, #tpu.memory_space<hbm>>
        %dma_start3A_41 = arith.constant 0 : i32
        %dma_start3A_42 = tpu.memref_slice %arg2[%add3A_30, %dma_start3A_41] : memref<3136x128xi32, #tpu.memory_space<hbm>> -> memref<7x128xi32, #tpu.memory_space<hbm>>
        tpu.enqueue_dma source(%dma_start3A_42 : memref<7x128xi32, #tpu.memory_space<hbm>>) target(%arg5 : memref<7x128xi32, #tpu.memory_space<vmem>>) target_semaphore(%run_scoped3A_39 : memref<!tpu.dma_semaphore, #tpu.memory_space<semaphore_mem>>)
        %dma_wait3A = arith.constant 0 : i32
        %dma_wait3A_43 = tpu.memref_slice %arg2[%add3A_30, %dma_wait3A] : memref<3136x128xi32, #tpu.memory_space<hbm>> -> memref<7x128xi32, #tpu.memory_space<hbm>>
        %dma_wait3A_44 = arith.constant 0 : i32
        %dma_wait3A_45 = tpu.memref_slice %arg2[%add3A_30, %dma_wait3A_44] : memref<3136x128xi32, #tpu.memory_space<hbm>> -> memref<7x128xi32, #tpu.memory_space<hbm>>
        tpu.wait_dma2 semaphore(%run_scoped3A_39 : memref<!tpu.dma_semaphore, #tpu.memory_space<semaphore_mem>>) src(%dma_wait3A_45 : memref<7x128xi32, #tpu.memory_space<hbm>>) dst(%arg5 : memref<7x128xi32, #tpu.memory_space<vmem>>)
        tpu.yield
      }) : () -> ()
      %mul3A_31 = arith.constant 128 : i32
      %mul3A_32 = arith.muli %add3A_28, %mul3A_31 : i32
      "tpu.region"() ({
        %run_scoped3A_39 = tpu.sem_alloc : memref<!tpu.dma_semaphore, #tpu.memory_space<semaphore_mem>>
        %dma_start3A = arith.constant 0 : i32
        %dma_start3A_40 = tpu.memref_slice %arg3[%mul3A_32, %dma_start3A] : memref<200704x16xf32, #tpu.memory_space<hbm>> -> memref<896x16xf32, #tpu.memory_space<hbm>>
        %dma_start3A_41 = arith.constant 0 : i32
        %dma_start3A_42 = tpu.memref_slice %arg3[%mul3A_32, %dma_start3A_41] : memref<200704x16xf32, #tpu.memory_space<hbm>> -> memref<896x16xf32, #tpu.memory_space<hbm>>
        tpu.enqueue_dma source(%dma_start3A_42 : memref<896x16xf32, #tpu.memory_space<hbm>>) target(%arg6 : memref<896x16xf32, #tpu.memory_space<vmem>>) target_semaphore(%run_scoped3A_39 : memref<!tpu.dma_semaphore, #tpu.memory_space<semaphore_mem>>)
        %dma_wait3A = arith.constant 0 : i32
        %dma_wait3A_43 = tpu.memref_slice %arg3[%mul3A_32, %dma_wait3A] : memref<200704x16xf32, #tpu.memory_space<hbm>> -> memref<896x16xf32, #tpu.memory_space<hbm>>
        %dma_wait3A_44 = arith.constant 0 : i32
        %dma_wait3A_45 = tpu.memref_slice %arg3[%mul3A_32, %dma_wait3A_44] : memref<200704x16xf32, #tpu.memory_space<hbm>> -> memref<896x16xf32, #tpu.memory_space<hbm>>
        tpu.wait_dma2 semaphore(%run_scoped3A_39 : memref<!tpu.dma_semaphore, #tpu.memory_space<semaphore_mem>>) src(%dma_wait3A_45 : memref<896x16xf32, #tpu.memory_space<hbm>>) dst(%arg6 : memref<896x16xf32, #tpu.memory_space<vmem>>)
        tpu.yield
      }) : () -> ()
      %run_scoped3A = arith.constant 0 : i32
      "tpu.region"() ({
        %run_scoped3A_39 = tpu.sem_alloc : memref<!tpu.dma_semaphore, #tpu.memory_space<semaphore_mem>>
        %dma_start3A = arith.constant 0 : i32
        %dma_start3A_40 = arith.constant 0 : i32
        %dma_start3A_41 = tpu.memref_slice %arg6[%dma_start3A, %dma_start3A_40] : memref<896x16xf32, #tpu.memory_space<vmem>> -> memref<128x16xf32, #tpu.memory_space<vmem>>
        %dma_start3A_42 = arith.constant 0 : i32
        %dma_start3A_43 = tpu.memref_slice %arg5[%run_scoped3A, %dma_start3A_42] : memref<7x128xi32, #tpu.memory_space<vmem>> -> memref<1x128xi32, #tpu.memory_space<vmem>>
        %dma_start3A_44 = tpu.memref_squeeze %dma_start3A_43 : memref<1x128xi32, #tpu.memory_space<vmem>> -> memref<128xi32, #tpu.memory_space<vmem>>
        %dma_start3A_45 = arith.constant 0 : i32
        %dma_start3A_46 = arith.constant 0 : i32
        %dma_start3A_47 = tpu.memref_slice %arg8[%dma_start3A_45, %dma_start3A_46] : memref<50176x16xf32, #tpu.memory_space<vmem_shared>> -> memref<50176x16xf32, #tpu.memory_space<vmem_shared>>
        tpu.enqueue_indirect_dma source(%dma_start3A_41 : memref<128x16xf32, #tpu.memory_space<vmem>>) target(%dma_start3A_47 : memref<50176x16xf32, #tpu.memory_space<vmem_shared>>) offsets(%dma_start3A_44 : memref<128xi32, #tpu.memory_space<vmem>>) semaphore(%run_scoped3A_39 : memref<!tpu.dma_semaphore, #tpu.memory_space<semaphore_mem>>) {add = true}
        %dma_wait3A = arith.constant 0 : i32
        %dma_wait3A_48 = arith.constant 0 : i32
        %dma_wait3A_49 = tpu.memref_slice %arg6[%dma_wait3A, %dma_wait3A_48] : memref<896x16xf32, #tpu.memory_space<vmem>> -> memref<128x16xf32, #tpu.memory_space<vmem>>
        %dma_wait3A_50 = arith.constant 0 : i32
        %dma_wait3A_51 = tpu.memref_slice %arg5[%run_scoped3A, %dma_wait3A_50] : memref<7x128xi32, #tpu.memory_space<vmem>> -> memref<1x128xi32, #tpu.memory_space<vmem>>
        %dma_wait3A_52 = tpu.memref_squeeze %dma_wait3A_51 : memref<1x128xi32, #tpu.memory_space<vmem>> -> memref<128xi32, #tpu.memory_space<vmem>>
        %dma_wait3A_53 = arith.constant 0 : i32
        %dma_wait3A_54 = arith.constant 0 : i32
        %dma_wait3A_55 = tpu.memref_slice %arg8[%dma_wait3A_53, %dma_wait3A_54] : memref<50176x16xf32, #tpu.memory_space<vmem_shared>> -> memref<50176x16xf32, #tpu.memory_space<vmem_shared>>
        tpu.wait_indirect_dma semaphore(%run_scoped3A_39 : memref<!tpu.dma_semaphore, #tpu.memory_space<semaphore_mem>>) src(%dma_wait3A_49 : memref<128x16xf32, #tpu.memory_space<vmem>>) dst(%dma_wait3A_55 : memref<50176x16xf32, #tpu.memory_space<vmem_shared>>)
        tpu.yield
      }) : () -> ()
      %run_scoped3A_33 = arith.constant 1 : i32
      "tpu.region"() ({
        %run_scoped3A_39 = tpu.sem_alloc : memref<!tpu.dma_semaphore, #tpu.memory_space<semaphore_mem>>
        %dma_start3A = arith.constant 128 : i32
        %dma_start3A_40 = arith.constant 0 : i32
        %dma_start3A_41 = tpu.memref_slice %arg6[%dma_start3A, %dma_start3A_40] : memref<896x16xf32, #tpu.memory_space<vmem>> -> memref<128x16xf32, #tpu.memory_space<vmem>>
        %dma_start3A_42 = arith.constant 0 : i32
        %dma_start3A_43 = tpu.memref_slice %arg5[%run_scoped3A_33, %dma_start3A_42] : memref<7x128xi32, #tpu.memory_space<vmem>> -> memref<1x128xi32, #tpu.memory_space<vmem>>
        %dma_start3A_44 = tpu.memref_squeeze %dma_start3A_43 : memref<1x128xi32, #tpu.memory_space<vmem>> -> memref<128xi32, #tpu.memory_space<vmem>>
        %dma_start3A_45 = arith.constant 0 : i32
        %dma_start3A_46 = arith.constant 0 : i32
        %dma_start3A_47 = tpu.memref_slice %arg8[%dma_start3A_45, %dma_start3A_46] : memref<50176x16xf32, #tpu.memory_space<vmem_shared>> -> memref<50176x16xf32, #tpu.memory_space<vmem_shared>>
        tpu.enqueue_indirect_dma source(%dma_start3A_41 : memref<128x16xf32, #tpu.memory_space<vmem>>) target(%dma_start3A_47 : memref<50176x16xf32, #tpu.memory_space<vmem_shared>>) offsets(%dma_start3A_44 : memref<128xi32, #tpu.memory_space<vmem>>) semaphore(%run_scoped3A_39 : memref<!tpu.dma_semaphore, #tpu.memory_space<semaphore_mem>>) {add = true}
        %dma_wait3A = arith.constant 128 : i32
        %dma_wait3A_48 = arith.constant 0 : i32
        %dma_wait3A_49 = tpu.memref_slice %arg6[%dma_wait3A, %dma_wait3A_48] : memref<896x16xf32, #tpu.memory_space<vmem>> -> memref<128x16xf32, #tpu.memory_space<vmem>>
        %dma_wait3A_50 = arith.constant 0 : i32
        %dma_wait3A_51 = tpu.memref_slice %arg5[%run_scoped3A_33, %dma_wait3A_50] : memref<7x128xi32, #tpu.memory_space<vmem>> -> memref<1x128xi32, #tpu.memory_space<vmem>>
        %dma_wait3A_52 = tpu.memref_squeeze %dma_wait3A_51 : memref<1x128xi32, #tpu.memory_space<vmem>> -> memref<128xi32, #tpu.memory_space<vmem>>
        %dma_wait3A_53 = arith.constant 0 : i32
        %dma_wait3A_54 = arith.constant 0 : i32
        %dma_wait3A_55 = tpu.memref_slice %arg8[%dma_wait3A_53, %dma_wait3A_54] : memref<50176x16xf32, #tpu.memory_space<vmem_shared>> -> memref<50176x16xf32, #tpu.memory_space<vmem_shared>>
        tpu.wait_indirect_dma semaphore(%run_scoped3A_39 : memref<!tpu.dma_semaphore, #tpu.memory_space<semaphore_mem>>) src(%dma_wait3A_49 : memref<128x16xf32, #tpu.memory_space<vmem>>) dst(%dma_wait3A_55 : memref<50176x16xf32, #tpu.memory_space<vmem_shared>>)
        tpu.yield
      }) : () -> ()
      %run_scoped3A_34 = arith.constant 2 : i32
      "tpu.region"() ({
        %run_scoped3A_39 = tpu.sem_alloc : memref<!tpu.dma_semaphore, #tpu.memory_space<semaphore_mem>>
        %dma_start3A = arith.constant 256 : i32
        %dma_start3A_40 = arith.constant 0 : i32
        %dma_start3A_41 = tpu.memref_slice %arg6[%dma_start3A, %dma_start3A_40] : memref<896x16xf32, #tpu.memory_space<vmem>> -> memref<128x16xf32, #tpu.memory_space<vmem>>
        %dma_start3A_42 = arith.constant 0 : i32
        %dma_start3A_43 = tpu.memref_slice %arg5[%run_scoped3A_34, %dma_start3A_42] : memref<7x128xi32, #tpu.memory_space<vmem>> -> memref<1x128xi32, #tpu.memory_space<vmem>>
        %dma_start3A_44 = tpu.memref_squeeze %dma_start3A_43 : memref<1x128xi32, #tpu.memory_space<vmem>> -> memref<128xi32, #tpu.memory_space<vmem>>
        %dma_start3A_45 = arith.constant 0 : i32
        %dma_start3A_46 = arith.constant 0 : i32
        %dma_start3A_47 = tpu.memref_slice %arg8[%dma_start3A_45, %dma_start3A_46] : memref<50176x16xf32, #tpu.memory_space<vmem_shared>> -> memref<50176x16xf32, #tpu.memory_space<vmem_shared>>
        tpu.enqueue_indirect_dma source(%dma_start3A_41 : memref<128x16xf32, #tpu.memory_space<vmem>>) target(%dma_start3A_47 : memref<50176x16xf32, #tpu.memory_space<vmem_shared>>) offsets(%dma_start3A_44 : memref<128xi32, #tpu.memory_space<vmem>>) semaphore(%run_scoped3A_39 : memref<!tpu.dma_semaphore, #tpu.memory_space<semaphore_mem>>) {add = true}
        %dma_wait3A = arith.constant 256 : i32
        %dma_wait3A_48 = arith.constant 0 : i32
        %dma_wait3A_49 = tpu.memref_slice %arg6[%dma_wait3A, %dma_wait3A_48] : memref<896x16xf32, #tpu.memory_space<vmem>> -> memref<128x16xf32, #tpu.memory_space<vmem>>
        %dma_wait3A_50 = arith.constant 0 : i32
        %dma_wait3A_51 = tpu.memref_slice %arg5[%run_scoped3A_34, %dma_wait3A_50] : memref<7x128xi32, #tpu.memory_space<vmem>> -> memref<1x128xi32, #tpu.memory_space<vmem>>
        %dma_wait3A_52 = tpu.memref_squeeze %dma_wait3A_51 : memref<1x128xi32, #tpu.memory_space<vmem>> -> memref<128xi32, #tpu.memory_space<vmem>>
        %dma_wait3A_53 = arith.constant 0 : i32
        %dma_wait3A_54 = arith.constant 0 : i32
        %dma_wait3A_55 = tpu.memref_slice %arg8[%dma_wait3A_53, %dma_wait3A_54] : memref<50176x16xf32, #tpu.memory_space<vmem_shared>> -> memref<50176x16xf32, #tpu.memory_space<vmem_shared>>
        tpu.wait_indirect_dma semaphore(%run_scoped3A_39 : memref<!tpu.dma_semaphore, #tpu.memory_space<semaphore_mem>>) src(%dma_wait3A_49 : memref<128x16xf32, #tpu.memory_space<vmem>>) dst(%dma_wait3A_55 : memref<50176x16xf32, #tpu.memory_space<vmem_shared>>)
        tpu.yield
      }) : () -> ()
      %run_scoped3A_35 = arith.constant 3 : i32
      "tpu.region"() ({
        %run_scoped3A_39 = tpu.sem_alloc : memref<!tpu.dma_semaphore, #tpu.memory_space<semaphore_mem>>
        %dma_start3A = arith.constant 384 : i32
        %dma_start3A_40 = arith.constant 0 : i32
        %dma_start3A_41 = tpu.memref_slice %arg6[%dma_start3A, %dma_start3A_40] : memref<896x16xf32, #tpu.memory_space<vmem>> -> memref<128x16xf32, #tpu.memory_space<vmem>>
        %dma_start3A_42 = arith.constant 0 : i32
        %dma_start3A_43 = tpu.memref_slice %arg5[%run_scoped3A_35, %dma_start3A_42] : memref<7x128xi32, #tpu.memory_space<vmem>> -> memref<1x128xi32, #tpu.memory_space<vmem>>
        %dma_start3A_44 = tpu.memref_squeeze %dma_start3A_43 : memref<1x128xi32, #tpu.memory_space<vmem>> -> memref<128xi32, #tpu.memory_space<vmem>>
        %dma_start3A_45 = arith.constant 0 : i32
        %dma_start3A_46 = arith.constant 0 : i32
        %dma_start3A_47 = tpu.memref_slice %arg8[%dma_start3A_45, %dma_start3A_46] : memref<50176x16xf32, #tpu.memory_space<vmem_shared>> -> memref<50176x16xf32, #tpu.memory_space<vmem_shared>>
        tpu.enqueue_indirect_dma source(%dma_start3A_41 : memref<128x16xf32, #tpu.memory_space<vmem>>) target(%dma_start3A_47 : memref<50176x16xf32, #tpu.memory_space<vmem_shared>>) offsets(%dma_start3A_44 : memref<128xi32, #tpu.memory_space<vmem>>) semaphore(%run_scoped3A_39 : memref<!tpu.dma_semaphore, #tpu.memory_space<semaphore_mem>>) {add = true}
        %dma_wait3A = arith.constant 384 : i32
        %dma_wait3A_48 = arith.constant 0 : i32
        %dma_wait3A_49 = tpu.memref_slice %arg6[%dma_wait3A, %dma_wait3A_48] : memref<896x16xf32, #tpu.memory_space<vmem>> -> memref<128x16xf32, #tpu.memory_space<vmem>>
        %dma_wait3A_50 = arith.constant 0 : i32
        %dma_wait3A_51 = tpu.memref_slice %arg5[%run_scoped3A_35, %dma_wait3A_50] : memref<7x128xi32, #tpu.memory_space<vmem>> -> memref<1x128xi32, #tpu.memory_space<vmem>>
        %dma_wait3A_52 = tpu.memref_squeeze %dma_wait3A_51 : memref<1x128xi32, #tpu.memory_space<vmem>> -> memref<128xi32, #tpu.memory_space<vmem>>
        %dma_wait3A_53 = arith.constant 0 : i32
        %dma_wait3A_54 = arith.constant 0 : i32
        %dma_wait3A_55 = tpu.memref_slice %arg8[%dma_wait3A_53, %dma_wait3A_54] : memref<50176x16xf32, #tpu.memory_space<vmem_shared>> -> memref<50176x16xf32, #tpu.memory_space<vmem_shared>>
        tpu.wait_indirect_dma semaphore(%run_scoped3A_39 : memref<!tpu.dma_semaphore, #tpu.memory_space<semaphore_mem>>) src(%dma_wait3A_49 : memref<128x16xf32, #tpu.memory_space<vmem>>) dst(%dma_wait3A_55 : memref<50176x16xf32, #tpu.memory_space<vmem_shared>>)
        tpu.yield
      }) : () -> ()
      %run_scoped3A_36 = arith.constant 4 : i32
      "tpu.region"() ({
        %run_scoped3A_39 = tpu.sem_alloc : memref<!tpu.dma_semaphore, #tpu.memory_space<semaphore_mem>>
        %dma_start3A = arith.constant 512 : i32
        %dma_start3A_40 = arith.constant 0 : i32
        %dma_start3A_41 = tpu.memref_slice %arg6[%dma_start3A, %dma_start3A_40] : memref<896x16xf32, #tpu.memory_space<vmem>> -> memref<128x16xf32, #tpu.memory_space<vmem>>
        %dma_start3A_42 = arith.constant 0 : i32
        %dma_start3A_43 = tpu.memref_slice %arg5[%run_scoped3A_36, %dma_start3A_42] : memref<7x128xi32, #tpu.memory_space<vmem>> -> memref<1x128xi32, #tpu.memory_space<vmem>>
        %dma_start3A_44 = tpu.memref_squeeze %dma_start3A_43 : memref<1x128xi32, #tpu.memory_space<vmem>> -> memref<128xi32, #tpu.memory_space<vmem>>
        %dma_start3A_45 = arith.constant 0 : i32
        %dma_start3A_46 = arith.constant 0 : i32
        %dma_start3A_47 = tpu.memref_slice %arg8[%dma_start3A_45, %dma_start3A_46] : memref<50176x16xf32, #tpu.memory_space<vmem_shared>> -> memref<50176x16xf32, #tpu.memory_space<vmem_shared>>
        tpu.enqueue_indirect_dma source(%dma_start3A_41 : memref<128x16xf32, #tpu.memory_space<vmem>>) target(%dma_start3A_47 : memref<50176x16xf32, #tpu.memory_space<vmem_shared>>) offsets(%dma_start3A_44 : memref<128xi32, #tpu.memory_space<vmem>>) semaphore(%run_scoped3A_39 : memref<!tpu.dma_semaphore, #tpu.memory_space<semaphore_mem>>) {add = true}
        %dma_wait3A = arith.constant 512 : i32
        %dma_wait3A_48 = arith.constant 0 : i32
        %dma_wait3A_49 = tpu.memref_slice %arg6[%dma_wait3A, %dma_wait3A_48] : memref<896x16xf32, #tpu.memory_space<vmem>> -> memref<128x16xf32, #tpu.memory_space<vmem>>
        %dma_wait3A_50 = arith.constant 0 : i32
        %dma_wait3A_51 = tpu.memref_slice %arg5[%run_scoped3A_36, %dma_wait3A_50] : memref<7x128xi32, #tpu.memory_space<vmem>> -> memref<1x128xi32, #tpu.memory_space<vmem>>
        %dma_wait3A_52 = tpu.memref_squeeze %dma_wait3A_51 : memref<1x128xi32, #tpu.memory_space<vmem>> -> memref<128xi32, #tpu.memory_space<vmem>>
        %dma_wait3A_53 = arith.constant 0 : i32
        %dma_wait3A_54 = arith.constant 0 : i32
        %dma_wait3A_55 = tpu.memref_slice %arg8[%dma_wait3A_53, %dma_wait3A_54] : memref<50176x16xf32, #tpu.memory_space<vmem_shared>> -> memref<50176x16xf32, #tpu.memory_space<vmem_shared>>
        tpu.wait_indirect_dma semaphore(%run_scoped3A_39 : memref<!tpu.dma_semaphore, #tpu.memory_space<semaphore_mem>>) src(%dma_wait3A_49 : memref<128x16xf32, #tpu.memory_space<vmem>>) dst(%dma_wait3A_55 : memref<50176x16xf32, #tpu.memory_space<vmem_shared>>)
        tpu.yield
      }) : () -> ()
      %run_scoped3A_37 = arith.constant 5 : i32
      "tpu.region"() ({
        %run_scoped3A_39 = tpu.sem_alloc : memref<!tpu.dma_semaphore, #tpu.memory_space<semaphore_mem>>
        %dma_start3A = arith.constant 640 : i32
        %dma_start3A_40 = arith.constant 0 : i32
        %dma_start3A_41 = tpu.memref_slice %arg6[%dma_start3A, %dma_start3A_40] : memref<896x16xf32, #tpu.memory_space<vmem>> -> memref<128x16xf32, #tpu.memory_space<vmem>>
        %dma_start3A_42 = arith.constant 0 : i32
        %dma_start3A_43 = tpu.memref_slice %arg5[%run_scoped3A_37, %dma_start3A_42] : memref<7x128xi32, #tpu.memory_space<vmem>> -> memref<1x128xi32, #tpu.memory_space<vmem>>
        %dma_start3A_44 = tpu.memref_squeeze %dma_start3A_43 : memref<1x128xi32, #tpu.memory_space<vmem>> -> memref<128xi32, #tpu.memory_space<vmem>>
        %dma_start3A_45 = arith.constant 0 : i32
        %dma_start3A_46 = arith.constant 0 : i32
        %dma_start3A_47 = tpu.memref_slice %arg8[%dma_start3A_45, %dma_start3A_46] : memref<50176x16xf32, #tpu.memory_space<vmem_shared>> -> memref<50176x16xf32, #tpu.memory_space<vmem_shared>>
        tpu.enqueue_indirect_dma source(%dma_start3A_41 : memref<128x16xf32, #tpu.memory_space<vmem>>) target(%dma_start3A_47 : memref<50176x16xf32, #tpu.memory_space<vmem_shared>>) offsets(%dma_start3A_44 : memref<128xi32, #tpu.memory_space<vmem>>) semaphore(%run_scoped3A_39 : memref<!tpu.dma_semaphore, #tpu.memory_space<semaphore_mem>>) {add = true}
        %dma_wait3A = arith.constant 640 : i32
        %dma_wait3A_48 = arith.constant 0 : i32
        %dma_wait3A_49 = tpu.memref_slice %arg6[%dma_wait3A, %dma_wait3A_48] : memref<896x16xf32, #tpu.memory_space<vmem>> -> memref<128x16xf32, #tpu.memory_space<vmem>>
        %dma_wait3A_50 = arith.constant 0 : i32
        %dma_wait3A_51 = tpu.memref_slice %arg5[%run_scoped3A_37, %dma_wait3A_50] : memref<7x128xi32, #tpu.memory_space<vmem>> -> memref<1x128xi32, #tpu.memory_space<vmem>>
        %dma_wait3A_52 = tpu.memref_squeeze %dma_wait3A_51 : memref<1x128xi32, #tpu.memory_space<vmem>> -> memref<128xi32, #tpu.memory_space<vmem>>
        %dma_wait3A_53 = arith.constant 0 : i32
        %dma_wait3A_54 = arith.constant 0 : i32
        %dma_wait3A_55 = tpu.memref_slice %arg8[%dma_wait3A_53, %dma_wait3A_54] : memref<50176x16xf32, #tpu.memory_space<vmem_shared>> -> memref<50176x16xf32, #tpu.memory_space<vmem_shared>>
        tpu.wait_indirect_dma semaphore(%run_scoped3A_39 : memref<!tpu.dma_semaphore, #tpu.memory_space<semaphore_mem>>) src(%dma_wait3A_49 : memref<128x16xf32, #tpu.memory_space<vmem>>) dst(%dma_wait3A_55 : memref<50176x16xf32, #tpu.memory_space<vmem_shared>>)
        tpu.yield
      }) : () -> ()
      %run_scoped3A_38 = arith.constant 6 : i32
      "tpu.region"() ({
        %run_scoped3A_39 = tpu.sem_alloc : memref<!tpu.dma_semaphore, #tpu.memory_space<semaphore_mem>>
        %dma_start3A = arith.constant 768 : i32
        %dma_start3A_40 = arith.constant 0 : i32
        %dma_start3A_41 = tpu.memref_slice %arg6[%dma_start3A, %dma_start3A_40] : memref<896x16xf32, #tpu.memory_space<vmem>> -> memref<128x16xf32, #tpu.memory_space<vmem>>
        %dma_start3A_42 = arith.constant 0 : i32
        %dma_start3A_43 = tpu.memref_slice %arg5[%run_scoped3A_38, %dma_start3A_42] : memref<7x128xi32, #tpu.memory_space<vmem>> -> memref<1x128xi32, #tpu.memory_space<vmem>>
        %dma_start3A_44 = tpu.memref_squeeze %dma_start3A_43 : memref<1x128xi32, #tpu.memory_space<vmem>> -> memref<128xi32, #tpu.memory_space<vmem>>
        %dma_start3A_45 = arith.constant 0 : i32
        %dma_start3A_46 = arith.constant 0 : i32
        %dma_start3A_47 = tpu.memref_slice %arg8[%dma_start3A_45, %dma_start3A_46] : memref<50176x16xf32, #tpu.memory_space<vmem_shared>> -> memref<50176x16xf32, #tpu.memory_space<vmem_shared>>
        tpu.enqueue_indirect_dma source(%dma_start3A_41 : memref<128x16xf32, #tpu.memory_space<vmem>>) target(%dma_start3A_47 : memref<50176x16xf32, #tpu.memory_space<vmem_shared>>) offsets(%dma_start3A_44 : memref<128xi32, #tpu.memory_space<vmem>>) semaphore(%run_scoped3A_39 : memref<!tpu.dma_semaphore, #tpu.memory_space<semaphore_mem>>) {add = true}
        %dma_wait3A = arith.constant 768 : i32
        %dma_wait3A_48 = arith.constant 0 : i32
        %dma_wait3A_49 = tpu.memref_slice %arg6[%dma_wait3A, %dma_wait3A_48] : memref<896x16xf32, #tpu.memory_space<vmem>> -> memref<128x16xf32, #tpu.memory_space<vmem>>
        %dma_wait3A_50 = arith.constant 0 : i32
        %dma_wait3A_51 = tpu.memref_slice %arg5[%run_scoped3A_38, %dma_wait3A_50] : memref<7x128xi32, #tpu.memory_space<vmem>> -> memref<1x128xi32, #tpu.memory_space<vmem>>
        %dma_wait3A_52 = tpu.memref_squeeze %dma_wait3A_51 : memref<1x128xi32, #tpu.memory_space<vmem>> -> memref<128xi32, #tpu.memory_space<vmem>>
        %dma_wait3A_53 = arith.constant 0 : i32
        %dma_wait3A_54 = arith.constant 0 : i32
        %dma_wait3A_55 = tpu.memref_slice %arg8[%dma_wait3A_53, %dma_wait3A_54] : memref<50176x16xf32, #tpu.memory_space<vmem_shared>> -> memref<50176x16xf32, #tpu.memory_space<vmem_shared>>
        tpu.wait_indirect_dma semaphore(%run_scoped3A_39 : memref<!tpu.dma_semaphore, #tpu.memory_space<semaphore_mem>>) src(%dma_wait3A_49 : memref<128x16xf32, #tpu.memory_space<vmem>>) dst(%dma_wait3A_55 : memref<50176x16xf32, #tpu.memory_space<vmem_shared>>)
        tpu.yield
      }) : () -> ()
    }
    %scan3A_17 = arith.constant 7 : i32
    %barrier3A_18 = arith.constant 0 : index
    tpu.barrier barrier_id(%barrier3A_18)
    %mul3A_19 = arith.constant 3136 : i32
    %mul3A_20 = arith.muli %arg1, %mul3A_19 : i32
    %mul3A_21 = arith.constant 3136 : i32
    %mul3A_22 = arith.muli %arg1, %mul3A_21 : i32
    "tpu.region"() ({
      %run_scoped3A = tpu.sem_alloc : memref<!tpu.dma_semaphore, #tpu.memory_space<semaphore_mem>>
      %dma_start3A = arith.constant 0 : i32
      %dma_start3A_23 = arith.constant 0 : i32
      %dma_start3A_24 = tpu.memref_slice %arg4[%arg0, %dma_start3A, %dma_start3A_23] : memref<2x50176x16xf32, #tpu.memory_space<hbm>> -> memref<1x50176x16xf32, #tpu.memory_space<hbm>>
      %dma_start3A_25 = tpu.memref_squeeze %dma_start3A_24 : memref<1x50176x16xf32, #tpu.memory_space<hbm>> -> memref<50176x16xf32, #tpu.memory_space<hbm>>
      %dma_start3A_26 = arith.constant 0 : i32
      %dma_start3A_27 = tpu.memref_slice %dma_start3A_25[%mul3A_22, %dma_start3A_26] : memref<50176x16xf32, #tpu.memory_space<hbm>> -> memref<3136x16xf32, #tpu.memory_space<hbm>>
      %dma_start3A_28 = arith.constant 0 : i32
      %dma_start3A_29 = tpu.memref_slice %arg8[%mul3A_20, %dma_start3A_28] : memref<50176x16xf32, #tpu.memory_space<vmem_shared>> -> memref<3136x16xf32, #tpu.memory_space<vmem_shared>>
      tpu.enqueue_dma source(%dma_start3A_29 : memref<3136x16xf32, #tpu.memory_space<vmem_shared>>) target(%dma_start3A_27 : memref<3136x16xf32, #tpu.memory_space<hbm>>) target_semaphore(%run_scoped3A : memref<!tpu.dma_semaphore, #tpu.memory_space<semaphore_mem>>)
      %dma_wait3A = arith.constant 0 : i32
      %dma_wait3A_30 = arith.constant 0 : i32
      %dma_wait3A_31 = tpu.memref_slice %arg4[%arg0, %dma_wait3A, %dma_wait3A_30] : memref<2x50176x16xf32, #tpu.memory_space<hbm>> -> memref<1x50176x16xf32, #tpu.memory_space<hbm>>
      %dma_wait3A_32 = tpu.memref_squeeze %dma_wait3A_31 : memref<1x50176x16xf32, #tpu.memory_space<hbm>> -> memref<50176x16xf32, #tpu.memory_space<hbm>>
      %dma_wait3A_33 = arith.constant 0 : i32
      %dma_wait3A_34 = tpu.memref_slice %dma_wait3A_32[%mul3A_22, %dma_wait3A_33] : memref<50176x16xf32, #tpu.memory_space<hbm>> -> memref<3136x16xf32, #tpu.memory_space<hbm>>
      %dma_wait3A_35 = arith.constant 0 : i32
      %dma_wait3A_36 = tpu.memref_slice %arg8[%mul3A_20, %dma_wait3A_35] : memref<50176x16xf32, #tpu.memory_space<vmem_shared>> -> memref<3136x16xf32, #tpu.memory_space<vmem_shared>>
      tpu.wait_dma2 semaphore(%run_scoped3A : memref<!tpu.dma_semaphore, #tpu.memory_space<semaphore_mem>>) src(%dma_wait3A_36 : memref<3136x16xf32, #tpu.memory_space<vmem_shared>>) dst(%dma_wait3A_34 : memref<3136x16xf32, #tpu.memory_space<hbm>>)
      tpu.yield
    }) : () -> ()
    return
  }
}

module attributes {stable_mosaic.version = 14 : i64} {
  func.func @_msg_body(%arg0: i32, %arg1: memref<512x128xf32, #tpu.memory_space<vmem>>, %arg2: memref<16x4096xf32, #tpu.memory_space<vmem>>, %arg3: memref<128x2048xbf16, #tpu.memory_space<vmem>>, %arg4: memref<16x256xbf16, #tpu.memory_space<vmem>>, %arg5: memref<2048x128xbf16, #tpu.memory_space<vmem>>, %arg6: memref<128x128xbf16, #tpu.memory_space<vmem>>, %arg7: memref<512x128xf32, #tpu.memory_space<vmem>>) attributes {dimension_semantics = [#tpu.dimension_semantics<arbitrary>], iteration_bounds = array<i64: 49>, scalar_prefetch = 0 : i64, scratch_operands = 0 : i64, tpu.core_type = #tpu.core_type<tc>, window_params = [{transform_indices = @transform_0, window_bounds = array<i64: 512, 128>}, {transform_indices = @transform_1, window_bounds = array<i64: 16, 4096>}, {pipeline_mode = #tpu.pipeline_mode<synchronous>, transform_indices = @transform_2, window_bounds = array<i64: 128, 2048>}, {pipeline_mode = #tpu.pipeline_mode<synchronous>, transform_indices = @transform_3, window_bounds = array<i64: 16, 256>}, {pipeline_mode = #tpu.pipeline_mode<synchronous>, transform_indices = @transform_4, window_bounds = array<i64: 2048, 128>}, {pipeline_mode = #tpu.pipeline_mode<synchronous>, transform_indices = @transform_5, window_bounds = array<i64: 128, 128>}, {transform_indices = @transform_6, window_bounds = array<i64: 512, 128>}]} {
    %get3A = arith.constant 0 : index
    %get3A_0 = arith.constant 0 : index
    %get3A_1 = vector.load %arg1[%get3A, %get3A_0] : memref<512x128xf32, #tpu.memory_space<vmem>>, vector<512x128xf32>
    %convert_element_type3A = arith.truncf %get3A_1 : vector<512x128xf32> to vector<512x128xbf16>
    %get3A_2 = arith.constant 0 : index
    %get3A_3 = arith.constant 0 : index
    %get3A_4 = vector.load %arg2[%get3A_2, %get3A_3] : memref<16x4096xf32, #tpu.memory_space<vmem>>, vector<16x4096xf32>
    %convert_element_type3A_5 = arith.truncf %get3A_4 : vector<16x4096xf32> to vector<16x4096xbf16>
    %get3A_6 = arith.constant 0 : index
    %get3A_7 = arith.constant 0 : index
    %get3A_8 = vector.load %arg4[%get3A_6, %get3A_7] : memref<16x256xbf16, #tpu.memory_space<vmem>>, vector<16x256xbf16>
    %dot_general3A = arith.constant dense<0.000000e+00> : vector<4096x256xf32>
    %dot_general3A_9 = tpu.matmul %convert_element_type3A_5, %get3A_8, %dot_general3A {dimension_numbers = #tpu.dot_dimension_numbers<[0], [0], [1], [1], [0, 1, 1, 1], [], []>, transpose_lhs_hint = false} : vector<16x4096xbf16>, vector<16x256xbf16>, vector<4096x256xf32> -> vector<4096x256xf32>
    %reshape3A = vector.shape_cast %dot_general3A_9 : vector<4096x256xf32> to vector<512x2048xf32>
    %get3A_10 = arith.constant 0 : index
    %get3A_11 = arith.constant 0 : index
    %get3A_12 = vector.load %arg3[%get3A_10, %get3A_11] : memref<128x2048xbf16, #tpu.memory_space<vmem>>, vector<128x2048xbf16>
    %dot_general3A_13 = arith.constant dense<0.000000e+00> : vector<512x2048xf32>
    %dot_general3A_14 = tpu.matmul %convert_element_type3A, %get3A_12, %dot_general3A_13 {dimension_numbers = #tpu.dot_dimension_numbers<[1], [0], [0], [1], [0, 0, 1, 1], [], []>, transpose_lhs_hint = false} : vector<512x128xbf16>, vector<128x2048xbf16>, vector<512x2048xf32> -> vector<512x2048xf32>
    %mul3A = arith.mulf %dot_general3A_14, %reshape3A : vector<512x2048xf32>
    %convert_element_type3A_15 = arith.truncf %mul3A : vector<512x2048xf32> to vector<512x2048xbf16>
    %get3A_16 = arith.constant 0 : index
    %get3A_17 = arith.constant 0 : index
    %get3A_18 = vector.load %arg5[%get3A_16, %get3A_17] : memref<2048x128xbf16, #tpu.memory_space<vmem>>, vector<2048x128xbf16>
    %dot_general3A_19 = arith.constant dense<0.000000e+00> : vector<512x128xf32>
    %dot_general3A_20 = tpu.matmul %convert_element_type3A_15, %get3A_18, %dot_general3A_19 {dimension_numbers = #tpu.dot_dimension_numbers<[1], [0], [0], [1], [0, 0, 1, 1], [], []>, transpose_lhs_hint = false} : vector<512x2048xbf16>, vector<2048x128xbf16>, vector<512x128xf32> -> vector<512x128xf32>
    %get3A_21 = arith.constant 0 : index
    %get3A_22 = arith.constant 0 : index
    %get3A_23 = vector.load %arg6[%get3A_21, %get3A_22] : memref<128x128xbf16, #tpu.memory_space<vmem>>, vector<128x128xbf16>
    %dot_general3A_24 = arith.constant dense<0.000000e+00> : vector<512x128xf32>
    %dot_general3A_25 = tpu.matmul %convert_element_type3A, %get3A_23, %dot_general3A_24 {dimension_numbers = #tpu.dot_dimension_numbers<[1], [0], [0], [1], [0, 0, 1, 1], [], []>, transpose_lhs_hint = false} : vector<512x128xbf16>, vector<128x128xbf16>, vector<512x128xf32> -> vector<512x128xf32>
    %add3A = arith.addf %dot_general3A_20, %dot_general3A_25 : vector<512x128xf32>
    %swap3A = arith.constant 0 : index
    %swap3A_26 = arith.constant 0 : index
    %swap3A_27 = vector.load %arg7[%swap3A, %swap3A_26] : memref<512x128xf32, #tpu.memory_space<vmem>>, vector<512x128xf32>
    tpu.vector_store %arg7[%swap3A, %swap3A_26], %add3A {strides = array<i32>} : memref<512x128xf32, #tpu.memory_space<vmem>>, vector<512x128xf32>,
    return
  }
  func.func @transform_0(%arg0: i32) -> (i32, i32) {
    %c0_i32 = arith.constant 0 : i32
    %c0_i32_0 = arith.constant 0 : i32
    return %arg0, %c0_i32 : i32, i32
  }
  func.func @transform_1(%arg0: i32) -> (i32, i32) {
    %add3A = arith.constant 49 : i32
    %add3A_0 = arith.addi %arg0, %add3A : i32
    %c0_i32 = arith.constant 0 : i32
    %c0_i32_1 = arith.constant 0 : i32
    return %c0_i32, %add3A_0 : i32, i32
  }
  func.func @transform_2(%arg0: i32) -> (i32, i32) {
    %c0_i32 = arith.constant 0 : i32
    %c0_i32_0 = arith.constant 0 : i32
    %c0_i32_1 = arith.constant 0 : i32
    return %c0_i32, %c0_i32_0 : i32, i32
  }
  func.func @transform_3(%arg0: i32) -> (i32, i32) {
    %c0_i32 = arith.constant 0 : i32
    %c0_i32_0 = arith.constant 0 : i32
    %c0_i32_1 = arith.constant 0 : i32
    return %c0_i32, %c0_i32_0 : i32, i32
  }
  func.func @transform_4(%arg0: i32) -> (i32, i32) {
    %c0_i32 = arith.constant 0 : i32
    %c0_i32_0 = arith.constant 0 : i32
    %c0_i32_1 = arith.constant 0 : i32
    return %c0_i32, %c0_i32_0 : i32, i32
  }
  func.func @transform_5(%arg0: i32) -> (i32, i32) {
    %c0_i32 = arith.constant 0 : i32
    %c0_i32_0 = arith.constant 0 : i32
    %c0_i32_1 = arith.constant 0 : i32
    return %c0_i32, %c0_i32_0 : i32, i32
  }
  func.func @transform_6(%arg0: i32) -> (i32, i32) {
    %c0_i32 = arith.constant 0 : i32
    %c0_i32_0 = arith.constant 0 : i32
    return %arg0, %c0_i32 : i32, i32
  }
}

module attributes {stable_mosaic.version = 14 : i64} {
  func.func @_msg_body(%arg0: i32, %arg1: memref<512x128xf32, #tpu.memory_space<vmem>>, %arg2: memref<16x4096xf32, #tpu.memory_space<vmem>>, %arg3: memref<128x2048xbf16, #tpu.memory_space<vmem>>, %arg4: memref<16x256xbf16, #tpu.memory_space<vmem>>, %arg5: memref<2048x128xbf16, #tpu.memory_space<vmem>>, %arg6: memref<128x128xbf16, #tpu.memory_space<vmem>>, %arg7: memref<512x128xf32, #tpu.memory_space<vmem>>) attributes {dimension_semantics = [#tpu.dimension_semantics<arbitrary>], iteration_bounds = array<i64: 49>, scalar_prefetch = 0 : i64, scratch_operands = 0 : i64, tpu.core_type = #tpu.core_type<tc>, window_params = [{transform_indices = @transform_0, window_bounds = array<i64: 512, 128>}, {transform_indices = @transform_1, window_bounds = array<i64: 16, 4096>}, {pipeline_mode = #tpu.pipeline_mode<synchronous>, transform_indices = @transform_2, window_bounds = array<i64: 128, 2048>}, {pipeline_mode = #tpu.pipeline_mode<synchronous>, transform_indices = @transform_3, window_bounds = array<i64: 16, 256>}, {pipeline_mode = #tpu.pipeline_mode<synchronous>, transform_indices = @transform_4, window_bounds = array<i64: 2048, 128>}, {pipeline_mode = #tpu.pipeline_mode<synchronous>, transform_indices = @transform_5, window_bounds = array<i64: 128, 128>}, {transform_indices = @transform_6, window_bounds = array<i64: 512, 128>}]} {
    %get3A = arith.constant 0 : index
    %get3A_0 = arith.constant 0 : index
    %get3A_1 = vector.load %arg1[%get3A, %get3A_0] : memref<512x128xf32, #tpu.memory_space<vmem>>, vector<512x128xf32>
    %convert_element_type3A = arith.truncf %get3A_1 : vector<512x128xf32> to vector<512x128xbf16>
    %get3A_2 = arith.constant 0 : index
    %get3A_3 = arith.constant 0 : index
    %get3A_4 = vector.load %arg2[%get3A_2, %get3A_3] : memref<16x4096xf32, #tpu.memory_space<vmem>>, vector<16x4096xf32>
    %convert_element_type3A_5 = arith.truncf %get3A_4 : vector<16x4096xf32> to vector<16x4096xbf16>
    %get3A_6 = arith.constant 0 : index
    %get3A_7 = arith.constant 0 : index
    %get3A_8 = vector.load %arg4[%get3A_6, %get3A_7] : memref<16x256xbf16, #tpu.memory_space<vmem>>, vector<16x256xbf16>
    %dot_general3A = arith.constant dense<0.000000e+00> : vector<4096x256xf32>
    %dot_general3A_9 = tpu.matmul %convert_element_type3A_5, %get3A_8, %dot_general3A {dimension_numbers = #tpu.dot_dimension_numbers<[0], [0], [1], [1], [0, 1, 1, 1], [], []>, transpose_lhs_hint = false} : vector<16x4096xbf16>, vector<16x256xbf16>, vector<4096x256xf32> -> vector<4096x256xf32>
    %reshape3A = vector.shape_cast %dot_general3A_9 : vector<4096x256xf32> to vector<512x2048xf32>
    %get3A_10 = arith.constant 0 : index
    %get3A_11 = arith.constant 0 : index
    %get3A_12 = vector.load %arg3[%get3A_10, %get3A_11] : memref<128x2048xbf16, #tpu.memory_space<vmem>>, vector<128x2048xbf16>
    %dot_general3A_13 = arith.constant dense<0.000000e+00> : vector<512x2048xf32>
    %dot_general3A_14 = tpu.matmul %convert_element_type3A, %get3A_12, %dot_general3A_13 {dimension_numbers = #tpu.dot_dimension_numbers<[1], [0], [0], [1], [0, 0, 1, 1], [], []>, transpose_lhs_hint = false} : vector<512x128xbf16>, vector<128x2048xbf16>, vector<512x2048xf32> -> vector<512x2048xf32>
    %mul3A = arith.mulf %dot_general3A_14, %reshape3A : vector<512x2048xf32>
    %convert_element_type3A_15 = arith.truncf %mul3A : vector<512x2048xf32> to vector<512x2048xbf16>
    %get3A_16 = arith.constant 0 : index
    %get3A_17 = arith.constant 0 : index
    %get3A_18 = vector.load %arg5[%get3A_16, %get3A_17] : memref<2048x128xbf16, #tpu.memory_space<vmem>>, vector<2048x128xbf16>
    %dot_general3A_19 = arith.constant dense<0.000000e+00> : vector<512x128xf32>
    %dot_general3A_20 = tpu.matmul %convert_element_type3A_15, %get3A_18, %dot_general3A_19 {dimension_numbers = #tpu.dot_dimension_numbers<[1], [0], [0], [1], [0, 0, 1, 1], [], []>, transpose_lhs_hint = false} : vector<512x2048xbf16>, vector<2048x128xbf16>, vector<512x128xf32> -> vector<512x128xf32>
    %get3A_21 = arith.constant 0 : index
    %get3A_22 = arith.constant 0 : index
    %get3A_23 = vector.load %arg6[%get3A_21, %get3A_22] : memref<128x128xbf16, #tpu.memory_space<vmem>>, vector<128x128xbf16>
    %dot_general3A_24 = arith.constant dense<0.000000e+00> : vector<512x128xf32>
    %dot_general3A_25 = tpu.matmul %convert_element_type3A, %get3A_23, %dot_general3A_24 {dimension_numbers = #tpu.dot_dimension_numbers<[1], [0], [0], [1], [0, 0, 1, 1], [], []>, transpose_lhs_hint = false} : vector<512x128xbf16>, vector<128x128xbf16>, vector<512x128xf32> -> vector<512x128xf32>
    %add3A = arith.addf %dot_general3A_20, %dot_general3A_25 : vector<512x128xf32>
    %swap3A = arith.constant 0 : index
    %swap3A_26 = arith.constant 0 : index
    %swap3A_27 = vector.load %arg7[%swap3A, %swap3A_26] : memref<512x128xf32, #tpu.memory_space<vmem>>, vector<512x128xf32>
    tpu.vector_store %arg7[%swap3A, %swap3A_26], %add3A {strides = array<i32>} : memref<512x128xf32, #tpu.memory_space<vmem>>, vector<512x128xf32>,
    return
  }
  func.func @transform_0(%arg0: i32) -> (i32, i32) {
    %c0_i32 = arith.constant 0 : i32
    %c0_i32_0 = arith.constant 0 : i32
    return %arg0, %c0_i32 : i32, i32
  }
  func.func @transform_1(%arg0: i32) -> (i32, i32) {
    %add3A = arith.constant 0 : i32
    %add3A_0 = arith.addi %arg0, %add3A : i32
    %c0_i32 = arith.constant 0 : i32
    %c0_i32_1 = arith.constant 0 : i32
    return %c0_i32, %add3A_0 : i32, i32
  }
  func.func @transform_2(%arg0: i32) -> (i32, i32) {
    %c0_i32 = arith.constant 0 : i32
    %c0_i32_0 = arith.constant 0 : i32
    %c0_i32_1 = arith.constant 0 : i32
    return %c0_i32, %c0_i32_0 : i32, i32
  }
  func.func @transform_3(%arg0: i32) -> (i32, i32) {
    %c0_i32 = arith.constant 0 : i32
    %c0_i32_0 = arith.constant 0 : i32
    %c0_i32_1 = arith.constant 0 : i32
    return %c0_i32, %c0_i32_0 : i32, i32
  }
  func.func @transform_4(%arg0: i32) -> (i32, i32) {
    %c0_i32 = arith.constant 0 : i32
    %c0_i32_0 = arith.constant 0 : i32
    %c0_i32_1 = arith.constant 0 : i32
    return %c0_i32, %c0_i32_0 : i32, i32
  }
  func.func @transform_5(%arg0: i32) -> (i32, i32) {
    %c0_i32 = arith.constant 0 : i32
    %c0_i32_0 = arith.constant 0 : i32
    %c0_i32_1 = arith.constant 0 : i32
    return %c0_i32, %c0_i32_0 : i32, i32
  }
  func.func @transform_6(%arg0: i32) -> (i32, i32) {
    %c0_i32 = arith.constant 0 : i32
    %c0_i32_0 = arith.constant 0 : i32
    return %arg0, %c0_i32 : i32, i32
  }
}

module attributes {stable_mosaic.version = 14 : i64} {
  func.func @_comb_body(%arg0: i32, %arg1: memref<2x392x128xf32, #tpu.memory_space<vmem>>, %arg2: memref<2x392x128xf32, #tpu.memory_space<vmem>>, %arg3: memref<392x128xf32, #tpu.memory_space<vmem>>, %arg4: memref<128x128xbf16, #tpu.memory_space<vmem>>, %arg5: memref<8x128xf32, #tpu.memory_space<vmem>>, %arg6: memref<392x128xf32, #tpu.memory_space<vmem>>) attributes {dimension_semantics = [#tpu.dimension_semantics<arbitrary>], iteration_bounds = array<i64: 16>, scalar_prefetch = 0 : i64, scratch_operands = 0 : i64, tpu.core_type = #tpu.core_type<tc>, window_params = [{transform_indices = @transform_0, window_bounds = array<i64: 2, 392, 128>}, {transform_indices = @transform_1, window_bounds = array<i64: 2, 392, 128>}, {transform_indices = @transform_2, window_bounds = array<i64: 392, 128>}, {pipeline_mode = #tpu.pipeline_mode<synchronous>, transform_indices = @transform_3, window_bounds = array<i64: 128, 128>}, {pipeline_mode = #tpu.pipeline_mode<synchronous>, transform_indices = @transform_4, window_bounds = array<i64: 8, 128>}, {transform_indices = @transform_5, window_bounds = array<i64: 392, 128>}]} {
    %get3A = arith.constant 0 : index
    %get3A_0 = arith.constant 0 : index
    %get3A_1 = vector.load %arg3[%get3A, %get3A_0] : memref<392x128xf32, #tpu.memory_space<vmem>>, vector<392x128xf32>
    %convert_element_type3A = arith.truncf %get3A_1 : vector<392x128xf32> to vector<392x128xbf16>
    %get3A_2 = arith.constant 0 : index
    %get3A_3 = arith.constant 0 : index
    %get3A_4 = vector.load %arg4[%get3A_2, %get3A_3] : memref<128x128xbf16, #tpu.memory_space<vmem>>, vector<128x128xbf16>
    %dot_general3A = arith.constant dense<0.000000e+00> : vector<392x128xf32>
    %dot_general3A_5 = tpu.matmul %convert_element_type3A, %get3A_4, %dot_general3A {dimension_numbers = #tpu.dot_dimension_numbers<[1], [0], [0], [1], [0, 0, 1, 1], [], []>, transpose_lhs_hint = false} : vector<392x128xbf16>, vector<128x128xbf16>, vector<392x128xf32> -> vector<392x128xf32>
    %get3A_6 = arith.constant 0 : index
    %get3A_7 = arith.constant 0 : index
    %get3A_8 = arith.constant 0 : index
    %get3A_9 = vector.load %arg1[%get3A_6, %get3A_7, %get3A_8] : memref<2x392x128xf32, #tpu.memory_space<vmem>>, vector<1x392x128xf32>
    %get3A_10 = vector.shape_cast %get3A_9 : vector<1x392x128xf32> to vector<392x128xf32>
    %get3A_11 = arith.constant 1 : index
    %get3A_12 = arith.constant 0 : index
    %get3A_13 = arith.constant 0 : index
    %get3A_14 = vector.load %arg1[%get3A_11, %get3A_12, %get3A_13] : memref<2x392x128xf32, #tpu.memory_space<vmem>>, vector<1x392x128xf32>
    %get3A_15 = vector.shape_cast %get3A_14 : vector<1x392x128xf32> to vector<392x128xf32>
    %add3A = arith.addf %get3A_10, %get3A_15 : vector<392x128xf32>
    %get3A_16 = arith.constant 0 : index
    %get3A_17 = arith.constant 0 : index
    %get3A_18 = arith.constant 0 : index
    %get3A_19 = vector.load %arg2[%get3A_16, %get3A_17, %get3A_18] : memref<2x392x128xf32, #tpu.memory_space<vmem>>, vector<1x392x128xf32>
    %get3A_20 = vector.shape_cast %get3A_19 : vector<1x392x128xf32> to vector<392x128xf32>
    %add3A_21 = arith.addf %add3A, %get3A_20 : vector<392x128xf32>
    %get3A_22 = arith.constant 1 : index
    %get3A_23 = arith.constant 0 : index
    %get3A_24 = arith.constant 0 : index
    %get3A_25 = vector.load %arg2[%get3A_22, %get3A_23, %get3A_24] : memref<2x392x128xf32, #tpu.memory_space<vmem>>, vector<1x392x128xf32>
    %get3A_26 = vector.shape_cast %get3A_25 : vector<1x392x128xf32> to vector<392x128xf32>
    %add3A_27 = arith.addf %add3A_21, %get3A_26 : vector<392x128xf32>
    %add3A_28 = arith.addf %add3A_27, %dot_general3A_5 : vector<392x128xf32>
    %get3A_29 = arith.constant 0 : index
    %get3A_30 = arith.constant 0 : index
    %get3A_31 = vector.load %arg5[%get3A_29, %get3A_30] : memref<8x128xf32, #tpu.memory_space<vmem>>, vector<1x128xf32>
    %add3A_32 = vector.broadcast %get3A_31 : vector<1x128xf32> to vector<392x128xf32>
    %add3A_33 = arith.addf %add3A_28, %add3A_32 : vector<392x128xf32>
    %swap3A = arith.constant 0 : index
    %swap3A_34 = arith.constant 0 : index
    %swap3A_35 = vector.load %arg6[%swap3A, %swap3A_34] : memref<392x128xf32, #tpu.memory_space<vmem>>, vector<392x128xf32>
    tpu.vector_store %arg6[%swap3A, %swap3A_34], %add3A_33 {strides = array<i32>} : memref<392x128xf32, #tpu.memory_space<vmem>>, vector<392x128xf32>,
    return
  }
  func.func @transform_0(%arg0: i32) -> (i32, i32, i32) {
    %c0_i32 = arith.constant 0 : i32
    %c0_i32_0 = arith.constant 0 : i32
    %c0_i32_1 = arith.constant 0 : i32
    return %c0_i32, %arg0, %c0_i32_0 : i32, i32, i32
  }
  func.func @transform_1(%arg0: i32) -> (i32, i32, i32) {
    %c0_i32 = arith.constant 0 : i32
    %c0_i32_0 = arith.constant 0 : i32
    %c0_i32_1 = arith.constant 0 : i32
    return %c0_i32, %arg0, %c0_i32_0 : i32, i32, i32
  }
  func.func @transform_2(%arg0: i32) -> (i32, i32) {
    %c0_i32 = arith.constant 0 : i32
    %c0_i32_0 = arith.constant 0 : i32
    return %arg0, %c0_i32 : i32, i32
  }
  func.func @transform_3(%arg0: i32) -> (i32, i32) {
    %c0_i32 = arith.constant 0 : i32
    %c0_i32_0 = arith.constant 0 : i32
    %c0_i32_1 = arith.constant 0 : i32
    return %c0_i32, %c0_i32_0 : i32, i32
  }
  func.func @transform_4(%arg0: i32) -> (i32, i32) {
    %c0_i32 = arith.constant 0 : i32
    %c0_i32_0 = arith.constant 0 : i32
    %c0_i32_1 = arith.constant 0 : i32
    return %c0_i32, %c0_i32_0 : i32, i32
  }
  func.func @transform_5(%arg0: i32) -> (i32, i32) {
    %c0_i32 = arith.constant 0 : i32
    %c0_i32_0 = arith.constant 0 : i32
    return %arg0, %c0_i32 : i32, i32
  }
}

</mosaic_0001>

<sc_bundles>
// kernel: kernel.12.cloned.1.call-start
scs
__scs_entry_jumppad:
0x0: {  	(pc) =	sbr.rel $0x88, $3  }
0x1: {  	(tag) =	ssettag $0x0;
	lr =	simm.s32 $0x1  }
0x2: {  	[smem:$0x3F9A] =	sst lr;
	_ =	strace $0xD0000000  }
0x3: {  	_ = 	snop  }
0x4: {  	_ = 	snop  }
0x5: {  	_ = 	snop  }
0x6: {  	_ = 	snop  }
0x7: {  	_ = 	snop  }
__scs_overlays_trampoline_lowered:
0x8: {  	[smem:$0x3FA9] =	sst s0  }
0x9: {  	[smem:$0x3FAA] =	sst s1  }
0xa: {  	[smem:$0x3FAB] =	sst s2  }
0xb: {  	[smem:$0x3FAC] =	sst s3  }
0xc: {  	[smem:$0x3FAD] =	sst s4  }
0xd: {  	[smem:$0x3FAE] =	sst s5  }
0xe: {  	[smem:$0x3FAF] =	sst s6  }
0xf: {  	[smem:$0x3FB0] =	sst s7  }
0x10: {  	[smem:$0x3FB1] =	sst s8  }
0x11: {  	[smem:$0x3FB2] =	sst s9;
	s0 =	simm.s32 @!p0 $0x0  }
0x12: {  	s1 =	sld [smem:$0x3F98];
	s0 =	simm.s32 @p0 $0x1  }
0x13: {  	[smem:$0x3FB3] =	sst s0;
	s0 =	simm.s32 @!p1 $0x0  }
0x14: {  	s2 =	sld [smem:$0x3F97];
	s0 =	simm.s32 @p1 $0x1  }
0x15: {  	[smem:$0x3FB4] =	sst s0;
	s0 =	simm.s32 @!p2 $0x0  }
0x16: {  	s3 =	sld [smem:$0x3FDB];
	s0 =	simm.s32 @p2 $0x1  }
0x17: {  	s4 =	simm.s32 $0x1BF5;
	[smem:$0x3FB6] =	sst s0  }
0x18: {  	s0 =	sld [smem:$0x3F99];
	_ =	swait.ge [sflag:s4], $0x0  }
0x19: {  	s7 =	sld [smem:$0x3F9A]  }
0x1a: {  	s8 =	sadd.s32 $0xFFFFE003, lr  }
0x1b: {  	s9 =	sadd.s32 $0xFFFFFEF7, lr;
	s5 =	simm.s32 $0xFFFFFFFF;
	p2 =	slt.u32 s8, $0xFFFFF086  }
0x1c: {  	p1 =	slt.u32 s9, $0xF7A;
	s5 =	simm.s32 @!p2 $0x0  }
0x1d: {  	s5 =	simm.s32 @p1 $0x1;
	p0 =	seq.s32 s7, s2  }
0x1e: {  	s7 =	smul.u32 @!p0 $0xF7A, s2;
	p2 =	seq.s32 @!p0 s5, $0x0  }
0x1f: {  	s9 =	smul.u32 $0xF7A, s1;
	s8 =	simm.s32 @!p0 $0x1BF5;
	p2 =	por !p2, p0  }
0x20: {  	[sflag:s8] =	ssyncset.s32 @!p0 $0xFFFFF086;
	s6 =	sadd.s32 @!p0 s3, s7;
	s7 =	simm.s32 @!p0 $0x108  }
0x21: {  	s3 =	sadd.s32 s3, s9;
	s6 =	sadd.s32 @!p0 $0x88, s6;
	s7 =	simm.s32 @p2 $0x1082  }
0x22: {  	[simem:s7], [sflag:s8] =	dma.local @!p0 [hbm:s6], $0xF7A  }
0x23: {  	s9 =	sor.u32 $0xD0000000, s2;
	s6 =	simm.s32 $0x108;
	_ =	swait.ge @!p0 [sflag:s8], $0x0  }
0x24: {  	s3 =	sadd.s32 $0x88, s3;
	s6 =	simm.s32 @!p1 $0x1082;
	[sflag:s4] =	ssyncset.s32 $0xFFFFF086  }
0x25: {  	[simem:s6], [sflag:s4] =	dma.local [hbm:s3], $0xF7A  }
0x26: {  	[smem:$0x3F9A] =	sst s1;
	(tag) =	ssettag s2;
	_ =	strace s9  }
0x27: {  	s1 =	sld [smem:$0x3FAA]  }
0x28: {  	s2 =	sld [smem:$0x3FAB]  }
0x29: {  	s4 =	sld [smem:$0x3FAD]  }
0x2a: {  	p0 =	seq.s32 s5, $0x0;
	s5 =	sld [smem:$0x3FAE]  }
0x2b: {  	s6 =	sld [smem:$0x3FAF]  }
0x2c: {  	s7 =	sld [smem:$0x3FB0]  }
0x2d: {  	s3 =	simm.s32 $0x108;
	s8 =	sld [smem:$0x3FB1]  }
0x2e: {  	s3 =	simm.s32 @!p0 $0x1082;
	s9 =	sld [smem:$0x3FB2]  }
0x2f: {  	lr =	sadd.s32 s0, s3;
	s0 =	sld [smem:$0x3FA9]  }
0x30: {  	s3 =	sld [smem:$0x3FAC]  }
0x31: {  	[smem:$0x3FB5] =	sst s10  }
0x32: {  	s10 =	sld [smem:$0x3FB3];
	_ =	sdelay $0x3  }
0x33: {  	p0 =	seq.s32 s10, $0x1;
	s10 =	sld [smem:$0x3FB5];
	_ =	sdelay $0x3  }
0x34: {  	[smem:$0x3FB5] =	sst s10  }
0x35: {  	s10 =	sld [smem:$0x3FB4];
	_ =	sdelay $0x3  }
0x36: {  	p1 =	seq.s32 s10, $0x1;
	s10 =	sld [smem:$0x3FB5];
	_ =	sdelay $0x3  }
0x37: {  	[smem:$0x3FB5] =	sst s10  }
0x38: {  	s10 =	sld [smem:$0x3FB6]  }
0x39: {  	_ = 	snop;
	(pc) =	sbr.ind lr, $3  }
0x3a: {  	_ = 	snop  }
0x3b: {  	_ = 	snop  }
0x3c: {  	p2 =	seq.s32 s10, $0x1;
	s10 =	sld [smem:$0x3FB5]  }
0x3d: {  	_ =	shalt  }
0x3e: {  	_ =	shalt  }
0x3f: {  	_ =	shalt  }
0x40: {  	_ =	shalt  }
0x41: {  	_ =	shalt  }
0x42: {  	_ =	shalt  }
0x43: {  	_ =	shalt  }
0x44: {  	_ =	shalt  }
0x45: {  	_ =	shalt  }
0x46: {  	_ =	shalt  }
0x47: {  	_ =	shalt  }
0x48: {  	_ =	shalt  }
0x49: {  	_ =	shalt  }
0x4a: {  	_ =	shalt  }
0x4b: {  	_ =	shalt  }
0x4c: {  	_ =	shalt  }
0x4d: {  	_ =	shalt  }
0x4e: {  	_ =	shalt  }
0x4f: {  	_ =	shalt  }
0x50: {  	_ =	shalt  }
0x51: {  	_ =	shalt  }
0x52: {  	_ =	shalt  }
0x53: {  	_ =	shalt  }
0x54: {  	_ =	shalt  }
0x55: {  	_ =	shalt  }
0x56: {  	_ =	shalt  }
0x57: {  	_ =	shalt  }
0x58: {  	_ =	shalt  }
0x59: {  	_ =	shalt  }
0x5a: {  	_ =	shalt  }
0x5b: {  	_ =	shalt  }
0x5c: {  	_ =	shalt  }
0x5d: {  	_ =	shalt  }
0x5e: {  	_ =	shalt  }
0x5f: {  	_ =	shalt  }
0x60: {  	_ =	shalt  }
0x61: {  	_ =	shalt  }
0x62: {  	_ =	shalt  }
0x63: {  	_ =	shalt  }
0x64: {  	_ =	shalt  }
0x65: {  	_ =	shalt  }
0x66: {  	_ =	shalt  }
0x67: {  	_ =	shalt  }
0x68: {  	_ =	shalt  }
0x69: {  	_ =	shalt  }
0x6a: {  	_ =	shalt  }
0x6b: {  	_ =	shalt  }
0x6c: {  	_ =	shalt  }
0x6d: {  	_ =	shalt  }
0x6e: {  	_ =	shalt  }
0x6f: {  	_ =	shalt  }
0x70: {  	_ =	shalt  }
0x71: {  	_ =	shalt  }
0x72: {  	_ =	shalt  }
0x73: {  	_ =	shalt  }
0x74: {  	_ =	shalt  }
0x75: {  	_ =	shalt  }
0x76: {  	_ =	shalt  }
0x77: {  	_ =	shalt  }
0x78: {  	_ =	shalt  }
0x79: {  	_ =	shalt  }
0x7a: {  	_ =	shalt  }
0x7b: {  	_ =	shalt  }
0x7c: {  	_ =	shalt  }
0x7d: {  	_ =	shalt  }
0x7e: {  	_ =	shalt  }
0x7f: {  	_ =	shalt  }
0x80: {  	_ =	shalt  }
0x81: {  	_ =	shalt  }
0x82: {  	_ =	shalt  }
0x83: {  	_ =	shalt  }
0x84: {  	_ =	shalt  }
0x85: {  	_ =	shalt  }
0x86: {  	_ =	shalt  }
0x87: {  	_ =	shalt  }
.Lfunc_end0:
.L_simem_size_0:
called_computation.1_lowered:
.L_overlay_start_0:
0x88: {  	s2 =	sld [smem:$0x3FD9]  }
0x89: {  	s3 =	sld [smem:$0x3FFE];
	_ =	sdelay $0x1  }
0x8a: {  	s1 =	srdreg.scid  }
0x8b: {  	s0 =	sand.u32 $0x1, s1  }
0x8c: {  	s17 =	sshll.u32 s0, $0xA;
	s2 =	sadd.s32 s3, s2  }
0x8d: {  	s2 =	sadd.s32 s2, s17  }
0x8e: {  	[smem:$0x3FC1] =	sst s2  }
0x8f: {  	_ = 	snop  }
0x90: {  	s2 =	sld [smem:$0x3FD0];
	(tm) =	ssettm $0x1  }
0x91: {  	s18 =	sld [smem:$0x3FFB];
	_ =	sdelay $0x3  }
0x92: {  	_ =	strace s18  }
0x93: {  	s3 =	sld [smem:$0x3FFC];
	_ =	sdelay $0x3  }
0x94: {  	_ =	strace s3  }
0x95: {  	s3 =	sld [smem:$0x3FFD];
	_ =	sdelay $0x3  }
0x96: {  	_ =	strace s3  }
0x97: {  	_ =	strace $0x8FFFFFFF  }
0x98: {  	s19 =	sld [smem:$0x3FDB];
	_ =	sdelay $0x1  }
0x99: {  	s4 =	simm.s32 $_scs_section_size  }
0x9a: {  	s5 =	simm.s32 $_size__tile_overlayer_lowered;
	s6 =	simm.s32 $_tile_overlayer_lowered  }
0x9b: {  	s22 =	simm.s32 $0x1BFF;
	s21 =	sshll.u32 s6, $0x1;
	s3 =	sadd.s32 s4, s19  }
0x9c: {  	s7 =	simm.s32 $0x0;
	s20 =	sshll.u32 s5, $0x1;
	s5 =	sadd.s32 s21, s3  }
0x9d: {  	[timem:s7], [sflag:s22] =	dma.local [hbm:s5], s20  }
0x9e: {  	_ =	swait.ge [sflag:s22], s20  }
0x9f: {  	s4 =	ssub.s32 $0x0, s20;
	[sflag:s22] =	ssyncset.done $0x0  }
0xa0: {  	[sflag:s22] =	ssyncadd.s32 s4;
	_ =	sdelay $0x1  }
0xa1: {  	s23 =	simm.s32 $0x1B8B  }
0xa2: {  	_ =	swait.ge [sflag:s23], $0x1  }
0xa3: {  	[sflag:s23] =	ssyncset.done $0x0  }
0xa4: {  	s25 =	simm.s32 $0x1B8E;
	s24 =	sld [smem:$0x3FFE];
	[sflag:s23] =	ssyncadd.s32 $0xFFFFFFFF  }
0xa5: {  	s26 =	simm.s32 $execute0_lowered;
	[smem:$0x3FD2] =	sst s25  }
0xa6: {  	s5 =	sshll.u32 s26, $0x1;
	_ =	strace $0x80000046;
	[dreg:$0x1] =	wrdreg $0xFFFFFFFF  }
0xa7: {  	s28 =	simm.s32 $_size_execute0_lowered;
	s3 =	sadd.s32 s3, s5;
	[dreg:$0x0] =	wrdreg $0x0  }
0xa8: {  	s5 =	sshll.u32 s28, $0x1;
	[dreg:$0x2] =	wrdreg s3  }
0xa9: {  	[dreg:$0x3] =	wrdreg s5  }
0xaa: {  	[dreg:$0x4] =	wrdreg $0xC0  }
0xab: {  	_ =	task [dreg:s7], $0x5FFFF  }
0xac: {  	[dreg:$0x1] =	wrdreg $0xFFFFFFFF  }
0xad: {  	[dreg:$0x0] =	wrdreg $0x60  }
0xae: {  	[dreg:$0x2] =	wrdreg s2  }
0xaf: {  	[dreg:$0x3] =	wrdreg s24  }
0xb0: {  	[dreg:$0x4] =	wrdreg $0xA  }
0xb1: {  	_ =	task.clear_ibuf [dreg:s7], $0x5FFFF;
	_ =	strace $0x90000046  }
0xb2: {  	s29 =	simm.s32 $0xA;
	_ =	strace $0x80000048  }
0xb3: {  	_ =	swait.ge [sflag:s29], $0x1  }
0xb4: {  	[sflag:s29] =	ssyncadd.s32 $0xFFFFFFFF  }
0xb5: {  	_ =	strace $0x90000048  }
0xb6: {  	_ =	sfence  }
0xb7: {  	s30 =	sld [smem:$0x0];
	_ =	sdelay $0x2  }
0xb8: {  	s31 =	sshll.u32 s1, $0xD;
	s1 =	sshrl.u32 s1, $0x2  }
0xb9: {  	s3 =	sand.u32 $0x4000, s31;
	s1 =	sadd.s32 s1, s30  }
0xba: {  	s0 =	sor.u32 s3, s0;
	s1 =	sshll.u32 s1, $0x11  }
0xbb: {  	s0 =	sor.u32 s1, s0  }
0xbc: {  	s0 =	sadd.s32 $0x8F2B, s0  }
0xbd: {  	[sflag:s0] =	ssyncadd.remote.s32 $0x1  }
0xbe: {  	_ =	sfence.sel $0xFFFF  }
0xbf: {  	[dreg:$0x0] =	wrdreg $0xFFFFFFFF;
	(pc) =	sbr.abs _section_cstart, $3  }
0xc0: {  	[dreg:$0x1] =	wrdreg $0xFFFFFFFF  }
0xc1: {  	_ =	task.clear_ibuf [dreg:s7], $0x2FFFF;
	_ =	strace $0x9FFFFFFF  }
0xc2: {  	(tm) =	ssettm $0x7FFFFFFF  }
0xc3: {  	_ =	shalt  }
tec
execute0_lowered:
.L_overlay_start_1:
0x0: {  	(tag) =	ssettag $0x1  }
0x1: {  	s2 =	rddreg [dreg:$0x0]  }
0x2: {  	s4 =	rddreg [dreg:$0x1]  }
0x3: {  	s0 =	rddreg [dreg:$0x2]  }
0x4: {  	s1 =	stileid.u32;
	s6 =	srdreg.scid;
	s3 =	simm.s32 $0x0  }
0x5: {  	s11 =	simm.s32 $0x100;
	s12 =	simm.s32 $0x1380;
	s13 =	simm.s32 $0x180  }
0x6: {  	s14 =	simm.s32 $0x1B80;
	s15 =	simm.s32 $0x200;
	s16 =	simm.s32 $0x2380  }
0x7: {  	s17 =	simm.s32 $0x280;
	s18 =	simm.s32 $0x2B80;
	s19 =	simm.s32 $0x300  }
0x8: {  	s20 =	simm.s32 $0x3380;
	s21 =	simm.s32 $0x1;
	s5 =	smul.u32 $0x620, s1  }
0x9: {  	s22 =	simm.s32 $0x0;
	s7 =	smul.u32 $0x6200, s1;
	s6 =	sand.u32 $0x1, s6  }
0xa: {  	[smem:$0x7FF] =	sst s3;
	s8 =	ssub.s32 $0x2, s6;
	s9 =	smul.u32 $0x310, s6  }
0xb: {  	_ =	strace $0x80000047;
	s6 =	smul.u32 $0x3100, s6;
	s10 =	sshrl.u32 s8, $0x1  }
0xc: {  	s5 =	sadd.s32 s5, s4;
	s7 =	sadd.s32 s7, s4;
	s31 =	ssub.s32 s8, s10  }
0xd: {  	s5 =	sadd.s32 s9, s5;
	s6 =	sadd.s32 s6, s7;
	s7 =	simm.s32 $0x2  }
0xe: {  	s8 =	simm.s32 $0x80;
	s9 =	simm.s32 $0x380;
	s10 =	simm.s32 $0xB80  }
0xf: {  	s4 =	smax.u32 s31, $0x1;
	s5 =	sadd.s32 $0xCD400, s5;
	s6 =	sadd.s32 $0xDFA00, s6  }
.LBB2_1:
0x10: {  	s23 =	sadd.s32 $0x0, s5  }
0x11: {  	[tilespmem:s3], [sflag:$0x2] =	stream.linear.gather [hbm4b:s23+s3], $0x380, $0x38;
	[tilespmem:$0x3B80] =	vst v63  }
0x12: {  	_ =	swait.ge [sflag:s7], $0x380  }
0x13: {  	[sflag:s7] =	ssyncset.done $0x0  }
0x14: {  	[sflag:s7] =	ssyncadd.s32 $0xFFFFFC80  }
0x15: {  	[tilespmem:s9], [sflag:$0x1] =	stream.indirect.gather [hbm4b:s2+s8], $0x10, s3, s8, $0xb8;
	[tilespmem:$0x3B80] =	vst v63  }
0x16: {  	_ = 	snop  }
0x17: {  	[tilespmem:s10], [sflag:$0x1] =	stream.indirect.gather [hbm4b:s2+s8], $0x10, s8, s8, $0xb8;
	[tilespmem:$0x3B80] =	vst v63  }
0x18: {  	_ = 	snop  }
0x19: {  	[tilespmem:s12], [sflag:$0x1] =	stream.indirect.gather [hbm4b:s2+s8], $0x10, s11, s8, $0xb8;
	[tilespmem:$0x3B80] =	vst v63  }
0x1a: {  	_ = 	snop  }
0x1b: {  	[tilespmem:s14], [sflag:$0x1] =	stream.indirect.gather [hbm4b:s2+s8], $0x10, s13, s8, $0xb8;
	[tilespmem:$0x3B80] =	vst v63  }
0x1c: {  	_ = 	snop  }
0x1d: {  	[tilespmem:s16], [sflag:$0x1] =	stream.indirect.gather [hbm4b:s2+s8], $0x10, s15, s8, $0xb8;
	[tilespmem:$0x3B80] =	vst v63  }
0x1e: {  	_ = 	snop  }
0x1f: {  	[tilespmem:s18], [sflag:$0x1] =	stream.indirect.gather [hbm4b:s2+s8], $0x10, s17, s8, $0xb8;
	[tilespmem:$0x3B80] =	vst v63  }
0x20: {  	_ = 	snop  }
0x21: {  	[tilespmem:s20], [sflag:$0x1] =	stream.indirect.gather [hbm4b:s2+s8], $0x10, s19, s8, $0xb8;
	[tilespmem:$0x3B80] =	vst v63  }
0x22: {  	_ =	swait.ge [sflag:s21], $0x800  }
0x23: {  	[sflag:s21] =	ssyncset.done $0x0  }
0x24: {  	[sflag:s21] =	ssyncadd.s32 $0xFFFFF800  }
0x25: {  	_ =	swait.ge [sflag:s21], $0x800  }
0x26: {  	[sflag:s21] =	ssyncset.done $0x0  }
0x27: {  	[sflag:s21] =	ssyncadd.s32 $0xFFFFF800  }
0x28: {  	_ =	swait.ge [sflag:s21], $0x800  }
0x29: {  	[sflag:s21] =	ssyncset.done $0x0  }
0x2a: {  	[sflag:s21] =	ssyncadd.s32 $0xFFFFF800  }
0x2b: {  	_ =	swait.ge [sflag:s21], $0x800  }
0x2c: {  	[sflag:s21] =	ssyncset.done $0x0  }
0x2d: {  	[sflag:s21] =	ssyncadd.s32 $0xFFFFF800  }
0x2e: {  	_ =	swait.ge [sflag:s21], $0x800  }
0x2f: {  	[sflag:s21] =	ssyncset.done $0x0  }
0x30: {  	[sflag:s21] =	ssyncadd.s32 $0xFFFFF800  }
0x31: {  	_ =	swait.ge [sflag:s21], $0x800  }
0x32: {  	[sflag:s21] =	ssyncset.done $0x0  }
0x33: {  	[sflag:s21] =	ssyncadd.s32 $0xFFFFF800  }
0x34: {  	_ =	swait.ge [sflag:s21], $0x800  }
0x35: {  	[sflag:s21] =	ssyncset.done $0x0  }
0x36: {  	[sflag:s21] =	ssyncadd.s32 $0xFFFFF800  }
0x37: {  	[hbm4b:s6+s3] =	stream.linear.scatter [tilespmem:s9], [sflag:$0x2], $0x3800, $0x38;
	[tilespmem:$0x3B80] =	vst v63  }
0x38: {  	s24 =	simm.s32 $0x70;
	_ =	swait.ge [sflag:s7], $0x3800  }
0x39: {  	s26 =	simm.s32 $0xE0;
	s23 =	sadd.s32 $0x700, s6;
	[sflag:s7] =	ssyncset.done $0x0  }
.LBB2_2:
0x3a: {  	s28 =	sadd.s32 s24, s5  }
0x3b: {  	[sflag:s7] =	ssyncadd.s32 $0xFFFFC800;
	s24 =	smov.u32 s26;
	s25 =	sadd.s32 $0x70, s26  }
0x3c: {  	[tilespmem:s3], [sflag:$0x2] =	stream.linear.gather [hbm4b:s28+s3], $0x380, $0x38;
	[tilespmem:$0x3B80] =	vst v63  }
0x3d: {  	p0 =	sne.s32 s26, $0x2A0;
	_ =	swait.ge [sflag:s7], $0x380  }
0x3e: {  	[sflag:s7] =	ssyncset.done $0x0  }
0x3f: {  	[sflag:s7] =	ssyncadd.s32 $0xFFFFFC80  }
0x40: {  	[tilespmem:s9], [sflag:$0x1] =	stream.indirect.gather [hbm4b:s2+s8], $0x10, s3, s8, $0xb8;
	[tilespmem:$0x3B80] =	vst v63  }
0x41: {  	_ = 	snop  }
0x42: {  	[tilespmem:s10], [sflag:$0x1] =	stream.indirect.gather [hbm4b:s2+s8], $0x10, s8, s8, $0xb8;
	[tilespmem:$0x3B80] =	vst v63  }
0x43: {  	_ = 	snop  }
0x44: {  	[tilespmem:s12], [sflag:$0x1] =	stream.indirect.gather [hbm4b:s2+s8], $0x10, s11, s8, $0xb8;
	[tilespmem:$0x3B80] =	vst v63  }
0x45: {  	_ = 	snop  }
0x46: {  	[tilespmem:s14], [sflag:$0x1] =	stream.indirect.gather [hbm4b:s2+s8], $0x10, s13, s8, $0xb8;
	[tilespmem:$0x3B80] =	vst v63  }
0x47: {  	_ = 	snop  }
0x48: {  	[tilespmem:s16], [sflag:$0x1] =	stream.indirect.gather [hbm4b:s2+s8], $0x10, s15, s8, $0xb8;
	[tilespmem:$0x3B80] =	vst v63  }
0x49: {  	_ = 	snop  }
0x4a: {  	[tilespmem:s18], [sflag:$0x1] =	stream.indirect.gather [hbm4b:s2+s8], $0x10, s17, s8, $0xb8;
	[tilespmem:$0x3B80] =	vst v63  }
0x4b: {  	_ = 	snop  }
0x4c: {  	[tilespmem:s20], [sflag:$0x1] =	stream.indirect.gather [hbm4b:s2+s8], $0x10, s19, s8, $0xb8;
	[tilespmem:$0x3B80] =	vst v63  }
0x4d: {  	_ =	swait.ge [sflag:s21], $0x800  }
0x4e: {  	[sflag:s21] =	ssyncset.done $0x0  }
0x4f: {  	[sflag:s21] =	ssyncadd.s32 $0xFFFFF800  }
0x50: {  	_ =	swait.ge [sflag:s21], $0x800  }
0x51: {  	[sflag:s21] =	ssyncset.done $0x0  }
0x52: {  	[sflag:s21] =	ssyncadd.s32 $0xFFFFF800  }
0x53: {  	_ =	swait.ge [sflag:s21], $0x800  }
0x54: {  	[sflag:s21] =	ssyncset.done $0x0  }
0x55: {  	[sflag:s21] =	ssyncadd.s32 $0xFFFFF800  }
0x56: {  	_ =	swait.ge [sflag:s21], $0x800  }
0x57: {  	[sflag:s21] =	ssyncset.done $0x0  }
0x58: {  	[sflag:s21] =	ssyncadd.s32 $0xFFFFF800  }
0x59: {  	_ =	swait.ge [sflag:s21], $0x800  }
0x5a: {  	[sflag:s21] =	ssyncset.done $0x0  }
0x5b: {  	[sflag:s21] =	ssyncadd.s32 $0xFFFFF800  }
0x5c: {  	_ =	swait.ge [sflag:s21], $0x800  }
0x5d: {  	[sflag:s21] =	ssyncset.done $0x0  }
0x5e: {  	[sflag:s21] =	ssyncadd.s32 $0xFFFFF800  }
0x5f: {  	_ =	swait.ge [sflag:s21], $0x800  }
.Ltmp0:
0x60: {  	[sflag:s21] =	ssyncset.done $0x0;
	(pc) =	sbr.rel @p0 .LBB2_2-.Ltmp0, $4  }
0x61: {  	[sflag:s21] =	ssyncadd.s32 $0xFFFFF800  }
0x62: {  	[hbm4b:s23+s3] =	stream.linear.scatter [tilespmem:s9], [sflag:$0x2], $0x3800, $0x38;
	[tilespmem:$0x3B80] =	vst v63  }
0x63: {  	_ =	swait.ge [sflag:s7], $0x3800  }
0x64: {  	s26 =	smov.u32 s25;
	s23 =	sadd.s32 $0x700, s23;
	[sflag:s7] =	ssyncset.done $0x0  }
0x65: {  	s24 =	sadd.s32 s24, s5;
	[sflag:s7] =	ssyncadd.s32 $0xFFFFC800  }
0x66: {  	[tilespmem:s3], [sflag:$0x2] =	stream.linear.gather [hbm4b:s24+s3], $0x380, $0x38;
	[tilespmem:$0x3B80] =	vst v63  }
0x67: {  	_ =	swait.ge [sflag:s7], $0x380  }
0x68: {  	[sflag:s7] =	ssyncset.done $0x0  }
0x69: {  	[sflag:s7] =	ssyncadd.s32 $0xFFFFFC80  }
0x6a: {  	[tilespmem:s9], [sflag:$0x1] =	stream.indirect.gather [hbm4b:s2+s8], $0x10, s3, s8, $0xb8;
	[tilespmem:$0x3B80] =	vst v63  }
0x6b: {  	_ = 	snop  }
0x6c: {  	[tilespmem:s10], [sflag:$0x1] =	stream.indirect.gather [hbm4b:s2+s8], $0x10, s8, s8, $0xb8;
	[tilespmem:$0x3B80] =	vst v63  }
0x6d: {  	_ = 	snop  }
0x6e: {  	[tilespmem:s12], [sflag:$0x1] =	stream.indirect.gather [hbm4b:s2+s8], $0x10, s11, s8, $0xb8;
	[tilespmem:$0x3B80] =	vst v63  }
0x6f: {  	_ = 	snop  }
0x70: {  	[tilespmem:s14], [sflag:$0x1] =	stream.indirect.gather [hbm4b:s2+s8], $0x10, s13, s8, $0xb8;
	[tilespmem:$0x3B80] =	vst v63  }
0x71: {  	_ = 	snop  }
0x72: {  	[tilespmem:s16], [sflag:$0x1] =	stream.indirect.gather [hbm4b:s2+s8], $0x10, s15, s8, $0xb8;
	[tilespmem:$0x3B80] =	vst v63  }
0x73: {  	_ = 	snop  }
0x74: {  	[tilespmem:s18], [sflag:$0x1] =	stream.indirect.gather [hbm4b:s2+s8], $0x10, s17, s8, $0xb8;
	[tilespmem:$0x3B80] =	vst v63  }
0x75: {  	_ = 	snop  }
0x76: {  	[tilespmem:s20], [sflag:$0x1] =	stream.indirect.gather [hbm4b:s2+s8], $0x10, s19, s8, $0xb8;
	[tilespmem:$0x3B80] =	vst v63  }
0x77: {  	_ =	swait.ge [sflag:s21], $0x800  }
0x78: {  	[sflag:s21] =	ssyncset.done $0x0  }
0x79: {  	[sflag:s21] =	ssyncadd.s32 $0xFFFFF800  }
0x7a: {  	_ =	swait.ge [sflag:s21], $0x800  }
0x7b: {  	[sflag:s21] =	ssyncset.done $0x0  }
0x7c: {  	[sflag:s21] =	ssyncadd.s32 $0xFFFFF800  }
0x7d: {  	_ =	swait.ge [sflag:s21], $0x800  }
0x7e: {  	[sflag:s21] =	ssyncset.done $0x0  }
0x7f: {  	[sflag:s21] =	ssyncadd.s32 $0xFFFFF800  }
0x80: {  	_ =	swait.ge [sflag:s21], $0x800  }
0x81: {  	[sflag:s21] =	ssyncset.done $0x0  }
0x82: {  	[sflag:s21] =	ssyncadd.s32 $0xFFFFF800  }
0x83: {  	_ =	swait.ge [sflag:s21], $0x800  }
0x84: {  	[sflag:s21] =	ssyncset.done $0x0  }
0x85: {  	[sflag:s21] =	ssyncadd.s32 $0xFFFFF800  }
0x86: {  	_ =	swait.ge [sflag:s21], $0x800  }
0x87: {  	[sflag:s21] =	ssyncset.done $0x0  }
0x88: {  	[sflag:s21] =	ssyncadd.s32 $0xFFFFF800  }
0x89: {  	s22 =	sadd.s32 $0x1, s22;
	_ =	swait.ge [sflag:s21], $0x800  }
0x8a: {  	p0 =	sne.s32 s22, s4;
	[sflag:s21] =	ssyncset.done $0x0  }
.Ltmp1:
0x8b: {  	[sflag:s21] =	ssyncadd.s32 $0xFFFFF800;
	(pc) =	sbr.rel @p0 .LBB2_1-.Ltmp1, $4  }
0x8c: {  	[hbm4b:s23+s3] =	stream.linear.scatter [tilespmem:s9], [sflag:$0x2], $0x3800, $0x38;
	[tilespmem:$0x3B80] =	vst v63  }
0x8d: {  	_ =	swait.ge [sflag:s7], $0x3800  }
0x8e: {  	[sflag:s7] =	ssyncset.done $0x0  }
0x8f: {  	[sflag:s7] =	ssyncadd.s32 $0xFFFFC800  }
0x90: {  	_ =	sfence.sel $0x180000  }
0x91: {  	[bflag:$0x0] =	sbarrier.arrive $0xFFFF  }
0x92: {  	p0 =	sne.s32 s1, $0x0;
	_ =	strace $0x90000047  }
0x93: {  	s0 =	sadd.s32 @!p0 $0x100000, s0;
	[bflag:$0x2] =	sbarrier.arrive $0xFFFF  }
0x94: {  	[sflag:s0] =	ssyncadd.tile.s32 @!p0 $0x1;
	_ =	shalt  }
.Lfunc_end2:
_tile_overlayer_lowered:
.L_overlay_start_2:
0x95: {  	(tag) =	ssettag $0x2  }
0x96: {  	s0 =	rddreg [dreg:$0x0];
	s2 =	stileid.u32  }
0x97: {  	s1 =	rddreg [dreg:$0x1];
	p0 =	sne.s32 s2, $0x0  }
0x98: {  	s3 =	rddreg [dreg:$0x2];
	[bflag:$0x3] =	sbarrier.arrive $0xFFFF;
	s2 =	simm.s32 @!p0 $0x1C02  }
0x99: {  	[timem:s3], [sflag:s2] =	dma.local @!p0 [hbm:s0], s1  }
0x9a: {  	s0 =	simm.s32 @!p0 $0x2  }
0x9b: {  	_ =	swait.ge @!p0 [sflag:s0], s1  }
0x9c: {  	s1 =	ssub.s32 @!p0 $0x0, s1;
	[sflag:s0] =	ssyncset.done @!p0 $0x0  }
0x9d: {  	[sflag:s0] =	ssyncadd.s32 @!p0 s1  }
0x9e: {  	[bflag:$0x3] =	sbarrier.arrive $0xFFFF  }
0x9f: {  	_ =	shalt  }

// kernel: kernel.15.cloned.1.call-start
scs
__scs_entry_jumppad:
0x0: {  	(pc) =	sbr.rel $0x88, $3  }
0x1: {  	(tag) =	ssettag $0x0;
	lr =	simm.s32 $0x1  }
0x2: {  	[smem:$0x3F9A] =	sst lr;
	_ =	strace $0xD0000000  }
0x3: {  	_ = 	snop  }
0x4: {  	_ = 	snop  }
0x5: {  	_ = 	snop  }
0x6: {  	_ = 	snop  }
0x7: {  	_ = 	snop  }
__scs_overlays_trampoline_lowered:
0x8: {  	[smem:$0x3FA9] =	sst s0  }
0x9: {  	[smem:$0x3FAA] =	sst s1  }
0xa: {  	[smem:$0x3FAB] =	sst s2  }
0xb: {  	[smem:$0x3FAC] =	sst s3  }
0xc: {  	[smem:$0x3FAD] =	sst s4  }
0xd: {  	[smem:$0x3FAE] =	sst s5  }
0xe: {  	[smem:$0x3FAF] =	sst s6  }
0xf: {  	[smem:$0x3FB0] =	sst s7  }
0x10: {  	[smem:$0x3FB1] =	sst s8  }
0x11: {  	[smem:$0x3FB2] =	sst s9;
	s0 =	simm.s32 @!p0 $0x0  }
0x12: {  	s1 =	sld [smem:$0x3F98];
	s0 =	simm.s32 @p0 $0x1  }
0x13: {  	[smem:$0x3FB3] =	sst s0;
	s0 =	simm.s32 @!p1 $0x0  }
0x14: {  	s2 =	sld [smem:$0x3F97];
	s0 =	simm.s32 @p1 $0x1  }
0x15: {  	[smem:$0x3FB4] =	sst s0;
	s0 =	simm.s32 @!p2 $0x0  }
0x16: {  	s3 =	sld [smem:$0x3FDB];
	s0 =	simm.s32 @p2 $0x1  }
0x17: {  	s4 =	simm.s32 $0x1BF5;
	[smem:$0x3FB6] =	sst s0  }
0x18: {  	s0 =	sld [smem:$0x3F99];
	_ =	swait.ge [sflag:s4], $0x0  }
0x19: {  	s7 =	sld [smem:$0x3F9A]  }
0x1a: {  	s8 =	sadd.s32 $0xFFFFE003, lr  }
0x1b: {  	s9 =	sadd.s32 $0xFFFFFEF7, lr;
	s5 =	simm.s32 $0xFFFFFFFF;
	p2 =	slt.u32 s8, $0xFFFFF086  }
0x1c: {  	p1 =	slt.u32 s9, $0xF7A;
	s5 =	simm.s32 @!p2 $0x0  }
0x1d: {  	s5 =	simm.s32 @p1 $0x1;
	p0 =	seq.s32 s7, s2  }
0x1e: {  	s7 =	smul.u32 @!p0 $0xF7A, s2;
	p2 =	seq.s32 @!p0 s5, $0x0  }
0x1f: {  	s9 =	smul.u32 $0xF7A, s1;
	s8 =	simm.s32 @!p0 $0x1BF5;
	p2 =	por !p2, p0  }
0x20: {  	[sflag:s8] =	ssyncset.s32 @!p0 $0xFFFFF086;
	s6 =	sadd.s32 @!p0 s3, s7;
	s7 =	simm.s32 @!p0 $0x108  }
0x21: {  	s3 =	sadd.s32 s3, s9;
	s6 =	sadd.s32 @!p0 $0x88, s6;
	s7 =	simm.s32 @p2 $0x1082  }
0x22: {  	[simem:s7], [sflag:s8] =	dma.local @!p0 [hbm:s6], $0xF7A  }
0x23: {  	s9 =	sor.u32 $0xD0000000, s2;
	s6 =	simm.s32 $0x108;
	_ =	swait.ge @!p0 [sflag:s8], $0x0  }
0x24: {  	s3 =	sadd.s32 $0x88, s3;
	s6 =	simm.s32 @!p1 $0x1082;
	[sflag:s4] =	ssyncset.s32 $0xFFFFF086  }
0x25: {  	[simem:s6], [sflag:s4] =	dma.local [hbm:s3], $0xF7A  }
0x26: {  	[smem:$0x3F9A] =	sst s1;
	(tag) =	ssettag s2;
	_ =	strace s9  }
0x27: {  	s1 =	sld [smem:$0x3FAA]  }
0x28: {  	s2 =	sld [smem:$0x3FAB]  }
0x29: {  	s4 =	sld [smem:$0x3FAD]  }
0x2a: {  	p0 =	seq.s32 s5, $0x0;
	s5 =	sld [smem:$0x3FAE]  }
0x2b: {  	s6 =	sld [smem:$0x3FAF]  }
0x2c: {  	s7 =	sld [smem:$0x3FB0]  }
0x2d: {  	s3 =	simm.s32 $0x108;
	s8 =	sld [smem:$0x3FB1]  }
0x2e: {  	s3 =	simm.s32 @!p0 $0x1082;
	s9 =	sld [smem:$0x3FB2]  }
0x2f: {  	lr =	sadd.s32 s0, s3;
	s0 =	sld [smem:$0x3FA9]  }
0x30: {  	s3 =	sld [smem:$0x3FAC]  }
0x31: {  	[smem:$0x3FB5] =	sst s10  }
0x32: {  	s10 =	sld [smem:$0x3FB3];
	_ =	sdelay $0x3  }
0x33: {  	p0 =	seq.s32 s10, $0x1;
	s10 =	sld [smem:$0x3FB5];
	_ =	sdelay $0x3  }
0x34: {  	[smem:$0x3FB5] =	sst s10  }
0x35: {  	s10 =	sld [smem:$0x3FB4];
	_ =	sdelay $0x3  }
0x36: {  	p1 =	seq.s32 s10, $0x1;
	s10 =	sld [smem:$0x3FB5];
	_ =	sdelay $0x3  }
0x37: {  	[smem:$0x3FB5] =	sst s10  }
0x38: {  	s10 =	sld [smem:$0x3FB6]  }
0x39: {  	_ = 	snop;
	(pc) =	sbr.ind lr, $3  }
0x3a: {  	_ = 	snop  }
0x3b: {  	_ = 	snop  }
0x3c: {  	p2 =	seq.s32 s10, $0x1;
	s10 =	sld [smem:$0x3FB5]  }
0x3d: {  	_ =	shalt  }
0x3e: {  	_ =	shalt  }
0x3f: {  	_ =	shalt  }
0x40: {  	_ =	shalt  }
0x41: {  	_ =	shalt  }
0x42: {  	_ =	shalt  }
0x43: {  	_ =	shalt  }
0x44: {  	_ =	shalt  }
0x45: {  	_ =	shalt  }
0x46: {  	_ =	shalt  }
0x47: {  	_ =	shalt  }
0x48: {  	_ =	shalt  }
0x49: {  	_ =	shalt  }
0x4a: {  	_ =	shalt  }
0x4b: {  	_ =	shalt  }
0x4c: {  	_ =	shalt  }
0x4d: {  	_ =	shalt  }
0x4e: {  	_ =	shalt  }
0x4f: {  	_ =	shalt  }
0x50: {  	_ =	shalt  }
0x51: {  	_ =	shalt  }
0x52: {  	_ =	shalt  }
0x53: {  	_ =	shalt  }
0x54: {  	_ =	shalt  }
0x55: {  	_ =	shalt  }
0x56: {  	_ =	shalt  }
0x57: {  	_ =	shalt  }
0x58: {  	_ =	shalt  }
0x59: {  	_ =	shalt  }
0x5a: {  	_ =	shalt  }
0x5b: {  	_ =	shalt  }
0x5c: {  	_ =	shalt  }
0x5d: {  	_ =	shalt  }
0x5e: {  	_ =	shalt  }
0x5f: {  	_ =	shalt  }
0x60: {  	_ =	shalt  }
0x61: {  	_ =	shalt  }
0x62: {  	_ =	shalt  }
0x63: {  	_ =	shalt  }
0x64: {  	_ =	shalt  }
0x65: {  	_ =	shalt  }
0x66: {  	_ =	shalt  }
0x67: {  	_ =	shalt  }
0x68: {  	_ =	shalt  }
0x69: {  	_ =	shalt  }
0x6a: {  	_ =	shalt  }
0x6b: {  	_ =	shalt  }
0x6c: {  	_ =	shalt  }
0x6d: {  	_ =	shalt  }
0x6e: {  	_ =	shalt  }
0x6f: {  	_ =	shalt  }
0x70: {  	_ =	shalt  }
0x71: {  	_ =	shalt  }
0x72: {  	_ =	shalt  }
0x73: {  	_ =	shalt  }
0x74: {  	_ =	shalt  }
0x75: {  	_ =	shalt  }
0x76: {  	_ =	shalt  }
0x77: {  	_ =	shalt  }
0x78: {  	_ =	shalt  }
0x79: {  	_ =	shalt  }
0x7a: {  	_ =	shalt  }
0x7b: {  	_ =	shalt  }
0x7c: {  	_ =	shalt  }
0x7d: {  	_ =	shalt  }
0x7e: {  	_ =	shalt  }
0x7f: {  	_ =	shalt  }
0x80: {  	_ =	shalt  }
0x81: {  	_ =	shalt  }
0x82: {  	_ =	shalt  }
0x83: {  	_ =	shalt  }
0x84: {  	_ =	shalt  }
0x85: {  	_ =	shalt  }
0x86: {  	_ =	shalt  }
0x87: {  	_ =	shalt  }
.Lfunc_end0:
.L_simem_size_0:
called_computation.2_lowered:
.L_overlay_start_0:
0x88: {  	s2 =	sld [smem:$0x3FD9]  }
0x89: {  	s3 =	sld [smem:$0x3FFE];
	_ =	sdelay $0x1  }
0x8a: {  	s1 =	srdreg.scid  }
0x8b: {  	s0 =	sand.u32 $0x1, s1  }
0x8c: {  	s17 =	sshll.u32 s0, $0xA;
	s2 =	sadd.s32 s3, s2  }
0x8d: {  	s2 =	sadd.s32 s2, s17  }
0x8e: {  	[smem:$0x3FC1] =	sst s2  }
0x8f: {  	_ = 	snop  }
0x90: {  	(tm) =	ssettm $0x1  }
0x91: {  	s18 =	sld [smem:$0x3FFB];
	_ =	sdelay $0x3  }
0x92: {  	_ =	strace s18  }
0x93: {  	s2 =	sld [smem:$0x3FFC];
	_ =	sdelay $0x3  }
0x94: {  	_ =	strace s2  }
0x95: {  	s2 =	sld [smem:$0x3FFD];
	_ =	sdelay $0x3  }
0x96: {  	_ =	strace s2  }
0x97: {  	_ =	strace $0x8FFFFFFF  }
0x98: {  	s19 =	sld [smem:$0x3FDB];
	_ =	sdelay $0x1  }
0x99: {  	s20 =	simm.s32 $_scs_section_size  }
0x9a: {  	s4 =	simm.s32 $_size__tile_overlayer_lowered;
	s5 =	simm.s32 $_tile_overlayer_lowered  }
0x9b: {  	s6 =	simm.s32 $0x1BFF;
	s21 =	sshll.u32 s5, $0x1;
	s3 =	sadd.s32 s20, s19  }
0x9c: {  	s22 =	simm.s32 $0x0;
	s4 =	sshll.u32 s4, $0x1;
	s5 =	sadd.s32 s21, s3  }
0x9d: {  	[timem:s22], [sflag:s6] =	dma.local [hbm:s5], s4  }
0x9e: {  	_ =	swait.ge [sflag:s6], s4  }
0x9f: {  	s4 =	ssub.s32 $0x0, s4;
	[sflag:s6] =	ssyncset.done $0x0  }
0xa0: {  	[sflag:s6] =	ssyncadd.s32 s4;
	_ =	sdelay $0x1  }
0xa1: {  	s23 =	simm.s32 $0x1B8B  }
0xa2: {  	_ =	swait.ge [sflag:s23], $0x1  }
0xa3: {  	[sflag:s23] =	ssyncset.done $0x0  }
0xa4: {  	[sflag:s23] =	ssyncadd.s32 $0xFFFFFFFF  }
0xa5: {  	s4 =	sld [smem:$0x0]  }
0xa6: {  	s5 =	sand.u32 $0xFFFFFFFE, s1  }
0xa7: {  	p0 =	sne.s32 s1, s5  }
0xa8: {  	s5 =	sshll.u32 @p0 s5, $0xE  }
0xa9: {  	s5 =	sadd.s32 @p0 $0x11B8D, s5;
	s6 =	sshll.u32 @p0 s4, $0x11  }
0xaa: {  	s5 =	sor.u32 @p0 s6, s5  }
0xab: {  	[sflag:s5] =	ssyncadd.remote.s32 @p0 $0x1;
	_ =	sdelay $0x1  }
0xac: {  	s5 =	simm.s32 @p0 $0x1B8D  }
0xad: {  	_ =	swait.eq @p0 [sflag:s5], $0x1  }
0xae: {  	[sflag:s5] =	ssyncadd.s32 @p0 $0xFFFFFFFF  }
0xaf: {  	s6 =	sshll.u32 @!p0 s1, $0xE  }
0xb0: {  	s6 =	sor.u32 @!p0 $0x4000, s6;
	s5 =	simm.s32 @!p0 $0x1B8D  }
0xb1: {  	s4 =	sshll.u32 @!p0 s4, $0x11;
	s6 =	sadd.s32 @!p0 $0x11B8D, s6;
	_ =	swait.eq @!p0 [sflag:s5], $0x1  }
0xb2: {  	s4 =	sor.u32 @!p0 s4, s6;
	[sflag:s5] =	ssyncadd.s32 @!p0 $0xFFFFFFFF  }
0xb3: {  	s25 =	simm.s32 $0x1B8E;
	s24 =	sld [smem:$0x3FFE];
	[sflag:s4] =	ssyncadd.remote.s32 @!p0 $0x1  }
0xb4: {  	s26 =	simm.s32 $execute0_lowered;
	[smem:$0x3FD2] =	sst s25  }
0xb5: {  	s5 =	sshll.u32 s26, $0x1;
	_ =	strace $0x8000004F;
	[dreg:$0x1] =	wrdreg $0xFFFFFFFF  }
0xb6: {  	s28 =	simm.s32 $_size_execute0_lowered;
	s3 =	sadd.s32 s3, s5;
	[dreg:$0x0] =	wrdreg $0x0  }
0xb7: {  	s5 =	sshll.u32 s28, $0x1;
	[dreg:$0x2] =	wrdreg s3  }
0xb8: {  	[dreg:$0x3] =	wrdreg s5  }
0xb9: {  	[dreg:$0x4] =	wrdreg $0xC0  }
0xba: {  	_ =	task [dreg:s22], $0x5FFFF  }
0xbb: {  	[dreg:$0x1] =	wrdreg $0xFFFFFFFF  }
0xbc: {  	[dreg:$0x0] =	wrdreg $0x60  }
0xbd: {  	[dreg:$0x2] =	wrdreg s24  }
0xbe: {  	[dreg:$0x3] =	wrdreg $0x47C00  }
0xbf: {  	[dreg:$0x4] =	wrdreg $0x9  }
0xc0: {  	_ =	task.clear_ibuf [dreg:s22], $0x5FFFF;
	_ =	strace $0x9000004F  }
0xc1: {  	s29 =	simm.s32 $0x9;
	_ =	strace $0x80000051  }
0xc2: {  	_ =	swait.ge [sflag:s29], $0x1  }
0xc3: {  	[sflag:s29] =	ssyncadd.s32 $0xFFFFFFFF  }
0xc4: {  	_ =	strace $0x90000051  }
0xc5: {  	_ =	sfence  }
0xc6: {  	s30 =	sld [smem:$0x0];
	_ =	sdelay $0x2  }
0xc7: {  	s31 =	sshll.u32 s1, $0xD;
	s1 =	sshrl.u32 s1, $0x2  }
0xc8: {  	s4 =	sand.u32 $0x4000, s31;
	s1 =	sadd.s32 s1, s30  }
0xc9: {  	s0 =	sor.u32 s4, s0;
	s1 =	sshll.u32 s1, $0x11  }
0xca: {  	s0 =	sor.u32 s1, s0  }
0xcb: {  	s0 =	sadd.s32 $0x8F2B, s0  }
0xcc: {  	[sflag:s0] =	ssyncadd.remote.s32 $0x1  }
0xcd: {  	_ =	sfence.sel $0xFFFF  }
0xce: {  	[dreg:$0x0] =	wrdreg $0xFFFFFFFF;
	(pc) =	sbr.abs _section_cstart, $3  }
0xcf: {  	[dreg:$0x1] =	wrdreg $0xFFFFFFFF  }
0xd0: {  	_ =	task.clear_ibuf [dreg:s22], $0x2FFFF;
	_ =	strace $0x9FFFFFFF  }
0xd1: {  	(tm) =	ssettm $0x7FFFFFFF  }
tec
execute0_lowered:
.L_overlay_start_1:
0x0: {  	(tag) =	ssettag $0x1  }
0x1: {  	s2 =	srdreg.scid;
	s11 =	stileid.u32  }
0x2: {  	s0 =	rddreg [dreg:$0x0];
	s3 =	sand.u32 $0x1, s2;
	s9 =	smul.u32 $0x31000, s11  }
0x3: {  	s1 =	rddreg [dreg:$0x1];
	s28 =	simm.s32 $0x380;
	s4 =	smul.u32 $0x3100, s3  }
0x4: {  	s29 =	simm.s32 $0x80;
	s30 =	simm.s32 $0xB80;
	s5 =	smul.u32 $0x31000, s3  }
0x5: {  	s31 =	simm.s32 $0x100;
	s6 =	smul.u32 $0x18800, s3;
	s3 =	ssub.s32 $0x2, s3  }
0x6: {  	s2 =	simm.s32 $0x0;
	s7 =	smul.u32 $0xC400, s11;
	s8 =	sshrl.u32 s3, $0x1  }
0x7: {  	[smem:$0x7FF] =	sst s2;
	s12 =	sshrl.u32 s9, $0x2;
	s3 =	ssub.s32 s3, s8  }
0x8: {  	s10 =	sadd.s32 s5, s0;
	s5 =	sadd.s32 s12, s1;
	s3 =	smax.u32 s3, $0x1  }
0x9: {  	_ =	strace $0x80000050;
	s13 =	sadd.s32 $0xC40, s5;
	[dreg:$0x3] =	wrdreg s3  }
0xa: {  	s21 =	smul.u32 $0x3100, s11;
	s14 =	sadd.s32 $0x1880, s5;
	[dreg:$0x4] =	wrdreg s13  }
0xb: {  	s24 =	smul.u32 $0x310, s11;
	s15 =	sadd.s32 $0x24C0, s5;
	[dreg:$0x5] =	wrdreg s14  }
0xc: {  	s11 =	simm.s32 $0x3380;
	s16 =	sadd.s32 $0x3100, s5;
	[dreg:$0x6] =	wrdreg s15  }
0xd: {  	s9 =	simm.s32 $0x2B80;
	s17 =	sadd.s32 $0x3D40, s5;
	[dreg:$0x7] =	wrdreg s16  }
0xe: {  	s4 =	sadd.s32 s4, s0;
	s18 =	sadd.s32 $0x4980, s5;
	[dreg:$0x8] =	wrdreg s17  }
0xf: {  	s0 =	sadd.s32 s6, s0;
	s19 =	sadd.s32 $0x55C0, s5;
	[dreg:$0x9] =	wrdreg s18  }
0x10: {  	s6 =	sshrl.u32 s7, $0x3;
	s20 =	sadd.s32 $0x6200, s5;
	[dreg:$0xa] =	wrdreg s19  }
0x11: {  	s7 =	sadd.s32 s7, s1;
	s22 =	sadd.s32 $0x6E40, s5;
	[dreg:$0xb] =	wrdreg s20  }
0x12: {  	s8 =	simm.s32 $0x280;
	s23 =	sadd.s32 $0x7A80, s5;
	[dreg:$0xc] =	wrdreg s22  }
0x13: {  	s12 =	simm.s32 $0x0;
	s25 =	sadd.s32 $0x86C0, s5;
	[dreg:$0xd] =	wrdreg s23  }
0x14: {  	s0 =	sadd.s32 $0x1D4A00, s0;
	s26 =	sadd.s32 $0x9300, s5;
	[dreg:$0xe] =	wrdreg s25  }
0x15: {  	s4 =	sadd.s32 s24, s4;
	s24 =	simm.s32 $0x3B80;
	[dreg:$0xf] =	wrdreg s26  }
0x16: {  	s18 =	sadd.s32 $0x9F40, s5;
	s3 =	sadd.s32 s21, s10;
	s19 =	sadd.s32 $0xAB80, s5  }
0x17: {  	s20 =	sadd.s32 $0xB7C0, s5;
	s22 =	sadd.s32 $0xD3600, s4;
	s23 =	sadd.s32 s6, s0  }
0x18: {  	s25 =	sshrl.u32 s7, $0x3;
	s26 =	simm.s32 $0x1;
	s0 =	simm.s32 $0x1380  }
0x19: {  	s4 =	simm.s32 $0x1B80;
	s6 =	simm.s32 $0x200;
	s7 =	simm.s32 $0x2380  }
0x1a: {  	v0 =	vimm.f32 $0.0e+00;
	s10 =	simm.s32 $0x300;
	s21 =	sadd.s32 $0x141A00, s3;
	s3 =	simm.s32 $0x180  }
.LBB2_1:
0x1b: {  	s13 =	simm.s32 $0x40;
	s14 =	simm.s32 $0x0  }
.LBB2_2:
0x1c: {  	p0 =	sne.s32 s13, $0x30C0;
	[tilespmem:s14+$0x3B80] =	vst v0;
	s14 =	smov.u32 s13;
	s13 =	sadd.s32 $0x40, s13  }
.Ltmp0:
0x1d: {  	(pc) =	sbr.rel @p0 .LBB2_2-.Ltmp0, $2  }
0x1e: {  	_ =	sdelay $0x2  }
0x1f: {  	s14 =	sshra.s32 s14, $0x2  }
0x20: {  	[tilespmem:s14+$0x3B80] =	vst v0  }
0x21: {  	[spmem:s5] =	stream.linear.scatter [tilespmem:s24], [sflag:$0x1], $0xC40, $0x38;
	[tilespmem:$0x10BC0] =	vst v63  }
0x22: {  	_ =	swait.ge [sflag:s26], $0xC40  }
0x23: {  	[sflag:s26] =	ssyncset.done $0x0  }
0x24: {  	s13 =	rddreg [dreg:$0x4];
	[sflag:s26] =	ssyncadd.s32 $0xFFFFF3C0  }
0x25: {  	[spmem:s13] =	stream.linear.scatter [tilespmem:s24], [sflag:$0x1], $0xC40, $0x38;
	[tilespmem:$0x10BC0] =	vst v63  }
0x26: {  	_ =	swait.ge [sflag:s26], $0xC40  }
0x27: {  	[sflag:s26] =	ssyncset.done $0x0  }
0x28: {  	s14 =	rddreg [dreg:$0x5];
	[sflag:s26] =	ssyncadd.s32 $0xFFFFF3C0  }
0x29: {  	[spmem:s14] =	stream.linear.scatter [tilespmem:s24], [sflag:$0x1], $0xC40, $0x38;
	[tilespmem:$0x10BC0] =	vst v63  }
0x2a: {  	_ =	swait.ge [sflag:s26], $0xC40  }
0x2b: {  	[sflag:s26] =	ssyncset.done $0x0  }
0x2c: {  	s15 =	rddreg [dreg:$0x6];
	[sflag:s26] =	ssyncadd.s32 $0xFFFFF3C0  }
0x2d: {  	[spmem:s15] =	stream.linear.scatter [tilespmem:s24], [sflag:$0x1], $0xC40, $0x38;
	[tilespmem:$0x10BC0] =	vst v63  }
0x2e: {  	_ =	swait.ge [sflag:s26], $0xC40  }
0x2f: {  	[sflag:s26] =	ssyncset.done $0x0  }
0x30: {  	s16 =	rddreg [dreg:$0x7];
	[sflag:s26] =	ssyncadd.s32 $0xFFFFF3C0  }
0x31: {  	[spmem:s16] =	stream.linear.scatter [tilespmem:s24], [sflag:$0x1], $0xC40, $0x38;
	[tilespmem:$0x10BC0] =	vst v63  }
0x32: {  	_ =	swait.ge [sflag:s26], $0xC40  }
0x33: {  	[sflag:s26] =	ssyncset.done $0x0  }
0x34: {  	s17 =	rddreg [dreg:$0x8];
	[sflag:s26] =	ssyncadd.s32 $0xFFFFF3C0  }
0x35: {  	[spmem:s17] =	stream.linear.scatter [tilespmem:s24], [sflag:$0x1], $0xC40, $0x38;
	[tilespmem:$0x10BC0] =	vst v63  }
0x36: {  	_ =	swait.ge [sflag:s26], $0xC40  }
0x37: {  	[sflag:s26] =	ssyncset.done $0x0  }
0x38: {  	s14 =	rddreg [dreg:$0x9];
	[sflag:s26] =	ssyncadd.s32 $0xFFFFF3C0  }
0x39: {  	[spmem:s14] =	stream.linear.scatter [tilespmem:s24], [sflag:$0x1], $0xC40, $0x38;
	[tilespmem:$0x10BC0] =	vst v63  }
0x3a: {  	_ =	swait.ge [sflag:s26], $0xC40  }
0x3b: {  	[sflag:s26] =	ssyncset.done $0x0  }
0x3c: {  	s15 =	rddreg [dreg:$0xa];
	[sflag:s26] =	ssyncadd.s32 $0xFFFFF3C0  }
0x3d: {  	[spmem:s15] =	stream.linear.scatter [tilespmem:s24], [sflag:$0x1], $0xC40, $0x38;
	[tilespmem:$0x10BC0] =	vst v63  }
0x3e: {  	_ =	swait.ge [sflag:s26], $0xC40  }
0x3f: {  	[sflag:s26] =	ssyncset.done $0x0  }
0x40: {  	s16 =	rddreg [dreg:$0xb];
	[sflag:s26] =	ssyncadd.s32 $0xFFFFF3C0  }
0x41: {  	[spmem:s16] =	stream.linear.scatter [tilespmem:s24], [sflag:$0x1], $0xC40, $0x38;
	[tilespmem:$0x10BC0] =	vst v63  }
0x42: {  	_ =	swait.ge [sflag:s26], $0xC40  }
0x43: {  	[sflag:s26] =	ssyncset.done $0x0  }
0x44: {  	s17 =	rddreg [dreg:$0xc];
	[sflag:s26] =	ssyncadd.s32 $0xFFFFF3C0  }
0x45: {  	[spmem:s17] =	stream.linear.scatter [tilespmem:s24], [sflag:$0x1], $0xC40, $0x38;
	[tilespmem:$0x10BC0] =	vst v63  }
0x46: {  	_ =	swait.ge [sflag:s26], $0xC40  }
0x47: {  	[sflag:s26] =	ssyncset.done $0x0  }
0x48: {  	s14 =	rddreg [dreg:$0xd];
	[sflag:s26] =	ssyncadd.s32 $0xFFFFF3C0  }
0x49: {  	[spmem:s14] =	stream.linear.scatter [tilespmem:s24], [sflag:$0x1], $0xC40, $0x38;
	[tilespmem:$0x10BC0] =	vst v63  }
0x4a: {  	_ =	swait.ge [sflag:s26], $0xC40  }
0x4b: {  	[sflag:s26] =	ssyncset.done $0x0  }
0x4c: {  	s15 =	rddreg [dreg:$0xe];
	[sflag:s26] =	ssyncadd.s32 $0xFFFFF3C0  }
0x4d: {  	[spmem:s15] =	stream.linear.scatter [tilespmem:s24], [sflag:$0x1], $0xC40, $0x38;
	[tilespmem:$0x10BC0] =	vst v63  }
0x4e: {  	_ =	swait.ge [sflag:s26], $0xC40  }
0x4f: {  	[sflag:s26] =	ssyncset.done $0x0  }
0x50: {  	s16 =	rddreg [dreg:$0xf];
	[sflag:s26] =	ssyncadd.s32 $0xFFFFF3C0  }
0x51: {  	[spmem:s16] =	stream.linear.scatter [tilespmem:s24], [sflag:$0x1], $0xC40, $0x38;
	[tilespmem:$0x10BC0] =	vst v63  }
0x52: {  	_ =	swait.ge [sflag:s26], $0xC40  }
0x53: {  	[sflag:s26] =	ssyncset.done $0x0  }
0x54: {  	[sflag:s26] =	ssyncadd.s32 $0xFFFFF3C0  }
0x55: {  	[spmem:s18] =	stream.linear.scatter [tilespmem:s24], [sflag:$0x1], $0xC40, $0x38;
	[tilespmem:$0x10BC0] =	vst v63  }
0x56: {  	_ =	swait.ge [sflag:s26], $0xC40  }
0x57: {  	[sflag:s26] =	ssyncset.done $0x0  }
0x58: {  	[sflag:s26] =	ssyncadd.s32 $0xFFFFF3C0  }
0x59: {  	[spmem:s19] =	stream.linear.scatter [tilespmem:s24], [sflag:$0x1], $0xC40, $0x38;
	[tilespmem:$0x10BC0] =	vst v63  }
0x5a: {  	_ =	swait.ge [sflag:s26], $0xC40  }
0x5b: {  	[sflag:s26] =	ssyncset.done $0x0  }
0x5c: {  	[sflag:s26] =	ssyncadd.s32 $0xFFFFF3C0  }
0x5d: {  	[spmem:s20] =	stream.linear.scatter [tilespmem:s24], [sflag:$0x1], $0xC40, $0x38;
	[tilespmem:$0x10BC0] =	vst v63  }
0x5e: {  	_ =	swait.ge [sflag:s26], $0xC40  }
0x5f: {  	[sflag:s26] =	ssyncset.done $0x0  }
0x60: {  	[sflag:s26] =	ssyncadd.s32 $0xFFFFF3C0  }
0x61: {  	s17 =	sadd.s32 $0x0, s22;
	[bflag:$0x0] =	sbarrier.arrive $0xFFFF  }
0x62: {  	[tilespmem:s2], [sflag:$0x1] =	stream.linear.gather [hbm4b:s17+s2], $0x380, $0x38;
	[tilespmem:$0x10BC0] =	vst v63  }
0x63: {  	_ =	swait.ge [sflag:s26], $0x380  }
0x64: {  	[sflag:s26] =	ssyncset.done $0x0  }
0x65: {  	[sflag:s26] =	ssyncadd.s32 $0xFFFFFC80  }
0x66: {  	[tilespmem:s28], [sflag:$0x1] =	stream.linear.gather [hbm4b:s21+s2], $0x3800, $0x38;
	[tilespmem:$0x10BC0] =	vst v63  }
0x67: {  	_ =	swait.ge [sflag:s26], $0x3800  }
0x68: {  	[sflag:s26] =	ssyncset.done $0x0  }
0x69: {  	[sflag:s26] =	ssyncadd.s32 $0xFFFFC800  }
0x6a: {  	[spmem:s1] =	stream.indirect.scatter.add.f32 [tilespmem:s28], [sflag:$0x1], $0x10, s2, s29, $0xb8;
	[tilespmem:$0x10BC0] =	vst v63  }
0x6b: {  	_ =	swait.ge [sflag:s26], $0x800  }
0x6c: {  	[sflag:s26] =	ssyncset.done $0x0  }
0x6d: {  	[sflag:s26] =	ssyncadd.s32 $0xFFFFF800  }
0x6e: {  	[spmem:s1] =	stream.indirect.scatter.add.f32 [tilespmem:s30], [sflag:$0x1], $0x10, s29, s29, $0xb8;
	[tilespmem:$0x10BC0] =	vst v63  }
0x6f: {  	_ =	swait.ge [sflag:s26], $0x800  }
0x70: {  	[sflag:s26] =	ssyncset.done $0x0  }
0x71: {  	[sflag:s26] =	ssyncadd.s32 $0xFFFFF800  }
0x72: {  	[spmem:s1] =	stream.indirect.scatter.add.f32 [tilespmem:s0], [sflag:$0x1], $0x10, s31, s29, $0xb8;
	[tilespmem:$0x10BC0] =	vst v63  }
0x73: {  	_ =	swait.ge [sflag:s26], $0x800  }
0x74: {  	[sflag:s26] =	ssyncset.done $0x0  }
0x75: {  	[sflag:s26] =	ssyncadd.s32 $0xFFFFF800  }
0x76: {  	[spmem:s1] =	stream.indirect.scatter.add.f32 [tilespmem:s4], [sflag:$0x1], $0x10, s3, s29, $0xb8;
	[tilespmem:$0x10BC0] =	vst v63  }
0x77: {  	_ =	swait.ge [sflag:s26], $0x800  }
0x78: {  	[sflag:s26] =	ssyncset.done $0x0  }
0x79: {  	[sflag:s26] =	ssyncadd.s32 $0xFFFFF800  }
0x7a: {  	[spmem:s1] =	stream.indirect.scatter.add.f32 [tilespmem:s7], [sflag:$0x1], $0x10, s6, s29, $0xb8;
	[tilespmem:$0x10BC0] =	vst v63  }
0x7b: {  	_ =	swait.ge [sflag:s26], $0x800  }
0x7c: {  	[sflag:s26] =	ssyncset.done $0x0  }
0x7d: {  	[sflag:s26] =	ssyncadd.s32 $0xFFFFF800  }
0x7e: {  	[spmem:s1] =	stream.indirect.scatter.add.f32 [tilespmem:s9], [sflag:$0x1], $0x10, s8, s29, $0xb8;
	[tilespmem:$0x10BC0] =	vst v63  }
0x7f: {  	_ =	swait.ge [sflag:s26], $0x800  }
0x80: {  	[sflag:s26] =	ssyncset.done $0x0  }
0x81: {  	[sflag:s26] =	ssyncadd.s32 $0xFFFFF800  }
0x82: {  	[spmem:s1] =	stream.indirect.scatter.add.f32 [tilespmem:s11], [sflag:$0x1], $0x10, s10, s29, $0xb8;
	[tilespmem:$0x10BC0] =	vst v63  }
0x83: {  	s13 =	sadd.s32 $0x700, s21;
	_ =	swait.ge [sflag:s26], $0x800  }
0x84: {  	s14 =	simm.s32 $0x70;
	s15 =	simm.s32 $0xE0;
	[sflag:s26] =	ssyncset.done $0x0  }
.LBB2_4:
0x85: {  	s17 =	sadd.s32 s14, s22  }
0x86: {  	[sflag:s26] =	ssyncadd.s32 $0xFFFFF800;
	s14 =	smov.u32 s15;
	s16 =	sadd.s32 $0x70, s15  }
0x87: {  	[tilespmem:s2], [sflag:$0x1] =	stream.linear.gather [hbm4b:s17+s2], $0x380, $0x38;
	[tilespmem:$0x10BC0] =	vst v63  }
0x88: {  	p0 =	sne.s32 s15, $0x2A0;
	_ =	swait.ge [sflag:s26], $0x380  }
0x89: {  	[sflag:s26] =	ssyncset.done $0x0  }
0x8a: {  	[sflag:s26] =	ssyncadd.s32 $0xFFFFFC80  }
0x8b: {  	[tilespmem:s28], [sflag:$0x1] =	stream.linear.gather [hbm4b:s13+s2], $0x3800, $0x38;
	[tilespmem:$0x10BC0] =	vst v63  }
0x8c: {  	_ =	swait.ge [sflag:s26], $0x3800  }
0x8d: {  	[sflag:s26] =	ssyncset.done $0x0  }
0x8e: {  	[sflag:s26] =	ssyncadd.s32 $0xFFFFC800  }
0x8f: {  	[spmem:s1] =	stream.indirect.scatter.add.f32 [tilespmem:s28], [sflag:$0x1], $0x10, s2, s29, $0xb8;
	[tilespmem:$0x10BC0] =	vst v63  }
0x90: {  	_ =	swait.ge [sflag:s26], $0x800  }
0x91: {  	[sflag:s26] =	ssyncset.done $0x0  }
0x92: {  	[sflag:s26] =	ssyncadd.s32 $0xFFFFF800  }
0x93: {  	[spmem:s1] =	stream.indirect.scatter.add.f32 [tilespmem:s30], [sflag:$0x1], $0x10, s29, s29, $0xb8;
	[tilespmem:$0x10BC0] =	vst v63  }
0x94: {  	_ =	swait.ge [sflag:s26], $0x800  }
0x95: {  	[sflag:s26] =	ssyncset.done $0x0  }
0x96: {  	[sflag:s26] =	ssyncadd.s32 $0xFFFFF800  }
0x97: {  	[spmem:s1] =	stream.indirect.scatter.add.f32 [tilespmem:s0], [sflag:$0x1], $0x10, s31, s29, $0xb8;
	[tilespmem:$0x10BC0] =	vst v63  }
0x98: {  	_ =	swait.ge [sflag:s26], $0x800  }
0x99: {  	[sflag:s26] =	ssyncset.done $0x0  }
0x9a: {  	[sflag:s26] =	ssyncadd.s32 $0xFFFFF800  }
0x9b: {  	[spmem:s1] =	stream.indirect.scatter.add.f32 [tilespmem:s4], [sflag:$0x1], $0x10, s3, s29, $0xb8;
	[tilespmem:$0x10BC0] =	vst v63  }
0x9c: {  	_ =	swait.ge [sflag:s26], $0x800  }
0x9d: {  	[sflag:s26] =	ssyncset.done $0x0  }
0x9e: {  	[sflag:s26] =	ssyncadd.s32 $0xFFFFF800  }
0x9f: {  	[spmem:s1] =	stream.indirect.scatter.add.f32 [tilespmem:s7], [sflag:$0x1], $0x10, s6, s29, $0xb8;
	[tilespmem:$0x10BC0] =	vst v63  }
0xa0: {  	_ =	swait.ge [sflag:s26], $0x800  }
0xa1: {  	[sflag:s26] =	ssyncset.done $0x0  }
0xa2: {  	[sflag:s26] =	ssyncadd.s32 $0xFFFFF800  }
0xa3: {  	[spmem:s1] =	stream.indirect.scatter.add.f32 [tilespmem:s9], [sflag:$0x1], $0x10, s8, s29, $0xb8;
	[tilespmem:$0x10BC0] =	vst v63  }
0xa4: {  	_ =	swait.ge [sflag:s26], $0x800  }
.Ltmp1:
0xa5: {  	[sflag:s26] =	ssyncset.done $0x0;
	(pc) =	sbr.rel @p0 .LBB2_4-.Ltmp1, $4  }
0xa6: {  	[sflag:s26] =	ssyncadd.s32 $0xFFFFF800  }
0xa7: {  	[spmem:s1] =	stream.indirect.scatter.add.f32 [tilespmem:s11], [sflag:$0x1], $0x10, s10, s29, $0xb8;
	[tilespmem:$0x10BC0] =	vst v63  }
0xa8: {  	_ =	swait.ge [sflag:s26], $0x800  }
0xa9: {  	s15 =	smov.u32 s16;
	s13 =	sadd.s32 $0x700, s13;
	[sflag:s26] =	ssyncset.done $0x0  }
0xaa: {  	s14 =	sadd.s32 s14, s22;
	[sflag:s26] =	ssyncadd.s32 $0xFFFFF800  }
0xab: {  	[tilespmem:s2], [sflag:$0x1] =	stream.linear.gather [hbm4b:s14+s2], $0x380, $0x38;
	[tilespmem:$0x10BC0] =	vst v63  }
0xac: {  	_ =	swait.ge [sflag:s26], $0x380  }
0xad: {  	[sflag:s26] =	ssyncset.done $0x0  }
0xae: {  	[sflag:s26] =	ssyncadd.s32 $0xFFFFFC80  }
0xaf: {  	[tilespmem:s28], [sflag:$0x1] =	stream.linear.gather [hbm4b:s13+s2], $0x3800, $0x38;
	[tilespmem:$0x10BC0] =	vst v63  }
0xb0: {  	_ =	swait.ge [sflag:s26], $0x3800  }
0xb1: {  	[sflag:s26] =	ssyncset.done $0x0  }
0xb2: {  	[sflag:s26] =	ssyncadd.s32 $0xFFFFC800  }
0xb3: {  	[spmem:s1] =	stream.indirect.scatter.add.f32 [tilespmem:s28], [sflag:$0x1], $0x10, s2, s29, $0xb8;
	[tilespmem:$0x10BC0] =	vst v63  }
0xb4: {  	_ =	swait.ge [sflag:s26], $0x800  }
0xb5: {  	[sflag:s26] =	ssyncset.done $0x0  }
0xb6: {  	[sflag:s26] =	ssyncadd.s32 $0xFFFFF800  }
0xb7: {  	[spmem:s1] =	stream.indirect.scatter.add.f32 [tilespmem:s30], [sflag:$0x1], $0x10, s29, s29, $0xb8;
	[tilespmem:$0x10BC0] =	vst v63  }
0xb8: {  	_ =	swait.ge [sflag:s26], $0x800  }
0xb9: {  	[sflag:s26] =	ssyncset.done $0x0  }
0xba: {  	[sflag:s26] =	ssyncadd.s32 $0xFFFFF800  }
0xbb: {  	[spmem:s1] =	stream.indirect.scatter.add.f32 [tilespmem:s0], [sflag:$0x1], $0x10, s31, s29, $0xb8;
	[tilespmem:$0x10BC0] =	vst v63  }
0xbc: {  	_ =	swait.ge [sflag:s26], $0x800  }
0xbd: {  	[sflag:s26] =	ssyncset.done $0x0  }
0xbe: {  	[sflag:s26] =	ssyncadd.s32 $0xFFFFF800  }
0xbf: {  	[spmem:s1] =	stream.indirect.scatter.add.f32 [tilespmem:s4], [sflag:$0x1], $0x10, s3, s29, $0xb8;
	[tilespmem:$0x10BC0] =	vst v63  }
0xc0: {  	_ =	swait.ge [sflag:s26], $0x800  }
0xc1: {  	[sflag:s26] =	ssyncset.done $0x0  }
0xc2: {  	[sflag:s26] =	ssyncadd.s32 $0xFFFFF800  }
0xc3: {  	[spmem:s1] =	stream.indirect.scatter.add.f32 [tilespmem:s7], [sflag:$0x1], $0x10, s6, s29, $0xb8;
	[tilespmem:$0x10BC0] =	vst v63  }
0xc4: {  	_ =	swait.ge [sflag:s26], $0x800  }
0xc5: {  	[sflag:s26] =	ssyncset.done $0x0  }
0xc6: {  	[sflag:s26] =	ssyncadd.s32 $0xFFFFF800  }
0xc7: {  	[spmem:s1] =	stream.indirect.scatter.add.f32 [tilespmem:s9], [sflag:$0x1], $0x10, s8, s29, $0xb8;
	[tilespmem:$0x10BC0] =	vst v63  }
0xc8: {  	_ =	swait.ge [sflag:s26], $0x800  }
0xc9: {  	[sflag:s26] =	ssyncset.done $0x0  }
0xca: {  	[sflag:s26] =	ssyncadd.s32 $0xFFFFF800  }
0xcb: {  	[spmem:s1] =	stream.indirect.scatter.add.f32 [tilespmem:s11], [sflag:$0x1], $0x10, s10, s29, $0xb8;
	[tilespmem:$0x10BC0] =	vst v63  }
0xcc: {  	_ =	swait.ge [sflag:s26], $0x800  }
0xcd: {  	s16 =	stileid.u32;
	[sflag:s26] =	ssyncset.done $0x0  }
0xce: {  	s13 =	sshll.u32 s16, $0x6;
	[sflag:s26] =	ssyncadd.s32 $0xFFFFF800  }
0xcf: {  	s13 =	sor.u32 $0x1C01, s13;
	[bflag:$0x0] =	sbarrier.arrive $0xFFFF  }
0xd0: {  	[hbm:s23], [sflag:s13] =	dma.local [spmem:s25], $0x1880  }
0xd1: {  	_ =	swait.ge [sflag:s26], $0x1880  }
0xd2: {  	s12 =	sadd.s32 $0x1, s12;
	s17 =	rddreg [dreg:$0x3]  }
0xd3: {  	p0 =	sne.s32 s12, s17  }
.Ltmp2:
0xd4: {  	_ = 	snop;
	(pc) =	sbr.rel @p0 .LBB2_1-.Ltmp2, $3  }
0xd5: {  	_ =	sdelay $0x1  }
0xd6: {  	[sflag:s26] =	ssyncset.done $0x0  }
0xd7: {  	[sflag:s26] =	ssyncadd.s32 $0xFFFFE780  }
0xd8: {  	_ =	sfence.sel $0x180000  }
0xd9: {  	[bflag:$0x0] =	sbarrier.arrive $0xFFFF  }
0xda: {  	_ =	strace $0x90000050  }
0xdb: {  	s0 =	stileid.u32;
	[bflag:$0x2] =	sbarrier.arrive $0xFFFF  }
0xdc: {  	p0 =	sne.s32 s0, $0x0;
	s0 =	rddreg [dreg:$0x2]  }
0xdd: {  	s0 =	sadd.s32 @!p0 $0x100000, s0  }
0xde: {  	[sflag:s0] =	ssyncadd.tile.s32 @!p0 $0x1;
	_ =	shalt  }
.Lfunc_end2:
_tile_overlayer_lowered:
.L_overlay_start_2:
0xdf: {  	(tag) =	ssettag $0x2  }
0xe0: {  	s0 =	rddreg [dreg:$0x0];
	s2 =	stileid.u32  }
0xe1: {  	s1 =	rddreg [dreg:$0x1];
	p0 =	sne.s32 s2, $0x0  }
0xe2: {  	s3 =	rddreg [dreg:$0x2];
	[bflag:$0x3] =	sbarrier.arrive $0xFFFF;
	s2 =	simm.s32 @!p0 $0x1C01  }
0xe3: {  	[timem:s3], [sflag:s2] =	dma.local @!p0 [hbm:s0], s1  }
0xe4: {  	s0 =	simm.s32 @!p0 $0x1  }
0xe5: {  	_ =	swait.ge @!p0 [sflag:s0], s1  }
0xe6: {  	s1 =	ssub.s32 @!p0 $0x0, s1;
	[sflag:s0] =	ssyncset.done @!p0 $0x0  }
0xe7: {  	[sflag:s0] =	ssyncadd.s32 @!p0 s1  }
0xe8: {  	[bflag:$0x3] =	sbarrier.arrive $0xFFFF  }
0xe9: {  	_ =	shalt  }

// kernel: kernel.18.cloned.1.call-start
scs
__scs_entry_jumppad:
0x0: {  	(pc) =	sbr.rel $0x88, $3  }
0x1: {  	(tag) =	ssettag $0x0;
	lr =	simm.s32 $0x1  }
0x2: {  	[smem:$0x3F9A] =	sst lr;
	_ =	strace $0xD0000000  }
0x3: {  	_ = 	snop  }
0x4: {  	_ = 	snop  }
0x5: {  	_ = 	snop  }
0x6: {  	_ = 	snop  }
0x7: {  	_ = 	snop  }
__scs_overlays_trampoline_lowered:
0x8: {  	[smem:$0x3FA9] =	sst s0  }
0x9: {  	[smem:$0x3FAA] =	sst s1  }
0xa: {  	[smem:$0x3FAB] =	sst s2  }
0xb: {  	[smem:$0x3FAC] =	sst s3  }
0xc: {  	[smem:$0x3FAD] =	sst s4  }
0xd: {  	[smem:$0x3FAE] =	sst s5  }
0xe: {  	[smem:$0x3FAF] =	sst s6  }
0xf: {  	[smem:$0x3FB0] =	sst s7  }
0x10: {  	[smem:$0x3FB1] =	sst s8  }
0x11: {  	[smem:$0x3FB2] =	sst s9;
	s0 =	simm.s32 @!p0 $0x0  }
0x12: {  	s1 =	sld [smem:$0x3F98];
	s0 =	simm.s32 @p0 $0x1  }
0x13: {  	[smem:$0x3FB3] =	sst s0;
	s0 =	simm.s32 @!p1 $0x0  }
0x14: {  	s2 =	sld [smem:$0x3F97];
	s0 =	simm.s32 @p1 $0x1  }
0x15: {  	[smem:$0x3FB4] =	sst s0;
	s0 =	simm.s32 @!p2 $0x0  }
0x16: {  	s3 =	sld [smem:$0x3FDB];
	s0 =	simm.s32 @p2 $0x1  }
0x17: {  	s4 =	simm.s32 $0x1BF5;
	[smem:$0x3FB6] =	sst s0  }
0x18: {  	s0 =	sld [smem:$0x3F99];
	_ =	swait.ge [sflag:s4], $0x0  }
0x19: {  	s7 =	sld [smem:$0x3F9A]  }
0x1a: {  	s8 =	sadd.s32 $0xFFFFE003, lr  }
0x1b: {  	s9 =	sadd.s32 $0xFFFFFEF7, lr;
	s5 =	simm.s32 $0xFFFFFFFF;
	p2 =	slt.u32 s8, $0xFFFFF086  }
0x1c: {  	p1 =	slt.u32 s9, $0xF7A;
	s5 =	simm.s32 @!p2 $0x0  }
0x1d: {  	s5 =	simm.s32 @p1 $0x1;
	p0 =	seq.s32 s7, s2  }
0x1e: {  	s7 =	smul.u32 @!p0 $0xF7A, s2;
	p2 =	seq.s32 @!p0 s5, $0x0  }
0x1f: {  	s9 =	smul.u32 $0xF7A, s1;
	s8 =	simm.s32 @!p0 $0x1BF5;
	p2 =	por !p2, p0  }
0x20: {  	[sflag:s8] =	ssyncset.s32 @!p0 $0xFFFFF086;
	s6 =	sadd.s32 @!p0 s3, s7;
	s7 =	simm.s32 @!p0 $0x108  }
0x21: {  	s3 =	sadd.s32 s3, s9;
	s6 =	sadd.s32 @!p0 $0x88, s6;
	s7 =	simm.s32 @p2 $0x1082  }
0x22: {  	[simem:s7], [sflag:s8] =	dma.local @!p0 [hbm:s6], $0xF7A  }
0x23: {  	s9 =	sor.u32 $0xD0000000, s2;
	s6 =	simm.s32 $0x108;
	_ =	swait.ge @!p0 [sflag:s8], $0x0  }
0x24: {  	s3 =	sadd.s32 $0x88, s3;
	s6 =	simm.s32 @!p1 $0x1082;
	[sflag:s4] =	ssyncset.s32 $0xFFFFF086  }
0x25: {  	[simem:s6], [sflag:s4] =	dma.local [hbm:s3], $0xF7A  }
0x26: {  	[smem:$0x3F9A] =	sst s1;
	(tag) =	ssettag s2;
	_ =	strace s9  }
0x27: {  	s1 =	sld [smem:$0x3FAA]  }
0x28: {  	s2 =	sld [smem:$0x3FAB]  }
0x29: {  	s4 =	sld [smem:$0x3FAD]  }
0x2a: {  	p0 =	seq.s32 s5, $0x0;
	s5 =	sld [smem:$0x3FAE]  }
0x2b: {  	s6 =	sld [smem:$0x3FAF]  }
0x2c: {  	s7 =	sld [smem:$0x3FB0]  }
0x2d: {  	s3 =	simm.s32 $0x108;
	s8 =	sld [smem:$0x3FB1]  }
0x2e: {  	s3 =	simm.s32 @!p0 $0x1082;
	s9 =	sld [smem:$0x3FB2]  }
0x2f: {  	lr =	sadd.s32 s0, s3;
	s0 =	sld [smem:$0x3FA9]  }
0x30: {  	s3 =	sld [smem:$0x3FAC]  }
0x31: {  	[smem:$0x3FB5] =	sst s10  }
0x32: {  	s10 =	sld [smem:$0x3FB3];
	_ =	sdelay $0x3  }
0x33: {  	p0 =	seq.s32 s10, $0x1;
	s10 =	sld [smem:$0x3FB5];
	_ =	sdelay $0x3  }
0x34: {  	[smem:$0x3FB5] =	sst s10  }
0x35: {  	s10 =	sld [smem:$0x3FB4];
	_ =	sdelay $0x3  }
0x36: {  	p1 =	seq.s32 s10, $0x1;
	s10 =	sld [smem:$0x3FB5];
	_ =	sdelay $0x3  }
0x37: {  	[smem:$0x3FB5] =	sst s10  }
0x38: {  	s10 =	sld [smem:$0x3FB6]  }
0x39: {  	_ = 	snop;
	(pc) =	sbr.ind lr, $3  }
0x3a: {  	_ = 	snop  }
0x3b: {  	_ = 	snop  }
0x3c: {  	p2 =	seq.s32 s10, $0x1;
	s10 =	sld [smem:$0x3FB5]  }
0x3d: {  	_ =	shalt  }
0x3e: {  	_ =	shalt  }
0x3f: {  	_ =	shalt  }
0x40: {  	_ =	shalt  }
0x41: {  	_ =	shalt  }
0x42: {  	_ =	shalt  }
0x43: {  	_ =	shalt  }
0x44: {  	_ =	shalt  }
0x45: {  	_ =	shalt  }
0x46: {  	_ =	shalt  }
0x47: {  	_ =	shalt  }
0x48: {  	_ =	shalt  }
0x49: {  	_ =	shalt  }
0x4a: {  	_ =	shalt  }
0x4b: {  	_ =	shalt  }
0x4c: {  	_ =	shalt  }
0x4d: {  	_ =	shalt  }
0x4e: {  	_ =	shalt  }
0x4f: {  	_ =	shalt  }
0x50: {  	_ =	shalt  }
0x51: {  	_ =	shalt  }
0x52: {  	_ =	shalt  }
0x53: {  	_ =	shalt  }
0x54: {  	_ =	shalt  }
0x55: {  	_ =	shalt  }
0x56: {  	_ =	shalt  }
0x57: {  	_ =	shalt  }
0x58: {  	_ =	shalt  }
0x59: {  	_ =	shalt  }
0x5a: {  	_ =	shalt  }
0x5b: {  	_ =	shalt  }
0x5c: {  	_ =	shalt  }
0x5d: {  	_ =	shalt  }
0x5e: {  	_ =	shalt  }
0x5f: {  	_ =	shalt  }
0x60: {  	_ =	shalt  }
0x61: {  	_ =	shalt  }
0x62: {  	_ =	shalt  }
0x63: {  	_ =	shalt  }
0x64: {  	_ =	shalt  }
0x65: {  	_ =	shalt  }
0x66: {  	_ =	shalt  }
0x67: {  	_ =	shalt  }
0x68: {  	_ =	shalt  }
0x69: {  	_ =	shalt  }
0x6a: {  	_ =	shalt  }
0x6b: {  	_ =	shalt  }
0x6c: {  	_ =	shalt  }
0x6d: {  	_ =	shalt  }
0x6e: {  	_ =	shalt  }
0x6f: {  	_ =	shalt  }
0x70: {  	_ =	shalt  }
0x71: {  	_ =	shalt  }
0x72: {  	_ =	shalt  }
0x73: {  	_ =	shalt  }
0x74: {  	_ =	shalt  }
0x75: {  	_ =	shalt  }
0x76: {  	_ =	shalt  }
0x77: {  	_ =	shalt  }
0x78: {  	_ =	shalt  }
0x79: {  	_ =	shalt  }
0x7a: {  	_ =	shalt  }
0x7b: {  	_ =	shalt  }
0x7c: {  	_ =	shalt  }
0x7d: {  	_ =	shalt  }
0x7e: {  	_ =	shalt  }
0x7f: {  	_ =	shalt  }
0x80: {  	_ =	shalt  }
0x81: {  	_ =	shalt  }
0x82: {  	_ =	shalt  }
0x83: {  	_ =	shalt  }
0x84: {  	_ =	shalt  }
0x85: {  	_ =	shalt  }
0x86: {  	_ =	shalt  }
0x87: {  	_ =	shalt  }
.Lfunc_end0:
.L_simem_size_0:
called_computation.3_lowered:
.L_overlay_start_0:
0x88: {  	s2 =	sld [smem:$0x3FD9]  }
0x89: {  	s3 =	sld [smem:$0x3FFE];
	_ =	sdelay $0x1  }
0x8a: {  	s1 =	srdreg.scid  }
0x8b: {  	s0 =	sand.u32 $0x1, s1  }
0x8c: {  	s17 =	sshll.u32 s0, $0xA;
	s2 =	sadd.s32 s3, s2  }
0x8d: {  	s2 =	sadd.s32 s2, s17  }
0x8e: {  	[smem:$0x3FC1] =	sst s2  }
0x8f: {  	_ = 	snop  }
0x90: {  	(tm) =	ssettm $0x1  }
0x91: {  	s18 =	sld [smem:$0x3FFB];
	_ =	sdelay $0x3  }
0x92: {  	_ =	strace s18  }
0x93: {  	s2 =	sld [smem:$0x3FFC];
	_ =	sdelay $0x3  }
0x94: {  	_ =	strace s2  }
0x95: {  	s2 =	sld [smem:$0x3FFD];
	_ =	sdelay $0x3  }
0x96: {  	_ =	strace s2  }
0x97: {  	_ =	strace $0x8FFFFFFF  }
0x98: {  	s19 =	sld [smem:$0x3FDB];
	_ =	sdelay $0x1  }
0x99: {  	s20 =	simm.s32 $_scs_section_size  }
0x9a: {  	s4 =	simm.s32 $_size__tile_overlayer_lowered;
	s5 =	simm.s32 $_tile_overlayer_lowered  }
0x9b: {  	s6 =	simm.s32 $0x1BFF;
	s21 =	sshll.u32 s5, $0x1;
	s3 =	sadd.s32 s20, s19  }
0x9c: {  	s22 =	simm.s32 $0x0;
	s4 =	sshll.u32 s4, $0x1;
	s5 =	sadd.s32 s21, s3  }
0x9d: {  	[timem:s22], [sflag:s6] =	dma.local [hbm:s5], s4  }
0x9e: {  	_ =	swait.ge [sflag:s6], s4  }
0x9f: {  	s4 =	ssub.s32 $0x0, s4;
	[sflag:s6] =	ssyncset.done $0x0  }
0xa0: {  	[sflag:s6] =	ssyncadd.s32 s4;
	_ =	sdelay $0x1  }
0xa1: {  	s23 =	simm.s32 $0x1B8B  }
0xa2: {  	_ =	swait.ge [sflag:s23], $0x1  }
0xa3: {  	[sflag:s23] =	ssyncset.done $0x0  }
0xa4: {  	[sflag:s23] =	ssyncadd.s32 $0xFFFFFFFF  }
0xa5: {  	s4 =	sld [smem:$0x0]  }
0xa6: {  	s5 =	sand.u32 $0xFFFFFFFE, s1  }
0xa7: {  	p0 =	sne.s32 s1, s5  }
0xa8: {  	s5 =	sshll.u32 @p0 s5, $0xE  }
0xa9: {  	s5 =	sadd.s32 @p0 $0x11B8D, s5;
	s6 =	sshll.u32 @p0 s4, $0x11  }
0xaa: {  	s5 =	sor.u32 @p0 s6, s5  }
0xab: {  	[sflag:s5] =	ssyncadd.remote.s32 @p0 $0x1;
	_ =	sdelay $0x1  }
0xac: {  	s5 =	simm.s32 @p0 $0x1B8D  }
0xad: {  	_ =	swait.eq @p0 [sflag:s5], $0x1  }
0xae: {  	[sflag:s5] =	ssyncadd.s32 @p0 $0xFFFFFFFF  }
0xaf: {  	s6 =	sshll.u32 @!p0 s1, $0xE  }
0xb0: {  	s6 =	sor.u32 @!p0 $0x4000, s6;
	s5 =	simm.s32 @!p0 $0x1B8D  }
0xb1: {  	s4 =	sshll.u32 @!p0 s4, $0x11;
	s6 =	sadd.s32 @!p0 $0x11B8D, s6;
	_ =	swait.eq @!p0 [sflag:s5], $0x1  }
0xb2: {  	s4 =	sor.u32 @!p0 s4, s6;
	[sflag:s5] =	ssyncadd.s32 @!p0 $0xFFFFFFFF  }
0xb3: {  	s25 =	simm.s32 $0x1B8E;
	s24 =	sld [smem:$0x3FFE];
	[sflag:s4] =	ssyncadd.remote.s32 @!p0 $0x1  }
0xb4: {  	s26 =	simm.s32 $execute0_lowered;
	[smem:$0x3FD2] =	sst s25  }
0xb5: {  	s5 =	sshll.u32 s26, $0x1;
	_ =	strace $0x8000004C;
	[dreg:$0x1] =	wrdreg $0xFFFFFFFF  }
0xb6: {  	s28 =	simm.s32 $_size_execute0_lowered;
	s3 =	sadd.s32 s3, s5;
	[dreg:$0x0] =	wrdreg $0x0  }
0xb7: {  	s5 =	sshll.u32 s28, $0x1;
	[dreg:$0x2] =	wrdreg s3  }
0xb8: {  	[dreg:$0x3] =	wrdreg s5  }
0xb9: {  	[dreg:$0x4] =	wrdreg $0xC0  }
0xba: {  	_ =	task [dreg:s22], $0x5FFFF  }
0xbb: {  	[dreg:$0x1] =	wrdreg $0xFFFFFFFF  }
0xbc: {  	[dreg:$0x0] =	wrdreg $0x60  }
0xbd: {  	[dreg:$0x2] =	wrdreg s24  }
0xbe: {  	[dreg:$0x3] =	wrdreg $0x47C00  }
0xbf: {  	[dreg:$0x4] =	wrdreg $0xA  }
0xc0: {  	_ =	task.clear_ibuf [dreg:s22], $0x5FFFF;
	_ =	strace $0x9000004C  }
0xc1: {  	s29 =	simm.s32 $0xA;
	_ =	strace $0x8000004E  }
0xc2: {  	_ =	swait.ge [sflag:s29], $0x1  }
0xc3: {  	[sflag:s29] =	ssyncadd.s32 $0xFFFFFFFF  }
0xc4: {  	_ =	strace $0x9000004E  }
0xc5: {  	_ =	sfence  }
0xc6: {  	s30 =	sld [smem:$0x0];
	_ =	sdelay $0x2  }
0xc7: {  	s31 =	sshll.u32 s1, $0xD;
	s1 =	sshrl.u32 s1, $0x2  }
0xc8: {  	s4 =	sand.u32 $0x4000, s31;
	s1 =	sadd.s32 s1, s30  }
0xc9: {  	s0 =	sor.u32 s4, s0;
	s1 =	sshll.u32 s1, $0x11  }
0xca: {  	s0 =	sor.u32 s1, s0  }
0xcb: {  	s0 =	sadd.s32 $0x8F2B, s0  }
0xcc: {  	[sflag:s0] =	ssyncadd.remote.s32 $0x1  }
0xcd: {  	_ =	sfence.sel $0xFFFF  }
0xce: {  	[dreg:$0x0] =	wrdreg $0xFFFFFFFF;
	(pc) =	sbr.abs _section_cstart, $3  }
0xcf: {  	[dreg:$0x1] =	wrdreg $0xFFFFFFFF  }
0xd0: {  	_ =	task.clear_ibuf [dreg:s22], $0x2FFFF;
	_ =	strace $0x9FFFFFFF  }
0xd1: {  	(tm) =	ssettm $0x7FFFFFFF  }
tec
execute0_lowered:
.L_overlay_start_1:
0x0: {  	(tag) =	ssettag $0x1  }
0x1: {  	s2 =	srdreg.scid;
	s11 =	stileid.u32  }
0x2: {  	s0 =	rddreg [dreg:$0x0];
	s3 =	sand.u32 $0x1, s2;
	s9 =	smul.u32 $0x31000, s11  }
0x3: {  	s1 =	rddreg [dreg:$0x1];
	s28 =	simm.s32 $0x380;
	s4 =	smul.u32 $0x3100, s3  }
0x4: {  	s29 =	simm.s32 $0x80;
	s30 =	simm.s32 $0xB80;
	s5 =	smul.u32 $0x31000, s3  }
0x5: {  	s31 =	simm.s32 $0x100;
	s6 =	smul.u32 $0x18800, s3;
	s3 =	ssub.s32 $0x2, s3  }
0x6: {  	s2 =	simm.s32 $0x0;
	s7 =	smul.u32 $0xC400, s11;
	s8 =	sshrl.u32 s3, $0x1  }
0x7: {  	[smem:$0x7FF] =	sst s2;
	s9 =	sshrl.u32 s9, $0x2;
	s3 =	ssub.s32 s3, s8  }
0x8: {  	s10 =	sadd.s32 s5, s0;
	s5 =	sadd.s32 s9, s1;
	s3 =	smax.u32 s3, $0x1  }
0x9: {  	_ =	strace $0x8000004D;
	s12 =	sadd.s32 $0xC40, s5;
	[dreg:$0x3] =	wrdreg s3  }
0xa: {  	s20 =	smul.u32 $0x310, s11;
	s13 =	sadd.s32 $0x1880, s5;
	[dreg:$0x4] =	wrdreg s12  }
0xb: {  	s23 =	smul.u32 $0x3100, s11;
	s14 =	sadd.s32 $0x24C0, s5;
	[dreg:$0x5] =	wrdreg s13  }
0xc: {  	s11 =	simm.s32 $0x3380;
	s15 =	sadd.s32 $0x3100, s5;
	[dreg:$0x6] =	wrdreg s14  }
0xd: {  	s4 =	sadd.s32 s4, s0;
	s16 =	sadd.s32 $0x3D40, s5;
	[dreg:$0x7] =	wrdreg s15  }
0xe: {  	s0 =	sadd.s32 s6, s0;
	s17 =	sadd.s32 $0x4980, s5;
	[dreg:$0x8] =	wrdreg s16  }
0xf: {  	s6 =	sshrl.u32 s7, $0x3;
	s18 =	sadd.s32 $0x55C0, s5;
	[dreg:$0x9] =	wrdreg s17  }
0x10: {  	s7 =	sadd.s32 s7, s1;
	s19 =	sadd.s32 $0x6200, s5;
	[dreg:$0xa] =	wrdreg s18  }
0x11: {  	s8 =	simm.s32 $0x280;
	s21 =	sadd.s32 $0x6E40, s5;
	[dreg:$0xb] =	wrdreg s19  }
0x12: {  	s9 =	simm.s32 $0x2B80;
	s22 =	sadd.s32 $0x7A80, s5;
	[dreg:$0xc] =	wrdreg s21  }
0x13: {  	s0 =	sadd.s32 $0x1A3A00, s0;
	s24 =	sadd.s32 $0x86C0, s5;
	[dreg:$0xd] =	wrdreg s22  }
0x14: {  	s25 =	sadd.s32 $0x9300, s5;
	s26 =	sadd.s32 s23, s10;
	[dreg:$0xe] =	wrdreg s24  }
0x15: {  	s10 =	simm.s32 $0x300;
	[dreg:$0xf] =	wrdreg s25;
	s18 =	sadd.s32 $0x9F40, s5  }
0x16: {  	s3 =	sadd.s32 s20, s4;
	s19 =	sadd.s32 $0xAB80, s5;
	s20 =	sadd.s32 $0xB7C0, s5  }
0x17: {  	s22 =	sadd.s32 $0xDFA00, s26;
	s23 =	sadd.s32 s6, s0;
	s24 =	simm.s32 $0x3B80  }
0x18: {  	s25 =	sshrl.u32 s7, $0x3;
	s26 =	simm.s32 $0x1;
	s0 =	simm.s32 $0x1380  }
0x19: {  	s4 =	simm.s32 $0x1B80;
	s6 =	simm.s32 $0x200;
	s7 =	simm.s32 $0x2380  }
0x1a: {  	v0 =	vimm.f32 $0.0e+00;
	s12 =	simm.s32 $0x0;
	s21 =	sadd.s32 $0xD9800, s3;
	s3 =	simm.s32 $0x180  }
.LBB2_1:
0x1b: {  	s13 =	simm.s32 $0x40;
	s14 =	simm.s32 $0x0  }
.LBB2_2:
0x1c: {  	p0 =	sne.s32 s13, $0x30C0;
	[tilespmem:s14+$0x3B80] =	vst v0;
	s14 =	smov.u32 s13;
	s13 =	sadd.s32 $0x40, s13  }
.Ltmp0:
0x1d: {  	(pc) =	sbr.rel @p0 .LBB2_2-.Ltmp0, $2  }
0x1e: {  	_ =	sdelay $0x2  }
0x1f: {  	s14 =	sshra.s32 s14, $0x2  }
0x20: {  	[tilespmem:s14+$0x3B80] =	vst v0  }
0x21: {  	[spmem:s5] =	stream.linear.scatter [tilespmem:s24], [sflag:$0x1], $0xC40, $0x38;
	[tilespmem:$0x10BC0] =	vst v63  }
0x22: {  	_ =	swait.ge [sflag:s26], $0xC40  }
0x23: {  	[sflag:s26] =	ssyncset.done $0x0  }
0x24: {  	s13 =	rddreg [dreg:$0x4];
	[sflag:s26] =	ssyncadd.s32 $0xFFFFF3C0  }
0x25: {  	[spmem:s13] =	stream.linear.scatter [tilespmem:s24], [sflag:$0x1], $0xC40, $0x38;
	[tilespmem:$0x10BC0] =	vst v63  }
0x26: {  	_ =	swait.ge [sflag:s26], $0xC40  }
0x27: {  	[sflag:s26] =	ssyncset.done $0x0  }
0x28: {  	s14 =	rddreg [dreg:$0x5];
	[sflag:s26] =	ssyncadd.s32 $0xFFFFF3C0  }
0x29: {  	[spmem:s14] =	stream.linear.scatter [tilespmem:s24], [sflag:$0x1], $0xC40, $0x38;
	[tilespmem:$0x10BC0] =	vst v63  }
0x2a: {  	_ =	swait.ge [sflag:s26], $0xC40  }
0x2b: {  	[sflag:s26] =	ssyncset.done $0x0  }
0x2c: {  	s15 =	rddreg [dreg:$0x6];
	[sflag:s26] =	ssyncadd.s32 $0xFFFFF3C0  }
0x2d: {  	[spmem:s15] =	stream.linear.scatter [tilespmem:s24], [sflag:$0x1], $0xC40, $0x38;
	[tilespmem:$0x10BC0] =	vst v63  }
0x2e: {  	_ =	swait.ge [sflag:s26], $0xC40  }
0x2f: {  	[sflag:s26] =	ssyncset.done $0x0  }
0x30: {  	s16 =	rddreg [dreg:$0x7];
	[sflag:s26] =	ssyncadd.s32 $0xFFFFF3C0  }
0x31: {  	[spmem:s16] =	stream.linear.scatter [tilespmem:s24], [sflag:$0x1], $0xC40, $0x38;
	[tilespmem:$0x10BC0] =	vst v63  }
0x32: {  	_ =	swait.ge [sflag:s26], $0xC40  }
0x33: {  	[sflag:s26] =	ssyncset.done $0x0  }
0x34: {  	s17 =	rddreg [dreg:$0x8];
	[sflag:s26] =	ssyncadd.s32 $0xFFFFF3C0  }
0x35: {  	[spmem:s17] =	stream.linear.scatter [tilespmem:s24], [sflag:$0x1], $0xC40, $0x38;
	[tilespmem:$0x10BC0] =	vst v63  }
0x36: {  	_ =	swait.ge [sflag:s26], $0xC40  }
0x37: {  	[sflag:s26] =	ssyncset.done $0x0  }
0x38: {  	s14 =	rddreg [dreg:$0x9];
	[sflag:s26] =	ssyncadd.s32 $0xFFFFF3C0  }
0x39: {  	[spmem:s14] =	stream.linear.scatter [tilespmem:s24], [sflag:$0x1], $0xC40, $0x38;
	[tilespmem:$0x10BC0] =	vst v63  }
0x3a: {  	_ =	swait.ge [sflag:s26], $0xC40  }
0x3b: {  	[sflag:s26] =	ssyncset.done $0x0  }
0x3c: {  	s15 =	rddreg [dreg:$0xa];
	[sflag:s26] =	ssyncadd.s32 $0xFFFFF3C0  }
0x3d: {  	[spmem:s15] =	stream.linear.scatter [tilespmem:s24], [sflag:$0x1], $0xC40, $0x38;
	[tilespmem:$0x10BC0] =	vst v63  }
0x3e: {  	_ =	swait.ge [sflag:s26], $0xC40  }
0x3f: {  	[sflag:s26] =	ssyncset.done $0x0  }
0x40: {  	s16 =	rddreg [dreg:$0xb];
	[sflag:s26] =	ssyncadd.s32 $0xFFFFF3C0  }
0x41: {  	[spmem:s16] =	stream.linear.scatter [tilespmem:s24], [sflag:$0x1], $0xC40, $0x38;
	[tilespmem:$0x10BC0] =	vst v63  }
0x42: {  	_ =	swait.ge [sflag:s26], $0xC40  }
0x43: {  	[sflag:s26] =	ssyncset.done $0x0  }
0x44: {  	s17 =	rddreg [dreg:$0xc];
	[sflag:s26] =	ssyncadd.s32 $0xFFFFF3C0  }
0x45: {  	[spmem:s17] =	stream.linear.scatter [tilespmem:s24], [sflag:$0x1], $0xC40, $0x38;
	[tilespmem:$0x10BC0] =	vst v63  }
0x46: {  	_ =	swait.ge [sflag:s26], $0xC40  }
0x47: {  	[sflag:s26] =	ssyncset.done $0x0  }
0x48: {  	s14 =	rddreg [dreg:$0xd];
	[sflag:s26] =	ssyncadd.s32 $0xFFFFF3C0  }
0x49: {  	[spmem:s14] =	stream.linear.scatter [tilespmem:s24], [sflag:$0x1], $0xC40, $0x38;
	[tilespmem:$0x10BC0] =	vst v63  }
0x4a: {  	_ =	swait.ge [sflag:s26], $0xC40  }
0x4b: {  	[sflag:s26] =	ssyncset.done $0x0  }
0x4c: {  	s15 =	rddreg [dreg:$0xe];
	[sflag:s26] =	ssyncadd.s32 $0xFFFFF3C0  }
0x4d: {  	[spmem:s15] =	stream.linear.scatter [tilespmem:s24], [sflag:$0x1], $0xC40, $0x38;
	[tilespmem:$0x10BC0] =	vst v63  }
0x4e: {  	_ =	swait.ge [sflag:s26], $0xC40  }
0x4f: {  	[sflag:s26] =	ssyncset.done $0x0  }
0x50: {  	s16 =	rddreg [dreg:$0xf];
	[sflag:s26] =	ssyncadd.s32 $0xFFFFF3C0  }
0x51: {  	[spmem:s16] =	stream.linear.scatter [tilespmem:s24], [sflag:$0x1], $0xC40, $0x38;
	[tilespmem:$0x10BC0] =	vst v63  }
0x52: {  	_ =	swait.ge [sflag:s26], $0xC40  }
0x53: {  	[sflag:s26] =	ssyncset.done $0x0  }
0x54: {  	[sflag:s26] =	ssyncadd.s32 $0xFFFFF3C0  }
0x55: {  	[spmem:s18] =	stream.linear.scatter [tilespmem:s24], [sflag:$0x1], $0xC40, $0x38;
	[tilespmem:$0x10BC0] =	vst v63  }
0x56: {  	_ =	swait.ge [sflag:s26], $0xC40  }
0x57: {  	[sflag:s26] =	ssyncset.done $0x0  }
0x58: {  	[sflag:s26] =	ssyncadd.s32 $0xFFFFF3C0  }
0x59: {  	[spmem:s19] =	stream.linear.scatter [tilespmem:s24], [sflag:$0x1], $0xC40, $0x38;
	[tilespmem:$0x10BC0] =	vst v63  }
0x5a: {  	_ =	swait.ge [sflag:s26], $0xC40  }
0x5b: {  	[sflag:s26] =	ssyncset.done $0x0  }
0x5c: {  	[sflag:s26] =	ssyncadd.s32 $0xFFFFF3C0  }
0x5d: {  	[spmem:s20] =	stream.linear.scatter [tilespmem:s24], [sflag:$0x1], $0xC40, $0x38;
	[tilespmem:$0x10BC0] =	vst v63  }
0x5e: {  	_ =	swait.ge [sflag:s26], $0xC40  }
0x5f: {  	[sflag:s26] =	ssyncset.done $0x0  }
0x60: {  	[sflag:s26] =	ssyncadd.s32 $0xFFFFF3C0  }
0x61: {  	s17 =	sadd.s32 $0x0, s21;
	[bflag:$0x0] =	sbarrier.arrive $0xFFFF  }
0x62: {  	[tilespmem:s2], [sflag:$0x1] =	stream.linear.gather [hbm4b:s17+s2], $0x380, $0x38;
	[tilespmem:$0x10BC0] =	vst v63  }
0x63: {  	_ =	swait.ge [sflag:s26], $0x380  }
0x64: {  	[sflag:s26] =	ssyncset.done $0x0  }
0x65: {  	[sflag:s26] =	ssyncadd.s32 $0xFFFFFC80  }
0x66: {  	[tilespmem:s28], [sflag:$0x1] =	stream.linear.gather [hbm4b:s22+s2], $0x3800, $0x38;
	[tilespmem:$0x10BC0] =	vst v63  }
0x67: {  	_ =	swait.ge [sflag:s26], $0x3800  }
0x68: {  	[sflag:s26] =	ssyncset.done $0x0  }
0x69: {  	[sflag:s26] =	ssyncadd.s32 $0xFFFFC800  }
0x6a: {  	[spmem:s1] =	stream.indirect.scatter.add.f32 [tilespmem:s28], [sflag:$0x1], $0x10, s2, s29, $0xb8;
	[tilespmem:$0x10BC0] =	vst v63  }
0x6b: {  	_ =	swait.ge [sflag:s26], $0x800  }
0x6c: {  	[sflag:s26] =	ssyncset.done $0x0  }
0x6d: {  	[sflag:s26] =	ssyncadd.s32 $0xFFFFF800  }
0x6e: {  	[spmem:s1] =	stream.indirect.scatter.add.f32 [tilespmem:s30], [sflag:$0x1], $0x10, s29, s29, $0xb8;
	[tilespmem:$0x10BC0] =	vst v63  }
0x6f: {  	_ =	swait.ge [sflag:s26], $0x800  }
0x70: {  	[sflag:s26] =	ssyncset.done $0x0  }
0x71: {  	[sflag:s26] =	ssyncadd.s32 $0xFFFFF800  }
0x72: {  	[spmem:s1] =	stream.indirect.scatter.add.f32 [tilespmem:s0], [sflag:$0x1], $0x10, s31, s29, $0xb8;
	[tilespmem:$0x10BC0] =	vst v63  }
0x73: {  	_ =	swait.ge [sflag:s26], $0x800  }
0x74: {  	[sflag:s26] =	ssyncset.done $0x0  }
0x75: {  	[sflag:s26] =	ssyncadd.s32 $0xFFFFF800  }
0x76: {  	[spmem:s1] =	stream.indirect.scatter.add.f32 [tilespmem:s4], [sflag:$0x1], $0x10, s3, s29, $0xb8;
	[tilespmem:$0x10BC0] =	vst v63  }
0x77: {  	_ =	swait.ge [sflag:s26], $0x800  }
0x78: {  	[sflag:s26] =	ssyncset.done $0x0  }
0x79: {  	[sflag:s26] =	ssyncadd.s32 $0xFFFFF800  }
0x7a: {  	[spmem:s1] =	stream.indirect.scatter.add.f32 [tilespmem:s7], [sflag:$0x1], $0x10, s6, s29, $0xb8;
	[tilespmem:$0x10BC0] =	vst v63  }
0x7b: {  	_ =	swait.ge [sflag:s26], $0x800  }
0x7c: {  	[sflag:s26] =	ssyncset.done $0x0  }
0x7d: {  	[sflag:s26] =	ssyncadd.s32 $0xFFFFF800  }
0x7e: {  	[spmem:s1] =	stream.indirect.scatter.add.f32 [tilespmem:s9], [sflag:$0x1], $0x10, s8, s29, $0xb8;
	[tilespmem:$0x10BC0] =	vst v63  }
0x7f: {  	_ =	swait.ge [sflag:s26], $0x800  }
0x80: {  	[sflag:s26] =	ssyncset.done $0x0  }
0x81: {  	[sflag:s26] =	ssyncadd.s32 $0xFFFFF800  }
0x82: {  	[spmem:s1] =	stream.indirect.scatter.add.f32 [tilespmem:s11], [sflag:$0x1], $0x10, s10, s29, $0xb8;
	[tilespmem:$0x10BC0] =	vst v63  }
0x83: {  	s13 =	sadd.s32 $0x700, s22;
	_ =	swait.ge [sflag:s26], $0x800  }
0x84: {  	s14 =	simm.s32 $0x70;
	s15 =	simm.s32 $0xE0;
	[sflag:s26] =	ssyncset.done $0x0  }
.LBB2_4:
0x85: {  	s17 =	sadd.s32 s14, s21  }
0x86: {  	[sflag:s26] =	ssyncadd.s32 $0xFFFFF800;
	s14 =	smov.u32 s15;
	s16 =	sadd.s32 $0x70, s15  }
0x87: {  	[tilespmem:s2], [sflag:$0x1] =	stream.linear.gather [hbm4b:s17+s2], $0x380, $0x38;
	[tilespmem:$0x10BC0] =	vst v63  }
0x88: {  	p0 =	sne.s32 s15, $0x2A0;
	_ =	swait.ge [sflag:s26], $0x380  }
0x89: {  	[sflag:s26] =	ssyncset.done $0x0  }
0x8a: {  	[sflag:s26] =	ssyncadd.s32 $0xFFFFFC80  }
0x8b: {  	[tilespmem:s28], [sflag:$0x1] =	stream.linear.gather [hbm4b:s13+s2], $0x3800, $0x38;
	[tilespmem:$0x10BC0] =	vst v63  }
0x8c: {  	_ =	swait.ge [sflag:s26], $0x3800  }
0x8d: {  	[sflag:s26] =	ssyncset.done $0x0  }
0x8e: {  	[sflag:s26] =	ssyncadd.s32 $0xFFFFC800  }
0x8f: {  	[spmem:s1] =	stream.indirect.scatter.add.f32 [tilespmem:s28], [sflag:$0x1], $0x10, s2, s29, $0xb8;
	[tilespmem:$0x10BC0] =	vst v63  }
0x90: {  	_ =	swait.ge [sflag:s26], $0x800  }
0x91: {  	[sflag:s26] =	ssyncset.done $0x0  }
0x92: {  	[sflag:s26] =	ssyncadd.s32 $0xFFFFF800  }
0x93: {  	[spmem:s1] =	stream.indirect.scatter.add.f32 [tilespmem:s30], [sflag:$0x1], $0x10, s29, s29, $0xb8;
	[tilespmem:$0x10BC0] =	vst v63  }
0x94: {  	_ =	swait.ge [sflag:s26], $0x800  }
0x95: {  	[sflag:s26] =	ssyncset.done $0x0  }
0x96: {  	[sflag:s26] =	ssyncadd.s32 $0xFFFFF800  }
0x97: {  	[spmem:s1] =	stream.indirect.scatter.add.f32 [tilespmem:s0], [sflag:$0x1], $0x10, s31, s29, $0xb8;
	[tilespmem:$0x10BC0] =	vst v63  }
0x98: {  	_ =	swait.ge [sflag:s26], $0x800  }
0x99: {  	[sflag:s26] =	ssyncset.done $0x0  }
0x9a: {  	[sflag:s26] =	ssyncadd.s32 $0xFFFFF800  }
0x9b: {  	[spmem:s1] =	stream.indirect.scatter.add.f32 [tilespmem:s4], [sflag:$0x1], $0x10, s3, s29, $0xb8;
	[tilespmem:$0x10BC0] =	vst v63  }
0x9c: {  	_ =	swait.ge [sflag:s26], $0x800  }
0x9d: {  	[sflag:s26] =	ssyncset.done $0x0  }
0x9e: {  	[sflag:s26] =	ssyncadd.s32 $0xFFFFF800  }
0x9f: {  	[spmem:s1] =	stream.indirect.scatter.add.f32 [tilespmem:s7], [sflag:$0x1], $0x10, s6, s29, $0xb8;
	[tilespmem:$0x10BC0] =	vst v63  }
0xa0: {  	_ =	swait.ge [sflag:s26], $0x800  }
0xa1: {  	[sflag:s26] =	ssyncset.done $0x0  }
0xa2: {  	[sflag:s26] =	ssyncadd.s32 $0xFFFFF800  }
0xa3: {  	[spmem:s1] =	stream.indirect.scatter.add.f32 [tilespmem:s9], [sflag:$0x1], $0x10, s8, s29, $0xb8;
	[tilespmem:$0x10BC0] =	vst v63  }
0xa4: {  	_ =	swait.ge [sflag:s26], $0x800  }
.Ltmp1:
0xa5: {  	[sflag:s26] =	ssyncset.done $0x0;
	(pc) =	sbr.rel @p0 .LBB2_4-.Ltmp1, $4  }
0xa6: {  	[sflag:s26] =	ssyncadd.s32 $0xFFFFF800  }
0xa7: {  	[spmem:s1] =	stream.indirect.scatter.add.f32 [tilespmem:s11], [sflag:$0x1], $0x10, s10, s29, $0xb8;
	[tilespmem:$0x10BC0] =	vst v63  }
0xa8: {  	_ =	swait.ge [sflag:s26], $0x800  }
0xa9: {  	s15 =	smov.u32 s16;
	s13 =	sadd.s32 $0x700, s13;
	[sflag:s26] =	ssyncset.done $0x0  }
0xaa: {  	s14 =	sadd.s32 s14, s21;
	[sflag:s26] =	ssyncadd.s32 $0xFFFFF800  }
0xab: {  	[tilespmem:s2], [sflag:$0x1] =	stream.linear.gather [hbm4b:s14+s2], $0x380, $0x38;
	[tilespmem:$0x10BC0] =	vst v63  }
0xac: {  	_ =	swait.ge [sflag:s26], $0x380  }
0xad: {  	[sflag:s26] =	ssyncset.done $0x0  }
0xae: {  	[sflag:s26] =	ssyncadd.s32 $0xFFFFFC80  }
0xaf: {  	[tilespmem:s28], [sflag:$0x1] =	stream.linear.gather [hbm4b:s13+s2], $0x3800, $0x38;
	[tilespmem:$0x10BC0] =	vst v63  }
0xb0: {  	_ =	swait.ge [sflag:s26], $0x3800  }
0xb1: {  	[sflag:s26] =	ssyncset.done $0x0  }
0xb2: {  	[sflag:s26] =	ssyncadd.s32 $0xFFFFC800  }
0xb3: {  	[spmem:s1] =	stream.indirect.scatter.add.f32 [tilespmem:s28], [sflag:$0x1], $0x10, s2, s29, $0xb8;
	[tilespmem:$0x10BC0] =	vst v63  }
0xb4: {  	_ =	swait.ge [sflag:s26], $0x800  }
0xb5: {  	[sflag:s26] =	ssyncset.done $0x0  }
0xb6: {  	[sflag:s26] =	ssyncadd.s32 $0xFFFFF800  }
0xb7: {  	[spmem:s1] =	stream.indirect.scatter.add.f32 [tilespmem:s30], [sflag:$0x1], $0x10, s29, s29, $0xb8;
	[tilespmem:$0x10BC0] =	vst v63  }
0xb8: {  	_ =	swait.ge [sflag:s26], $0x800  }
0xb9: {  	[sflag:s26] =	ssyncset.done $0x0  }
0xba: {  	[sflag:s26] =	ssyncadd.s32 $0xFFFFF800  }
0xbb: {  	[spmem:s1] =	stream.indirect.scatter.add.f32 [tilespmem:s0], [sflag:$0x1], $0x10, s31, s29, $0xb8;
	[tilespmem:$0x10BC0] =	vst v63  }
0xbc: {  	_ =	swait.ge [sflag:s26], $0x800  }
0xbd: {  	[sflag:s26] =	ssyncset.done $0x0  }
0xbe: {  	[sflag:s26] =	ssyncadd.s32 $0xFFFFF800  }
0xbf: {  	[spmem:s1] =	stream.indirect.scatter.add.f32 [tilespmem:s4], [sflag:$0x1], $0x10, s3, s29, $0xb8;
	[tilespmem:$0x10BC0] =	vst v63  }
0xc0: {  	_ =	swait.ge [sflag:s26], $0x800  }
0xc1: {  	[sflag:s26] =	ssyncset.done $0x0  }
0xc2: {  	[sflag:s26] =	ssyncadd.s32 $0xFFFFF800  }
0xc3: {  	[spmem:s1] =	stream.indirect.scatter.add.f32 [tilespmem:s7], [sflag:$0x1], $0x10, s6, s29, $0xb8;
	[tilespmem:$0x10BC0] =	vst v63  }
0xc4: {  	_ =	swait.ge [sflag:s26], $0x800  }
0xc5: {  	[sflag:s26] =	ssyncset.done $0x0  }
0xc6: {  	[sflag:s26] =	ssyncadd.s32 $0xFFFFF800  }
0xc7: {  	[spmem:s1] =	stream.indirect.scatter.add.f32 [tilespmem:s9], [sflag:$0x1], $0x10, s8, s29, $0xb8;
	[tilespmem:$0x10BC0] =	vst v63  }
0xc8: {  	_ =	swait.ge [sflag:s26], $0x800  }
0xc9: {  	[sflag:s26] =	ssyncset.done $0x0  }
0xca: {  	[sflag:s26] =	ssyncadd.s32 $0xFFFFF800  }
0xcb: {  	[spmem:s1] =	stream.indirect.scatter.add.f32 [tilespmem:s11], [sflag:$0x1], $0x10, s10, s29, $0xb8;
	[tilespmem:$0x10BC0] =	vst v63  }
0xcc: {  	_ =	swait.ge [sflag:s26], $0x800  }
0xcd: {  	s16 =	stileid.u32;
	[sflag:s26] =	ssyncset.done $0x0  }
0xce: {  	s13 =	sshll.u32 s16, $0x6;
	[sflag:s26] =	ssyncadd.s32 $0xFFFFF800  }
0xcf: {  	s13 =	sor.u32 $0x1C01, s13;
	[bflag:$0x0] =	sbarrier.arrive $0xFFFF  }
0xd0: {  	[hbm:s23], [sflag:s13] =	dma.local [spmem:s25], $0x1880  }
0xd1: {  	_ =	swait.ge [sflag:s26], $0x1880  }
0xd2: {  	s12 =	sadd.s32 $0x1, s12;
	s17 =	rddreg [dreg:$0x3]  }
0xd3: {  	p0 =	sne.s32 s12, s17  }
.Ltmp2:
0xd4: {  	_ = 	snop;
	(pc) =	sbr.rel @p0 .LBB2_1-.Ltmp2, $3  }
0xd5: {  	_ =	sdelay $0x1  }
0xd6: {  	[sflag:s26] =	ssyncset.done $0x0  }
0xd7: {  	[sflag:s26] =	ssyncadd.s32 $0xFFFFE780  }
0xd8: {  	_ =	sfence.sel $0x180000  }
0xd9: {  	[bflag:$0x0] =	sbarrier.arrive $0xFFFF  }
0xda: {  	_ =	strace $0x9000004D  }
0xdb: {  	s0 =	stileid.u32;
	[bflag:$0x2] =	sbarrier.arrive $0xFFFF  }
0xdc: {  	p0 =	sne.s32 s0, $0x0;
	s0 =	rddreg [dreg:$0x2]  }
0xdd: {  	s0 =	sadd.s32 @!p0 $0x100000, s0  }
0xde: {  	[sflag:s0] =	ssyncadd.tile.s32 @!p0 $0x1;
	_ =	shalt  }
.Lfunc_end2:
_tile_overlayer_lowered:
.L_overlay_start_2:
0xdf: {  	(tag) =	ssettag $0x2  }
0xe0: {  	s0 =	rddreg [dreg:$0x0];
	s2 =	stileid.u32  }
0xe1: {  	s1 =	rddreg [dreg:$0x1];
	p0 =	sne.s32 s2, $0x0  }
0xe2: {  	s3 =	rddreg [dreg:$0x2];
	[bflag:$0x3] =	sbarrier.arrive $0xFFFF;
	s2 =	simm.s32 @!p0 $0x1C01  }
0xe3: {  	[timem:s3], [sflag:s2] =	dma.local @!p0 [hbm:s0], s1  }
0xe4: {  	s0 =	simm.s32 @!p0 $0x1  }
0xe5: {  	_ =	swait.ge @!p0 [sflag:s0], s1  }
0xe6: {  	s1 =	ssub.s32 @!p0 $0x0, s1;
	[sflag:s0] =	ssyncset.done @!p0 $0x0  }
0xe7: {  	[sflag:s0] =	ssyncadd.s32 @!p0 s1  }
0xe8: {  	[bflag:$0x3] =	sbarrier.arrive $0xFFFF  }
0xe9: {  	_ =	shalt  }

// kernel: kernel.9.cloned.1.call-start
scs
__scs_entry_jumppad:
0x0: {  	(pc) =	sbr.rel $0x88, $3  }
0x1: {  	(tag) =	ssettag $0x0;
	lr =	simm.s32 $0x1  }
0x2: {  	[smem:$0x3F9A] =	sst lr;
	_ =	strace $0xD0000000  }
0x3: {  	_ = 	snop  }
0x4: {  	_ = 	snop  }
0x5: {  	_ = 	snop  }
0x6: {  	_ = 	snop  }
0x7: {  	_ = 	snop  }
__scs_overlays_trampoline_lowered:
0x8: {  	[smem:$0x3FA9] =	sst s0  }
0x9: {  	[smem:$0x3FAA] =	sst s1  }
0xa: {  	[smem:$0x3FAB] =	sst s2  }
0xb: {  	[smem:$0x3FAC] =	sst s3  }
0xc: {  	[smem:$0x3FAD] =	sst s4  }
0xd: {  	[smem:$0x3FAE] =	sst s5  }
0xe: {  	[smem:$0x3FAF] =	sst s6  }
0xf: {  	[smem:$0x3FB0] =	sst s7  }
0x10: {  	[smem:$0x3FB1] =	sst s8  }
0x11: {  	[smem:$0x3FB2] =	sst s9;
	s0 =	simm.s32 @!p0 $0x0  }
0x12: {  	s1 =	sld [smem:$0x3F98];
	s0 =	simm.s32 @p0 $0x1  }
0x13: {  	[smem:$0x3FB3] =	sst s0;
	s0 =	simm.s32 @!p1 $0x0  }
0x14: {  	s2 =	sld [smem:$0x3F97];
	s0 =	simm.s32 @p1 $0x1  }
0x15: {  	[smem:$0x3FB4] =	sst s0;
	s0 =	simm.s32 @!p2 $0x0  }
0x16: {  	s3 =	sld [smem:$0x3FDB];
	s0 =	simm.s32 @p2 $0x1  }
0x17: {  	s4 =	simm.s32 $0x1BF5;
	[smem:$0x3FB6] =	sst s0  }
0x18: {  	s0 =	sld [smem:$0x3F99];
	_ =	swait.ge [sflag:s4], $0x0  }
0x19: {  	s7 =	sld [smem:$0x3F9A]  }
0x1a: {  	s8 =	sadd.s32 $0xFFFFE003, lr  }
0x1b: {  	s9 =	sadd.s32 $0xFFFFFEF7, lr;
	s5 =	simm.s32 $0xFFFFFFFF;
	p2 =	slt.u32 s8, $0xFFFFF086  }
0x1c: {  	p1 =	slt.u32 s9, $0xF7A;
	s5 =	simm.s32 @!p2 $0x0  }
0x1d: {  	s5 =	simm.s32 @p1 $0x1;
	p0 =	seq.s32 s7, s2  }
0x1e: {  	s7 =	smul.u32 @!p0 $0xF7A, s2;
	p2 =	seq.s32 @!p0 s5, $0x0  }
0x1f: {  	s9 =	smul.u32 $0xF7A, s1;
	s8 =	simm.s32 @!p0 $0x1BF5;
	p2 =	por !p2, p0  }
0x20: {  	[sflag:s8] =	ssyncset.s32 @!p0 $0xFFFFF086;
	s6 =	sadd.s32 @!p0 s3, s7;
	s7 =	simm.s32 @!p0 $0x108  }
0x21: {  	s3 =	sadd.s32 s3, s9;
	s6 =	sadd.s32 @!p0 $0x88, s6;
	s7 =	simm.s32 @p2 $0x1082  }
0x22: {  	[simem:s7], [sflag:s8] =	dma.local @!p0 [hbm:s6], $0xF7A  }
0x23: {  	s9 =	sor.u32 $0xD0000000, s2;
	s6 =	simm.s32 $0x108;
	_ =	swait.ge @!p0 [sflag:s8], $0x0  }
0x24: {  	s3 =	sadd.s32 $0x88, s3;
	s6 =	simm.s32 @!p1 $0x1082;
	[sflag:s4] =	ssyncset.s32 $0xFFFFF086  }
0x25: {  	[simem:s6], [sflag:s4] =	dma.local [hbm:s3], $0xF7A  }
0x26: {  	[smem:$0x3F9A] =	sst s1;
	(tag) =	ssettag s2;
	_ =	strace s9  }
0x27: {  	s1 =	sld [smem:$0x3FAA]  }
0x28: {  	s2 =	sld [smem:$0x3FAB]  }
0x29: {  	s4 =	sld [smem:$0x3FAD]  }
0x2a: {  	p0 =	seq.s32 s5, $0x0;
	s5 =	sld [smem:$0x3FAE]  }
0x2b: {  	s6 =	sld [smem:$0x3FAF]  }
0x2c: {  	s7 =	sld [smem:$0x3FB0]  }
0x2d: {  	s3 =	simm.s32 $0x108;
	s8 =	sld [smem:$0x3FB1]  }
0x2e: {  	s3 =	simm.s32 @!p0 $0x1082;
	s9 =	sld [smem:$0x3FB2]  }
0x2f: {  	lr =	sadd.s32 s0, s3;
	s0 =	sld [smem:$0x3FA9]  }
0x30: {  	s3 =	sld [smem:$0x3FAC]  }
0x31: {  	[smem:$0x3FB5] =	sst s10  }
0x32: {  	s10 =	sld [smem:$0x3FB3];
	_ =	sdelay $0x3  }
0x33: {  	p0 =	seq.s32 s10, $0x1;
	s10 =	sld [smem:$0x3FB5];
	_ =	sdelay $0x3  }
0x34: {  	[smem:$0x3FB5] =	sst s10  }
0x35: {  	s10 =	sld [smem:$0x3FB4];
	_ =	sdelay $0x3  }
0x36: {  	p1 =	seq.s32 s10, $0x1;
	s10 =	sld [smem:$0x3FB5];
	_ =	sdelay $0x3  }
0x37: {  	[smem:$0x3FB5] =	sst s10  }
0x38: {  	s10 =	sld [smem:$0x3FB6]  }
0x39: {  	_ = 	snop;
	(pc) =	sbr.ind lr, $3  }
0x3a: {  	_ = 	snop  }
0x3b: {  	_ = 	snop  }
0x3c: {  	p2 =	seq.s32 s10, $0x1;
	s10 =	sld [smem:$0x3FB5]  }
0x3d: {  	_ =	shalt  }
0x3e: {  	_ =	shalt  }
0x3f: {  	_ =	shalt  }
0x40: {  	_ =	shalt  }
0x41: {  	_ =	shalt  }
0x42: {  	_ =	shalt  }
0x43: {  	_ =	shalt  }
0x44: {  	_ =	shalt  }
0x45: {  	_ =	shalt  }
0x46: {  	_ =	shalt  }
0x47: {  	_ =	shalt  }
0x48: {  	_ =	shalt  }
0x49: {  	_ =	shalt  }
0x4a: {  	_ =	shalt  }
0x4b: {  	_ =	shalt  }
0x4c: {  	_ =	shalt  }
0x4d: {  	_ =	shalt  }
0x4e: {  	_ =	shalt  }
0x4f: {  	_ =	shalt  }
0x50: {  	_ =	shalt  }
0x51: {  	_ =	shalt  }
0x52: {  	_ =	shalt  }
0x53: {  	_ =	shalt  }
0x54: {  	_ =	shalt  }
0x55: {  	_ =	shalt  }
0x56: {  	_ =	shalt  }
0x57: {  	_ =	shalt  }
0x58: {  	_ =	shalt  }
0x59: {  	_ =	shalt  }
0x5a: {  	_ =	shalt  }
0x5b: {  	_ =	shalt  }
0x5c: {  	_ =	shalt  }
0x5d: {  	_ =	shalt  }
0x5e: {  	_ =	shalt  }
0x5f: {  	_ =	shalt  }
0x60: {  	_ =	shalt  }
0x61: {  	_ =	shalt  }
0x62: {  	_ =	shalt  }
0x63: {  	_ =	shalt  }
0x64: {  	_ =	shalt  }
0x65: {  	_ =	shalt  }
0x66: {  	_ =	shalt  }
0x67: {  	_ =	shalt  }
0x68: {  	_ =	shalt  }
0x69: {  	_ =	shalt  }
0x6a: {  	_ =	shalt  }
0x6b: {  	_ =	shalt  }
0x6c: {  	_ =	shalt  }
0x6d: {  	_ =	shalt  }
0x6e: {  	_ =	shalt  }
0x6f: {  	_ =	shalt  }
0x70: {  	_ =	shalt  }
0x71: {  	_ =	shalt  }
0x72: {  	_ =	shalt  }
0x73: {  	_ =	shalt  }
0x74: {  	_ =	shalt  }
0x75: {  	_ =	shalt  }
0x76: {  	_ =	shalt  }
0x77: {  	_ =	shalt  }
0x78: {  	_ =	shalt  }
0x79: {  	_ =	shalt  }
0x7a: {  	_ =	shalt  }
0x7b: {  	_ =	shalt  }
0x7c: {  	_ =	shalt  }
0x7d: {  	_ =	shalt  }
0x7e: {  	_ =	shalt  }
0x7f: {  	_ =	shalt  }
0x80: {  	_ =	shalt  }
0x81: {  	_ =	shalt  }
0x82: {  	_ =	shalt  }
0x83: {  	_ =	shalt  }
0x84: {  	_ =	shalt  }
0x85: {  	_ =	shalt  }
0x86: {  	_ =	shalt  }
0x87: {  	_ =	shalt  }
.Lfunc_end0:
.L_simem_size_0:
called_computation_lowered:
.L_overlay_start_0:
0x88: {  	s2 =	sld [smem:$0x3FD9]  }
0x89: {  	s3 =	sld [smem:$0x3FFE];
	_ =	sdelay $0x1  }
0x8a: {  	s1 =	srdreg.scid  }
0x8b: {  	s0 =	sand.u32 $0x1, s1  }
0x8c: {  	s17 =	sshll.u32 s0, $0xA;
	s2 =	sadd.s32 s3, s2  }
0x8d: {  	s2 =	sadd.s32 s2, s17  }
0x8e: {  	[smem:$0x3FC1] =	sst s2  }
0x8f: {  	_ = 	snop  }
0x90: {  	s18 =	sld [smem:$0x3FD0];
	(tm) =	ssettm $0x1  }
0x91: {  	s19 =	sld [smem:$0x3FFB];
	_ =	sdelay $0x3  }
0x92: {  	_ =	strace s19  }
0x93: {  	s2 =	sld [smem:$0x3FFC];
	_ =	sdelay $0x3  }
0x94: {  	_ =	strace s2  }
0x95: {  	s2 =	sld [smem:$0x3FFD];
	_ =	sdelay $0x3  }
0x96: {  	_ =	strace s2  }
0x97: {  	_ =	strace $0x8FFFFFFF  }
0x98: {  	s20 =	sld [smem:$0x3FDB];
	_ =	sdelay $0x1  }
0x99: {  	s4 =	simm.s32 $_scs_section_size  }
0x9a: {  	s5 =	simm.s32 $_size__tile_overlayer_lowered;
	s6 =	simm.s32 $_tile_overlayer_lowered  }
0x9b: {  	s7 =	simm.s32 $0x1BFF;
	s21 =	sshll.u32 s6, $0x1;
	s4 =	sadd.s32 s4, s20  }
0x9c: {  	s22 =	simm.s32 $0x0;
	s5 =	sshll.u32 s5, $0x1;
	s6 =	sadd.s32 s21, s4  }
0x9d: {  	[timem:s22], [sflag:s7] =	dma.local [hbm:s6], s5  }
0x9e: {  	_ =	swait.ge [sflag:s7], s5  }
0x9f: {  	s5 =	ssub.s32 $0x0, s5;
	[sflag:s7] =	ssyncset.done $0x0  }
0xa0: {  	[sflag:s7] =	ssyncadd.s32 s5;
	_ =	sdelay $0x1  }
0xa1: {  	s23 =	simm.s32 $0x1B8B  }
0xa2: {  	_ =	swait.ge [sflag:s23], $0x1  }
0xa3: {  	[sflag:s23] =	ssyncset.done $0x0  }
0xa4: {  	[sflag:s23] =	ssyncadd.s32 $0xFFFFFFFF  }
0xa5: {  	s5 =	sld [smem:$0x0]  }
0xa6: {  	s6 =	sand.u32 $0xFFFFFFFE, s1  }
0xa7: {  	p0 =	sne.s32 s1, s6  }
0xa8: {  	s6 =	sshll.u32 @p0 s6, $0xE  }
0xa9: {  	s6 =	sadd.s32 @p0 $0x11B8D, s6;
	s7 =	sshll.u32 @p0 s5, $0x11  }
0xaa: {  	s6 =	sor.u32 @p0 s7, s6  }
0xab: {  	[sflag:s6] =	ssyncadd.remote.s32 @p0 $0x1;
	_ =	sdelay $0x1  }
0xac: {  	s6 =	simm.s32 @p0 $0x1B8D  }
0xad: {  	_ =	swait.eq @p0 [sflag:s6], $0x1  }
0xae: {  	[sflag:s6] =	ssyncadd.s32 @p0 $0xFFFFFFFF  }
0xaf: {  	s7 =	sshll.u32 @!p0 s1, $0xE  }
0xb0: {  	s7 =	sor.u32 @!p0 $0x4000, s7;
	s6 =	simm.s32 @!p0 $0x1B8D  }
0xb1: {  	s5 =	sshll.u32 @!p0 s5, $0x11;
	s7 =	sadd.s32 @!p0 $0x11B8D, s7;
	_ =	swait.eq @!p0 [sflag:s6], $0x1  }
0xb2: {  	s5 =	sor.u32 @!p0 s5, s7;
	[sflag:s6] =	ssyncadd.s32 @!p0 $0xFFFFFFFF  }
0xb3: {  	s25 =	simm.s32 $0x1B8E;
	s24 =	sld [smem:$0x3FFE];
	[sflag:s5] =	ssyncadd.remote.s32 @!p0 $0x1  }
0xb4: {  	s26 =	simm.s32 $execute0_lowered;
	[smem:$0x3FD2] =	sst s25  }
0xb5: {  	s6 =	sshll.u32 s26, $0x1;
	_ =	strace $0x80000049;
	[dreg:$0x1] =	wrdreg $0xFFFFFFFF  }
0xb6: {  	s28 =	simm.s32 $_size_execute0_lowered;
	s4 =	sadd.s32 s4, s6;
	[dreg:$0x0] =	wrdreg $0x0  }
0xb7: {  	s6 =	sshll.u32 s28, $0x1;
	[dreg:$0x2] =	wrdreg s4  }
0xb8: {  	[dreg:$0x3] =	wrdreg s6  }
0xb9: {  	[dreg:$0x4] =	wrdreg $0xC0  }
0xba: {  	_ =	task [dreg:s22], $0x5FFFF  }
0xbb: {  	[dreg:$0x1] =	wrdreg $0xFFFFFFFF  }
0xbc: {  	[dreg:$0x0] =	wrdreg $0x60  }
0xbd: {  	[dreg:$0x2] =	wrdreg s18  }
0xbe: {  	[dreg:$0x3] =	wrdreg s24  }
0xbf: {  	[dreg:$0x4] =	wrdreg $0x9  }
0xc0: {  	_ =	task.clear_ibuf [dreg:s22], $0x5FFFF;
	_ =	strace $0x90000049  }
0xc1: {  	s29 =	simm.s32 $0x9;
	_ =	strace $0x8000004B  }
0xc2: {  	_ =	swait.ge [sflag:s29], $0x1  }
0xc3: {  	[sflag:s29] =	ssyncadd.s32 $0xFFFFFFFF  }
0xc4: {  	_ =	strace $0x9000004B  }
0xc5: {  	_ =	sfence  }
0xc6: {  	s30 =	sld [smem:$0x0];
	_ =	sdelay $0x2  }
0xc7: {  	s31 =	sshll.u32 s1, $0xD;
	s1 =	sshrl.u32 s1, $0x2  }
0xc8: {  	s4 =	sand.u32 $0x4000, s31;
	s1 =	sadd.s32 s1, s30  }
0xc9: {  	s0 =	sor.u32 s4, s0;
	s1 =	sshll.u32 s1, $0x11  }
0xca: {  	s0 =	sor.u32 s1, s0  }
0xcb: {  	s0 =	sadd.s32 $0x8F2B, s0  }
0xcc: {  	[sflag:s0] =	ssyncadd.remote.s32 $0x1  }
0xcd: {  	_ =	sfence.sel $0xFFFF  }
0xce: {  	[dreg:$0x0] =	wrdreg $0xFFFFFFFF;
	(pc) =	sbr.abs _section_cstart, $3  }
0xcf: {  	[dreg:$0x1] =	wrdreg $0xFFFFFFFF  }
0xd0: {  	_ =	task.clear_ibuf [dreg:s22], $0x2FFFF;
	_ =	strace $0x9FFFFFFF  }
0xd1: {  	(tm) =	ssettm $0x7FFFFFFF  }
tec
execute0_lowered:
.L_overlay_start_1:
0x0: {  	(tag) =	ssettag $0x1  }
0x1: {  	s2 =	rddreg [dreg:$0x0]  }
0x2: {  	s4 =	rddreg [dreg:$0x1]  }
0x3: {  	s0 =	rddreg [dreg:$0x2]  }
0x4: {  	s1 =	stileid.u32;
	s6 =	srdreg.scid;
	s3 =	simm.s32 $0x0  }
0x5: {  	s11 =	simm.s32 $0x100;
	s12 =	simm.s32 $0x1380;
	s13 =	simm.s32 $0x180  }
0x6: {  	s14 =	simm.s32 $0x1B80;
	s15 =	simm.s32 $0x200;
	s16 =	simm.s32 $0x2380  }
0x7: {  	s17 =	simm.s32 $0x280;
	s18 =	simm.s32 $0x2B80;
	s19 =	simm.s32 $0x300  }
0x8: {  	s20 =	simm.s32 $0x3380;
	s21 =	simm.s32 $0x1;
	s5 =	smul.u32 $0x620, s1  }
0x9: {  	s22 =	simm.s32 $0x0;
	s7 =	smul.u32 $0x6200, s1;
	s6 =	sand.u32 $0x1, s6  }
0xa: {  	[smem:$0x7FF] =	sst s3;
	s8 =	ssub.s32 $0x2, s6;
	s9 =	smul.u32 $0x3100, s6  }
0xb: {  	_ =	strace $0x8000004A;
	s6 =	smul.u32 $0x310, s6;
	s10 =	sshrl.u32 s8, $0x1  }
0xc: {  	s5 =	sadd.s32 s5, s4;
	s7 =	sadd.s32 s7, s4;
	s31 =	ssub.s32 s8, s10  }
0xd: {  	s7 =	sadd.s32 s9, s7;
	s6 =	sadd.s32 s6, s5;
	s8 =	simm.s32 $0x80  }
0xe: {  	s9 =	simm.s32 $0x380;
	s10 =	simm.s32 $0xB80;
	s4 =	smax.u32 s31, $0x1  }
0xf: {  	s5 =	sadd.s32 $0x141A00, s7;
	s6 =	sadd.s32 $0xC7200, s6;
	s7 =	simm.s32 $0x2  }
.LBB2_1:
0x10: {  	s23 =	sadd.s32 $0x0, s6  }
0x11: {  	[tilespmem:s3], [sflag:$0x2] =	stream.linear.gather [hbm4b:s23+s3], $0x380, $0x38;
	[tilespmem:$0x3B80] =	vst v63  }
0x12: {  	_ =	swait.ge [sflag:s7], $0x380  }
0x13: {  	[sflag:s7] =	ssyncset.done $0x0  }
0x14: {  	[sflag:s7] =	ssyncadd.s32 $0xFFFFFC80  }
0x15: {  	[tilespmem:s9], [sflag:$0x1] =	stream.indirect.gather [hbm4b:s2+s8], $0x10, s3, s8, $0xb8;
	[tilespmem:$0x3B80] =	vst v63  }
0x16: {  	_ = 	snop  }
0x17: {  	[tilespmem:s10], [sflag:$0x1] =	stream.indirect.gather [hbm4b:s2+s8], $0x10, s8, s8, $0xb8;
	[tilespmem:$0x3B80] =	vst v63  }
0x18: {  	_ = 	snop  }
0x19: {  	[tilespmem:s12], [sflag:$0x1] =	stream.indirect.gather [hbm4b:s2+s8], $0x10, s11, s8, $0xb8;
	[tilespmem:$0x3B80] =	vst v63  }
0x1a: {  	_ = 	snop  }
0x1b: {  	[tilespmem:s14], [sflag:$0x1] =	stream.indirect.gather [hbm4b:s2+s8], $0x10, s13, s8, $0xb8;
	[tilespmem:$0x3B80] =	vst v63  }
0x1c: {  	_ = 	snop  }
0x1d: {  	[tilespmem:s16], [sflag:$0x1] =	stream.indirect.gather [hbm4b:s2+s8], $0x10, s15, s8, $0xb8;
	[tilespmem:$0x3B80] =	vst v63  }
0x1e: {  	_ = 	snop  }
0x1f: {  	[tilespmem:s18], [sflag:$0x1] =	stream.indirect.gather [hbm4b:s2+s8], $0x10, s17, s8, $0xb8;
	[tilespmem:$0x3B80] =	vst v63  }
0x20: {  	_ = 	snop  }
0x21: {  	[tilespmem:s20], [sflag:$0x1] =	stream.indirect.gather [hbm4b:s2+s8], $0x10, s19, s8, $0xb8;
	[tilespmem:$0x3B80] =	vst v63  }
0x22: {  	_ =	swait.ge [sflag:s21], $0x800  }
0x23: {  	[sflag:s21] =	ssyncset.done $0x0  }
0x24: {  	[sflag:s21] =	ssyncadd.s32 $0xFFFFF800  }
0x25: {  	_ =	swait.ge [sflag:s21], $0x800  }
0x26: {  	[sflag:s21] =	ssyncset.done $0x0  }
0x27: {  	[sflag:s21] =	ssyncadd.s32 $0xFFFFF800  }
0x28: {  	_ =	swait.ge [sflag:s21], $0x800  }
0x29: {  	[sflag:s21] =	ssyncset.done $0x0  }
0x2a: {  	[sflag:s21] =	ssyncadd.s32 $0xFFFFF800  }
0x2b: {  	_ =	swait.ge [sflag:s21], $0x800  }
0x2c: {  	[sflag:s21] =	ssyncset.done $0x0  }
0x2d: {  	[sflag:s21] =	ssyncadd.s32 $0xFFFFF800  }
0x2e: {  	_ =	swait.ge [sflag:s21], $0x800  }
0x2f: {  	[sflag:s21] =	ssyncset.done $0x0  }
0x30: {  	[sflag:s21] =	ssyncadd.s32 $0xFFFFF800  }
0x31: {  	_ =	swait.ge [sflag:s21], $0x800  }
0x32: {  	[sflag:s21] =	ssyncset.done $0x0  }
0x33: {  	[sflag:s21] =	ssyncadd.s32 $0xFFFFF800  }
0x34: {  	_ =	swait.ge [sflag:s21], $0x800  }
0x35: {  	[sflag:s21] =	ssyncset.done $0x0  }
0x36: {  	[sflag:s21] =	ssyncadd.s32 $0xFFFFF800  }
0x37: {  	[hbm4b:s5+s3] =	stream.linear.scatter [tilespmem:s9], [sflag:$0x2], $0x3800, $0x38;
	[tilespmem:$0x3B80] =	vst v63  }
0x38: {  	s24 =	simm.s32 $0x70;
	_ =	swait.ge [sflag:s7], $0x3800  }
0x39: {  	s26 =	simm.s32 $0xE0;
	s23 =	sadd.s32 $0x700, s5;
	[sflag:s7] =	ssyncset.done $0x0  }
.LBB2_2:
0x3a: {  	s28 =	sadd.s32 s24, s6  }
0x3b: {  	[sflag:s7] =	ssyncadd.s32 $0xFFFFC800;
	s24 =	smov.u32 s26;
	s25 =	sadd.s32 $0x70, s26  }
0x3c: {  	[tilespmem:s3], [sflag:$0x2] =	stream.linear.gather [hbm4b:s28+s3], $0x380, $0x38;
	[tilespmem:$0x3B80] =	vst v63  }
0x3d: {  	p0 =	sne.s32 s26, $0x2A0;
	_ =	swait.ge [sflag:s7], $0x380  }
0x3e: {  	[sflag:s7] =	ssyncset.done $0x0  }
0x3f: {  	[sflag:s7] =	ssyncadd.s32 $0xFFFFFC80  }
0x40: {  	[tilespmem:s9], [sflag:$0x1] =	stream.indirect.gather [hbm4b:s2+s8], $0x10, s3, s8, $0xb8;
	[tilespmem:$0x3B80] =	vst v63  }
0x41: {  	_ = 	snop  }
0x42: {  	[tilespmem:s10], [sflag:$0x1] =	stream.indirect.gather [hbm4b:s2+s8], $0x10, s8, s8, $0xb8;
	[tilespmem:$0x3B80] =	vst v63  }
0x43: {  	_ = 	snop  }
0x44: {  	[tilespmem:s12], [sflag:$0x1] =	stream.indirect.gather [hbm4b:s2+s8], $0x10, s11, s8, $0xb8;
	[tilespmem:$0x3B80] =	vst v63  }
0x45: {  	_ = 	snop  }
0x46: {  	[tilespmem:s14], [sflag:$0x1] =	stream.indirect.gather [hbm4b:s2+s8], $0x10, s13, s8, $0xb8;
	[tilespmem:$0x3B80] =	vst v63  }
0x47: {  	_ = 	snop  }
0x48: {  	[tilespmem:s16], [sflag:$0x1] =	stream.indirect.gather [hbm4b:s2+s8], $0x10, s15, s8, $0xb8;
	[tilespmem:$0x3B80] =	vst v63  }
0x49: {  	_ = 	snop  }
0x4a: {  	[tilespmem:s18], [sflag:$0x1] =	stream.indirect.gather [hbm4b:s2+s8], $0x10, s17, s8, $0xb8;
	[tilespmem:$0x3B80] =	vst v63  }
0x4b: {  	_ = 	snop  }
0x4c: {  	[tilespmem:s20], [sflag:$0x1] =	stream.indirect.gather [hbm4b:s2+s8], $0x10, s19, s8, $0xb8;
	[tilespmem:$0x3B80] =	vst v63  }
0x4d: {  	_ =	swait.ge [sflag:s21], $0x800  }
0x4e: {  	[sflag:s21] =	ssyncset.done $0x0  }
0x4f: {  	[sflag:s21] =	ssyncadd.s32 $0xFFFFF800  }
0x50: {  	_ =	swait.ge [sflag:s21], $0x800  }
0x51: {  	[sflag:s21] =	ssyncset.done $0x0  }
0x52: {  	[sflag:s21] =	ssyncadd.s32 $0xFFFFF800  }
0x53: {  	_ =	swait.ge [sflag:s21], $0x800  }
0x54: {  	[sflag:s21] =	ssyncset.done $0x0  }
0x55: {  	[sflag:s21] =	ssyncadd.s32 $0xFFFFF800  }
0x56: {  	_ =	swait.ge [sflag:s21], $0x800  }
0x57: {  	[sflag:s21] =	ssyncset.done $0x0  }
0x58: {  	[sflag:s21] =	ssyncadd.s32 $0xFFFFF800  }
0x59: {  	_ =	swait.ge [sflag:s21], $0x800  }
0x5a: {  	[sflag:s21] =	ssyncset.done $0x0  }
0x5b: {  	[sflag:s21] =	ssyncadd.s32 $0xFFFFF800  }
0x5c: {  	_ =	swait.ge [sflag:s21], $0x800  }
0x5d: {  	[sflag:s21] =	ssyncset.done $0x0  }
0x5e: {  	[sflag:s21] =	ssyncadd.s32 $0xFFFFF800  }
0x5f: {  	_ =	swait.ge [sflag:s21], $0x800  }
.Ltmp0:
0x60: {  	[sflag:s21] =	ssyncset.done $0x0;
	(pc) =	sbr.rel @p0 .LBB2_2-.Ltmp0, $4  }
0x61: {  	[sflag:s21] =	ssyncadd.s32 $0xFFFFF800  }
0x62: {  	[hbm4b:s23+s3] =	stream.linear.scatter [tilespmem:s9], [sflag:$0x2], $0x3800, $0x38;
	[tilespmem:$0x3B80] =	vst v63  }
0x63: {  	_ =	swait.ge [sflag:s7], $0x3800  }
0x64: {  	s26 =	smov.u32 s25;
	s23 =	sadd.s32 $0x700, s23;
	[sflag:s7] =	ssyncset.done $0x0  }
0x65: {  	s24 =	sadd.s32 s24, s6;
	[sflag:s7] =	ssyncadd.s32 $0xFFFFC800  }
0x66: {  	[tilespmem:s3], [sflag:$0x2] =	stream.linear.gather [hbm4b:s24+s3], $0x380, $0x38;
	[tilespmem:$0x3B80] =	vst v63  }
0x67: {  	_ =	swait.ge [sflag:s7], $0x380  }
0x68: {  	[sflag:s7] =	ssyncset.done $0x0  }
0x69: {  	[sflag:s7] =	ssyncadd.s32 $0xFFFFFC80  }
0x6a: {  	[tilespmem:s9], [sflag:$0x1] =	stream.indirect.gather [hbm4b:s2+s8], $0x10, s3, s8, $0xb8;
	[tilespmem:$0x3B80] =	vst v63  }
0x6b: {  	_ = 	snop  }
0x6c: {  	[tilespmem:s10], [sflag:$0x1] =	stream.indirect.gather [hbm4b:s2+s8], $0x10, s8, s8, $0xb8;
	[tilespmem:$0x3B80] =	vst v63  }
0x6d: {  	_ = 	snop  }
0x6e: {  	[tilespmem:s12], [sflag:$0x1] =	stream.indirect.gather [hbm4b:s2+s8], $0x10, s11, s8, $0xb8;
	[tilespmem:$0x3B80] =	vst v63  }
0x6f: {  	_ = 	snop  }
0x70: {  	[tilespmem:s14], [sflag:$0x1] =	stream.indirect.gather [hbm4b:s2+s8], $0x10, s13, s8, $0xb8;
	[tilespmem:$0x3B80] =	vst v63  }
0x71: {  	_ = 	snop  }
0x72: {  	[tilespmem:s16], [sflag:$0x1] =	stream.indirect.gather [hbm4b:s2+s8], $0x10, s15, s8, $0xb8;
	[tilespmem:$0x3B80] =	vst v63  }
0x73: {  	_ = 	snop  }
0x74: {  	[tilespmem:s18], [sflag:$0x1] =	stream.indirect.gather [hbm4b:s2+s8], $0x10, s17, s8, $0xb8;
	[tilespmem:$0x3B80] =	vst v63  }
0x75: {  	_ = 	snop  }
0x76: {  	[tilespmem:s20], [sflag:$0x1] =	stream.indirect.gather [hbm4b:s2+s8], $0x10, s19, s8, $0xb8;
	[tilespmem:$0x3B80] =	vst v63  }
0x77: {  	_ =	swait.ge [sflag:s21], $0x800  }
0x78: {  	[sflag:s21] =	ssyncset.done $0x0  }
0x79: {  	[sflag:s21] =	ssyncadd.s32 $0xFFFFF800  }
0x7a: {  	_ =	swait.ge [sflag:s21], $0x800  }
0x7b: {  	[sflag:s21] =	ssyncset.done $0x0  }
0x7c: {  	[sflag:s21] =	ssyncadd.s32 $0xFFFFF800  }
0x7d: {  	_ =	swait.ge [sflag:s21], $0x800  }
0x7e: {  	[sflag:s21] =	ssyncset.done $0x0  }
0x7f: {  	[sflag:s21] =	ssyncadd.s32 $0xFFFFF800  }
0x80: {  	_ =	swait.ge [sflag:s21], $0x800  }
0x81: {  	[sflag:s21] =	ssyncset.done $0x0  }
0x82: {  	[sflag:s21] =	ssyncadd.s32 $0xFFFFF800  }
0x83: {  	_ =	swait.ge [sflag:s21], $0x800  }
0x84: {  	[sflag:s21] =	ssyncset.done $0x0  }
0x85: {  	[sflag:s21] =	ssyncadd.s32 $0xFFFFF800  }
0x86: {  	_ =	swait.ge [sflag:s21], $0x800  }
0x87: {  	[sflag:s21] =	ssyncset.done $0x0  }
0x88: {  	[sflag:s21] =	ssyncadd.s32 $0xFFFFF800  }
0x89: {  	s22 =	sadd.s32 $0x1, s22;
	_ =	swait.ge [sflag:s21], $0x800  }
0x8a: {  	p0 =	sne.s32 s22, s4;
	[sflag:s21] =	ssyncset.done $0x0  }
.Ltmp1:
0x8b: {  	[sflag:s21] =	ssyncadd.s32 $0xFFFFF800;
	(pc) =	sbr.rel @p0 .LBB2_1-.Ltmp1, $4  }
0x8c: {  	[hbm4b:s23+s3] =	stream.linear.scatter [tilespmem:s9], [sflag:$0x2], $0x3800, $0x38;
	[tilespmem:$0x3B80] =	vst v63  }
0x8d: {  	_ =	swait.ge [sflag:s7], $0x3800  }
0x8e: {  	[sflag:s7] =	ssyncset.done $0x0  }
0x8f: {  	[sflag:s7] =	ssyncadd.s32 $0xFFFFC800  }
0x90: {  	_ =	sfence.sel $0x180000  }
0x91: {  	[bflag:$0x0] =	sbarrier.arrive $0xFFFF  }
0x92: {  	p0 =	sne.s32 s1, $0x0;
	_ =	strace $0x9000004A  }
0x93: {  	s0 =	sadd.s32 @!p0 $0x100000, s0;
	[bflag:$0x2] =	sbarrier.arrive $0xFFFF  }
0x94: {  	[sflag:s0] =	ssyncadd.tile.s32 @!p0 $0x1;
	_ =	shalt  }
.Lfunc_end2:
_tile_overlayer_lowered:
.L_overlay_start_2:
0x95: {  	(tag) =	ssettag $0x2  }
0x96: {  	s0 =	rddreg [dreg:$0x0];
	s2 =	stileid.u32  }
0x97: {  	s1 =	rddreg [dreg:$0x1];
	p0 =	sne.s32 s2, $0x0  }
0x98: {  	s3 =	rddreg [dreg:$0x2];
	[bflag:$0x3] =	sbarrier.arrive $0xFFFF;
	s2 =	simm.s32 @!p0 $0x1C02  }
0x99: {  	[timem:s3], [sflag:s2] =	dma.local @!p0 [hbm:s0], s1  }
0x9a: {  	s0 =	simm.s32 @!p0 $0x2  }
0x9b: {  	_ =	swait.ge @!p0 [sflag:s0], s1  }
0x9c: {  	s1 =	ssub.s32 @!p0 $0x0, s1;
	[sflag:s0] =	ssyncset.done @!p0 $0x0  }
0x9d: {  	[sflag:s0] =	ssyncadd.s32 @!p0 s1  }
0x9e: {  	[bflag:$0x3] =	sbarrier.arrive $0xFFFF  }
0x9f: {  	_ =	shalt  }

</sc_bundles>
